<compile_context>
chip_gen: v7x
topology: tpu7x:2x2x1
jax: 0.10.2.dev20260603
libtpu: 0.0.44.dev20260713+nightly
codegen_flags: <defaults>
</compile_context>

<pallas_src>
import dataclasses

import jax
import jax.numpy as jnp
from jax.experimental import pallas as pl
from jax.experimental.pallas import tpu as pltpu
from jax.experimental.pallas import tpu_sc as plsc

_L = 4
_N = 256
_S = 16
_H = 8
_IB = 8
_JB = 128
_NC = 2
_NW = 32
_RPW = 2
_SC_ROWS_PER_L = _NW * _RPW // _L
_TC_ROWS = _N - _SC_ROWS_PER_L


def _tc_body(spt_ref, st_ref, spw_ref, edw_ref, out_ref, spw_scr, edw_scr):
    first = ((pl.program_id(0) == 0) & (pl.program_id(1) == 0)
             & (pl.program_id(2) == 0))

    @pl.when(first)
    def _prep():
        zeros = jnp.zeros((_H, 128), jnp.float32)
        spw_scr[...] = zeros
        edw_scr[...] = zeros
        spw_scr[:, pl.ds(0, 68)] = spw_ref[...]
        edw_scr[:, pl.ds(0, 32)] = edw_ref[...]

    etbs = [jnp.broadcast_to(edw_scr[h, :][None, :], (_IB, _JB))
            for h in range(_H)]
    stbs = [jnp.broadcast_to(spw_scr[h, :][None, :], (_IB, _JB))
            for h in range(_H)]
    cnt = jnp.zeros((_IB, _JB), jnp.int32)
    accs = [jnp.zeros((_IB, _JB), jnp.float32) for _ in range(_H)]
    for s in range(_S):
        x = spt_ref[0, :, s, :]
        m = x >= 0
        cnt = cnt + m.astype(jnp.int32)
        safe = jnp.where(m, x, 32)
        for h in range(_H):
            accs[h] = accs[h] + jnp.take_along_axis(
                etbs[h], safe, axis=1, mode="promise_in_bounds")
    recip = 1.0 / (cnt.astype(jnp.float32) + 1e-6)
    stv = st_ref[0]
    for h in range(_H):
        sp = jnp.take_along_axis(stbs[h], stv, axis=1,
                                 mode="promise_in_bounds")
        out_ref[0, h] = sp + accs[h] * recip


def _sc_body(spt_hbm, st_hbm, spw_hbm, edw_hbm, out_hbm,
             spt_v, st_v, tbl_s, tbl_e, out_v):
    wid = jax.lax.axis_index("s") * _NC + jax.lax.axis_index("c")
    lw = wid // 8
    k = wid % 8
    i0 = _TC_ROWS + k * _RPW
    ti = i0 // 8
    il0 = i0 % 8
    pltpu.sync_copy(spw_hbm, tbl_s)
    pltpu.sync_copy(edw_hbm, tbl_e)
    pltpu.sync_copy(spt_hbm.at[lw, pl.ds(i0, _RPW)], spt_v)
    pltpu.sync_copy(st_hbm.at[lw, ti, :, pl.ds(il0, _RPW)], st_v)

    hvecs = [jnp.full((16,), h, jnp.int32) for h in range(_H)]

    @pl.loop(0, _RPW)
    def _row(il):
        @pl.loop(0, 2)
        def _jhalf(jh):
            @pl.loop(0, 8)
            def _grp(jg):
                j0 = jg * 16
                negs = jnp.zeros((16,), jnp.int32)
                accs = [jnp.zeros((16,), jnp.float32) for _ in range(_H)]
                for s in range(_S):
                    xv = spt_v[il, s // 8, jh, s % 8, pl.ds(j0, 16)]
                    safe = jnp.bitwise_and(xv, 127)
                    negs = negs + jax.lax.shift_right_arithmetic(xv, 31)
                    for h in range(_H):
                        g = plsc.load_gather(tbl_e, [hvecs[h], safe])
                        accs[h] = accs[h] + g
                cnt = (_S + negs).astype(jnp.float32)
                recip = 1.0 / (cnt + 1e-6)
                stv = st_v[jh, il, pl.ds(j0, 16)]
                for h in range(_H):
                    sp = plsc.load_gather(tbl_s, [hvecs[h], stv])
                    out_v[h, jh, il, pl.ds(j0, 16)] = sp + accs[h] * recip

    pltpu.sync_copy(out_v, out_hbm.at[lw, :, ti - _TC_ROWS // 8, :,
                                      pl.ds(il0, _RPW)])


def kernel(spatial_encoder_weight, edge_dis_encoder_weight, spatial_types,
           shortest_path_types):
    spt_t = jnp.transpose(shortest_path_types, (0, 1, 3, 2))
    spw_t = spatial_encoder_weight.T
    edw_t = edge_dis_encoder_weight.T

    tc_out = pl.pallas_call(
        _tc_body,
        grid=(_L, _TC_ROWS // _IB, _N // _JB),
        in_specs=[
            pl.BlockSpec((1, _IB, _S, _JB), lambda l, i, j: (l, i, 0, j)),
            pl.BlockSpec((1, _IB, _JB), lambda l, i, j: (l, i, j)),
            pl.BlockSpec((_H, 68), lambda l, i, j: (0, 0)),
            pl.BlockSpec((_H, 32), lambda l, i, j: (0, 0)),
        ],
        out_specs=pl.BlockSpec((1, _H, _IB, _JB),
                               lambda l, i, j: (l, 0, i, j)),
        out_shape=jax.ShapeDtypeStruct((_L, _H, _TC_ROWS, _N), jnp.float32),
        scratch_shapes=[pltpu.VMEM((_H, 128), jnp.float32),
                        pltpu.VMEM((_H, 128), jnp.float32)],
    )(spt_t, spatial_types, spw_t, edw_t)

    spt6 = spt_t.reshape(_L, _N, 2, 8, 2, 128).transpose(0, 1, 2, 4, 3, 5)
    st6 = spatial_types.reshape(_L, 32, 8, 2, 128).transpose(0, 1, 3, 2, 4)
    spw_pad = jnp.pad(spw_t, ((0, 0), (0, 60)))
    edw_pad = jnp.pad(edw_t, ((0, 0), (0, 96)))

    cp = pltpu.CompilerParams()
    if "needs_layout_passes" in pltpu.CompilerParams.__dataclass_fields__:
        cp = dataclasses.replace(cp, needs_layout_passes=False)
    sc_mesh = plsc.VectorSubcoreMesh(core_axis_name="c", subcore_axis_name="s")
    sc_out_raw = pl.kernel(
        _sc_body,
        out_type=jax.ShapeDtypeStruct((_L, _H, 2, 2, 8, 128), jnp.float32),
        mesh=sc_mesh,
        compiler_params=cp,
        scratch_types=[
            pltpu.VMEM((_RPW, 2, 2, 8, 128), jnp.int32),
            pltpu.VMEM((2, _RPW, 128), jnp.int32),
            pltpu.VMEM((_H, 128), jnp.float32),
            pltpu.VMEM((_H, 128), jnp.float32),
            pltpu.VMEM((_H, 2, _RPW, 128), jnp.float32),
        ],
    )(spt6, st6, spw_pad, edw_pad)
    sc_tail = sc_out_raw.transpose(0, 1, 2, 4, 3, 5).reshape(
        _L, _H, _N - _TC_ROWS, _N)
    return jnp.concatenate([tc_out, sc_tail], axis=2)

# --- scband reference (transcript-rebuilt; emitter-appended) ---
"""Pipeline reference for scband-hetero-distance-attention-bias-23888608100652 (READ-ONLY COPY).

The authoritative reference and input builder live on the scoring server;
editing this copy changes nothing except your own understanding.
"""

import jax, jax.numpy as jnp
import numpy as np

L = 4          # cfg.gt.layers
N = 256        # nodes in homogeneous graph
S = 16         # cfg.posenc_Hetero_SDAB.num_spatial_types
H = 8          # cfg.gt.n_heads
E = 8          # num_edge_types (len(metadata[1]))


def setup_inputs(seed: int = 0) -> dict:
    key = jax.random.key(seed)
    k1, k2, k3, k4, k5 = jax.random.split(key, 5)
    # precomputed shortest-path distance buckets: length + l*(S+1), already layer-offset
    spatial_types = jax.random.randint(k1, (L, N, N), 0, L * (S + 1), dtype=jnp.int32)
    # shortest-path edge-type sequences, padded with -1 beyond the path length
    lengths = jax.random.randint(k2, (L, N, N), 0, S + 1, dtype=jnp.int32)
    vals = jax.random.randint(k3, (L, N, N, S), 0, L * E, dtype=jnp.int32)
    pos = jnp.arange(S, dtype=jnp.int32)
    shortest_path_types = jnp.where(pos[None, None, None, :] < lengths[..., None], vals, -1)
    # learned embedding tables (normal_(std=0.02) per reset_parameters)
    spatial_encoder_weight = jax.random.normal(k4, (L * (S + 1), H), dtype=jnp.float32) * 0.02
    edge_dis_encoder_weight = jax.random.normal(k5, (L * E, H), dtype=jnp.float32) * 0.02
    return {
        "spatial_encoder_weight": spatial_encoder_weight,
        "edge_dis_encoder_weight": edge_dis_encoder_weight,
        "spatial_types": spatial_types,
        "shortest_path_types": shortest_path_types,
    }


def reference(spatial_encoder_weight, edge_dis_encoder_weight, spatial_types, shortest_path_types):
    # enable_path branch (tensor core of forward; nx/multiprocessing precompute is an input)
    mask = shortest_path_types != -1                                  # [L,N,N,S]
    safe_idx = jnp.where(mask, shortest_path_types, 0)
    # path_encoding[mask,:] = edge_dis_encoder(shortest_path_types[mask]); zeros elsewhere
    enc = jnp.take(edge_dis_encoder_weight, safe_idx, axis=0)        # [L,N,N,S,H] gather
    enc = jnp.where(mask[..., None], enc, 0.0)
    denom = jnp.sum(mask, axis=-1).astype(jnp.float32)[..., None] + 1e-06   # [L,N,N,1]
    path_encoding = jnp.sum(enc, axis=3) / denom                     # [L,N,N,H]
    path_encoding = jnp.transpose(path_encoding, (0, 3, 1, 2))       # LAYER_HEAD_NODE_NODE
    spatial_encodings = jnp.take(spatial_encoder_weight, spatial_types, axis=0)  # [L,N,N,H]
    spatial_encodings = jnp.transpose(spatial_encodings, (0, 3, 1, 2))
    attn_bias = spatial_encodings + path_encoding                    # [L,H,N,N]
    return attn_bias

if __name__ == "__main__":
    import jax
    _d = setup_inputs()
    print(jax.jit(kernel)(*tuple(_d.values())))

</pallas_src>

<mosaic_0001>
#map = affine_map<(d0, d1) -> (0, 0, 0, 0, 0, 0)>
#map1 = affine_map<(d0, d1) -> (0, 0, 0, 0, 0)>
#map2 = affine_map<(d0, d1) -> (0, 0)>
module attributes {stable_mosaic.version = 14 : i64} {
  func.func @_sc_body(%arg0: i32, %arg1: i32, %arg2: memref<4x256x2x2x8x128xi32, #tpu.memory_space<hbm>>, %arg3: memref<4x32x2x8x128xi32, #tpu.memory_space<hbm>>, %arg4: memref<8x128xf32, #tpu.memory_space<hbm>>, %arg5: memref<8x128xf32, #tpu.memory_space<hbm>>, %arg6: memref<4x8x2x2x8x128xf32, #tpu.memory_space<hbm>>, %arg7: memref<2x2x2x8x128xi32, #tpu.memory_space<vmem>>, %arg8: memref<2x2x128xi32, #tpu.memory_space<vmem>>, %arg9: memref<8x128xf32, #tpu.memory_space<vmem>>, %arg10: memref<8x128xf32, #tpu.memory_space<vmem>>, %arg11: memref<8x2x2x128xf32, #tpu.memory_space<vmem>>) attributes {dimension_semantics = [#tpu.dimension_semantics<core_parallel>, #tpu.dimension_semantics<subcore_parallel>], iteration_bounds = array<i64: 2, 16>, scalar_prefetch = 0 : i64, scratch_operands = 5 : i64, tpu.core_type = #tpu.core_type<sc_vector_subcore>, window_params = [{transform_indices = #map}, {transform_indices = #map1}, {transform_indices = #map2}, {transform_indices = #map2}, {transform_indices = #map}]} {
    %mul3A = arith.constant 2 : i32
    %mul3A_0 = arith.muli %arg1, %mul3A : i32
    %add3A = arith.addi %mul3A_0, %arg0 : i32
    %jit3A = arith.constant 8 : i32
    %div3A = arith.divsi %add3A, %jit3A : i32
    %sign3A = arith.constant 0 : i32
    %sign3A_1 = arith.cmpi sgt, %add3A, %sign3A : i32
    %sign3A_2 = arith.extui %sign3A_1 : i1 to i32
    %sign3A_3 = arith.constant 0 : i32
    %sign3A_4 = arith.cmpi slt, %add3A, %sign3A_3 : i32
    %sign3A_5 = arith.extui %sign3A_4 : i1 to i32
    %sign3A_6 = arith.subi %sign3A_2, %sign3A_5 : i32
    %sign3A_7 = arith.constant 0 : i32
    %sign3A_8 = arith.cmpi sgt, %jit3A, %sign3A_7 : i32
    %sign3A_9 = arith.extui %sign3A_8 : i1 to i32
    %sign3A_10 = arith.constant 0 : i32
    %sign3A_11 = arith.cmpi slt, %jit3A, %sign3A_10 : i32
    %sign3A_12 = arith.extui %sign3A_11 : i1 to i32
    %sign3A_13 = arith.subi %sign3A_9, %sign3A_12 : i32
    %ne3A = arith.cmpi ne, %sign3A_6, %sign3A_13 : i32
    %rem3A = arith.remsi %add3A, %jit3A : i32
    %ne3A_14 = arith.constant 0 : i32
    %ne3A_15 = arith.cmpi ne, %rem3A, %ne3A_14 : i32
    %and3A = arith.andi %ne3A, %ne3A_15 : i1
    %sub3A = arith.constant 1 : i32
    %sub3A_16 = arith.subi %div3A, %sub3A : i32
    %select_n3A = arith.select %and3A, %sub3A_16, %div3A : i32
    %jit3A_17 = arith.constant 8 : i32
    %eq3A = arith.constant 0 : i32
    %eq3A_18 = arith.cmpi eq, %jit3A_17, %eq3A : i32
    %jit3A_19 = arith.constant 1 : i32
    %select_n3A_20 = arith.select %eq3A_18, %jit3A_19, %jit3A_17 : i32
    %rem3A_21 = arith.remsi %add3A, %select_n3A_20 : i32
    %ne3A_22 = arith.constant 0 : i32
    %ne3A_23 = arith.cmpi ne, %rem3A_21, %ne3A_22 : i32
    %lt3A = arith.constant 0 : i32
    %lt3A_24 = arith.cmpi slt, %rem3A_21, %lt3A : i32
    %lt3A_25 = arith.constant 0 : i32
    %lt3A_26 = arith.cmpi slt, %select_n3A_20, %lt3A_25 : i32
    %ne3A_27 = arith.xori %lt3A_24, %lt3A_26 : i1
    %and3A_28 = arith.andi %ne3A_27, %ne3A_23 : i1
    %add3A_29 = arith.addi %rem3A_21, %select_n3A_20 : i32
    %select_n3A_30 = arith.select %and3A_28, %add3A_29, %rem3A_21 : i32
    %mul3A_31 = arith.constant 2 : i32
    %mul3A_32 = arith.muli %select_n3A_30, %mul3A_31 : i32
    %add3A_33 = arith.constant 240 : i32
    %add3A_34 = arith.addi %add3A_33, %mul3A_32 : i32
    %jit3A_35 = arith.constant 8 : i32
    %div3A_36 = arith.divsi %add3A_34, %jit3A_35 : i32
    %sign3A_37 = arith.constant 0 : i32
    %sign3A_38 = arith.cmpi sgt, %add3A_34, %sign3A_37 : i32
    %sign3A_39 = arith.extui %sign3A_38 : i1 to i32
    %sign3A_40 = arith.constant 0 : i32
    %sign3A_41 = arith.cmpi slt, %add3A_34, %sign3A_40 : i32
    %sign3A_42 = arith.extui %sign3A_41 : i1 to i32
    %sign3A_43 = arith.subi %sign3A_39, %sign3A_42 : i32
    %sign3A_44 = arith.constant 0 : i32
    %sign3A_45 = arith.cmpi sgt, %jit3A_35, %sign3A_44 : i32
    %sign3A_46 = arith.extui %sign3A_45 : i1 to i32
    %sign3A_47 = arith.constant 0 : i32
    %sign3A_48 = arith.cmpi slt, %jit3A_35, %sign3A_47 : i32
    %sign3A_49 = arith.extui %sign3A_48 : i1 to i32
    %sign3A_50 = arith.subi %sign3A_46, %sign3A_49 : i32
    %ne3A_51 = arith.cmpi ne, %sign3A_43, %sign3A_50 : i32
    %rem3A_52 = arith.remsi %add3A_34, %jit3A_35 : i32
    %ne3A_53 = arith.constant 0 : i32
    %ne3A_54 = arith.cmpi ne, %rem3A_52, %ne3A_53 : i32
    %and3A_55 = arith.andi %ne3A_51, %ne3A_54 : i1
    %sub3A_56 = arith.constant 1 : i32
    %sub3A_57 = arith.subi %div3A_36, %sub3A_56 : i32
    %select_n3A_58 = arith.select %and3A_55, %sub3A_57, %div3A_36 : i32
    %jit3A_59 = arith.constant 8 : i32
    %eq3A_60 = arith.constant 0 : i32
    %eq3A_61 = arith.cmpi eq, %jit3A_59, %eq3A_60 : i32
    %jit3A_62 = arith.constant 1 : i32
    %select_n3A_63 = arith.select %eq3A_61, %jit3A_62, %jit3A_59 : i32
    %rem3A_64 = arith.remsi %add3A_34, %select_n3A_63 : i32
    %ne3A_65 = arith.constant 0 : i32
    %ne3A_66 = arith.cmpi ne, %rem3A_64, %ne3A_65 : i32
    %lt3A_67 = arith.constant 0 : i32
    %lt3A_68 = arith.cmpi slt, %rem3A_64, %lt3A_67 : i32
    %lt3A_69 = arith.constant 0 : i32
    %lt3A_70 = arith.cmpi slt, %select_n3A_63, %lt3A_69 : i32
    %ne3A_71 = arith.xori %lt3A_68, %lt3A_70 : i1
    %and3A_72 = arith.andi %ne3A_71, %ne3A_66 : i1
    %add3A_73 = arith.addi %rem3A_64, %select_n3A_63 : i32
    %select_n3A_74 = arith.select %and3A_72, %add3A_73, %rem3A_64 : i32
    "tpu.region"() ({
      %run_scoped3A = tpu.sem_alloc : memref<!tpu.dma_semaphore, #tpu.memory_space<semaphore_mem>>
      tpu.enqueue_dma source(%arg4 : memref<8x128xf32, #tpu.memory_space<hbm>>) target(%arg9 : memref<8x128xf32, #tpu.memory_space<vmem>>) target_semaphore(%run_scoped3A : memref<!tpu.dma_semaphore, #tpu.memory_space<semaphore_mem>>)
      tpu.wait_dma2 semaphore(%run_scoped3A : memref<!tpu.dma_semaphore, #tpu.memory_space<semaphore_mem>>) src(%arg4 : memref<8x128xf32, #tpu.memory_space<hbm>>) dst(%arg9 : memref<8x128xf32, #tpu.memory_space<vmem>>)
      tpu.yield
    }) : () -> ()
    "tpu.region"() ({
      %run_scoped3A = tpu.sem_alloc : memref<!tpu.dma_semaphore, #tpu.memory_space<semaphore_mem>>
      tpu.enqueue_dma source(%arg5 : memref<8x128xf32, #tpu.memory_space<hbm>>) target(%arg10 : memref<8x128xf32, #tpu.memory_space<vmem>>) target_semaphore(%run_scoped3A : memref<!tpu.dma_semaphore, #tpu.memory_space<semaphore_mem>>)
      tpu.wait_dma2 semaphore(%run_scoped3A : memref<!tpu.dma_semaphore, #tpu.memory_space<semaphore_mem>>) src(%arg5 : memref<8x128xf32, #tpu.memory_space<hbm>>) dst(%arg10 : memref<8x128xf32, #tpu.memory_space<vmem>>)
      tpu.yield
    }) : () -> ()
    "tpu.region"() ({
      %run_scoped3A = tpu.sem_alloc : memref<!tpu.dma_semaphore, #tpu.memory_space<semaphore_mem>>
      %dma_start3A = arith.constant 0 : i32
      %dma_start3A_96 = arith.constant 0 : i32
      %dma_start3A_97 = arith.constant 0 : i32
      %dma_start3A_98 = arith.constant 0 : i32
      %dma_start3A_99 = tpu.memref_slice %arg2[%select_n3A, %add3A_34, %dma_start3A, %dma_start3A_96, %dma_start3A_97, %dma_start3A_98] : memref<4x256x2x2x8x128xi32, #tpu.memory_space<hbm>> -> memref<1x2x2x2x8x128xi32, #tpu.memory_space<hbm>>
      %dma_start3A_100 = tpu.memref_squeeze %dma_start3A_99 : memref<1x2x2x2x8x128xi32, #tpu.memory_space<hbm>> -> memref<2x2x2x8x128xi32, #tpu.memory_space<hbm>>
      %dma_start3A_101 = arith.constant 0 : i32
      %dma_start3A_102 = arith.constant 0 : i32
      %dma_start3A_103 = arith.constant 0 : i32
      %dma_start3A_104 = arith.constant 0 : i32
      %dma_start3A_105 = tpu.memref_slice %arg2[%select_n3A, %add3A_34, %dma_start3A_101, %dma_start3A_102, %dma_start3A_103, %dma_start3A_104] : memref<4x256x2x2x8x128xi32, #tpu.memory_space<hbm>> -> memref<1x2x2x2x8x128xi32, #tpu.memory_space<hbm>>
      %dma_start3A_106 = tpu.memref_squeeze %dma_start3A_105 : memref<1x2x2x2x8x128xi32, #tpu.memory_space<hbm>> -> memref<2x2x2x8x128xi32, #tpu.memory_space<hbm>>
      tpu.enqueue_dma source(%dma_start3A_106 : memref<2x2x2x8x128xi32, #tpu.memory_space<hbm>>) target(%arg7 : memref<2x2x2x8x128xi32, #tpu.memory_space<vmem>>) target_semaphore(%run_scoped3A : memref<!tpu.dma_semaphore, #tpu.memory_space<semaphore_mem>>)
      %dma_wait3A = arith.constant 0 : i32
      %dma_wait3A_107 = arith.constant 0 : i32
      %dma_wait3A_108 = arith.constant 0 : i32
      %dma_wait3A_109 = arith.constant 0 : i32
      %dma_wait3A_110 = tpu.memref_slice %arg2[%select_n3A, %add3A_34, %dma_wait3A, %dma_wait3A_107, %dma_wait3A_108, %dma_wait3A_109] : memref<4x256x2x2x8x128xi32, #tpu.memory_space<hbm>> -> memref<1x2x2x2x8x128xi32, #tpu.memory_space<hbm>>
      %dma_wait3A_111 = tpu.memref_squeeze %dma_wait3A_110 : memref<1x2x2x2x8x128xi32, #tpu.memory_space<hbm>> -> memref<2x2x2x8x128xi32, #tpu.memory_space<hbm>>
      %dma_wait3A_112 = arith.constant 0 : i32
      %dma_wait3A_113 = arith.constant 0 : i32
      %dma_wait3A_114 = arith.constant 0 : i32
      %dma_wait3A_115 = arith.constant 0 : i32
      %dma_wait3A_116 = tpu.memref_slice %arg2[%select_n3A, %add3A_34, %dma_wait3A_112, %dma_wait3A_113, %dma_wait3A_114, %dma_wait3A_115] : memref<4x256x2x2x8x128xi32, #tpu.memory_space<hbm>> -> memref<1x2x2x2x8x128xi32, #tpu.memory_space<hbm>>
      %dma_wait3A_117 = tpu.memref_squeeze %dma_wait3A_116 : memref<1x2x2x2x8x128xi32, #tpu.memory_space<hbm>> -> memref<2x2x2x8x128xi32, #tpu.memory_space<hbm>>
      tpu.wait_dma2 semaphore(%run_scoped3A : memref<!tpu.dma_semaphore, #tpu.memory_space<semaphore_mem>>) src(%dma_wait3A_117 : memref<2x2x2x8x128xi32, #tpu.memory_space<hbm>>) dst(%arg7 : memref<2x2x2x8x128xi32, #tpu.memory_space<vmem>>)
      tpu.yield
    }) : () -> ()
    "tpu.region"() ({
      %run_scoped3A = tpu.sem_alloc : memref<!tpu.dma_semaphore, #tpu.memory_space<semaphore_mem>>
      %dma_start3A = arith.constant 0 : i32
      %dma_start3A_96 = arith.constant 0 : i32
      %dma_start3A_97 = tpu.memref_slice %arg3[%select_n3A, %select_n3A_58, %dma_start3A, %select_n3A_74, %dma_start3A_96] : memref<4x32x2x8x128xi32, #tpu.memory_space<hbm>> -> memref<1x1x2x2x128xi32, #tpu.memory_space<hbm>>
      %dma_start3A_98 = tpu.memref_squeeze %dma_start3A_97 : memref<1x1x2x2x128xi32, #tpu.memory_space<hbm>> -> memref<2x2x128xi32, #tpu.memory_space<hbm>>
      %dma_start3A_99 = arith.constant 0 : i32
      %dma_start3A_100 = arith.constant 0 : i32
      %dma_start3A_101 = tpu.memref_slice %arg3[%select_n3A, %select_n3A_58, %dma_start3A_99, %select_n3A_74, %dma_start3A_100] : memref<4x32x2x8x128xi32, #tpu.memory_space<hbm>> -> memref<1x1x2x2x128xi32, #tpu.memory_space<hbm>>
      %dma_start3A_102 = tpu.memref_squeeze %dma_start3A_101 : memref<1x1x2x2x128xi32, #tpu.memory_space<hbm>> -> memref<2x2x128xi32, #tpu.memory_space<hbm>>
      tpu.enqueue_dma source(%dma_start3A_102 : memref<2x2x128xi32, #tpu.memory_space<hbm>>) target(%arg8 : memref<2x2x128xi32, #tpu.memory_space<vmem>>) target_semaphore(%run_scoped3A : memref<!tpu.dma_semaphore, #tpu.memory_space<semaphore_mem>>)
      %dma_wait3A = arith.constant 0 : i32
      %dma_wait3A_103 = arith.constant 0 : i32
      %dma_wait3A_104 = tpu.memref_slice %arg3[%select_n3A, %select_n3A_58, %dma_wait3A, %select_n3A_74, %dma_wait3A_103] : memref<4x32x2x8x128xi32, #tpu.memory_space<hbm>> -> memref<1x1x2x2x128xi32, #tpu.memory_space<hbm>>
      %dma_wait3A_105 = tpu.memref_squeeze %dma_wait3A_104 : memref<1x1x2x2x128xi32, #tpu.memory_space<hbm>> -> memref<2x2x128xi32, #tpu.memory_space<hbm>>
      %dma_wait3A_106 = arith.constant 0 : i32
      %dma_wait3A_107 = arith.constant 0 : i32
      %dma_wait3A_108 = tpu.memref_slice %arg3[%select_n3A, %select_n3A_58, %dma_wait3A_106, %select_n3A_74, %dma_wait3A_107] : memref<4x32x2x8x128xi32, #tpu.memory_space<hbm>> -> memref<1x1x2x2x128xi32, #tpu.memory_space<hbm>>
      %dma_wait3A_109 = tpu.memref_squeeze %dma_wait3A_108 : memref<1x1x2x2x128xi32, #tpu.memory_space<hbm>> -> memref<2x2x128xi32, #tpu.memory_space<hbm>>
      tpu.wait_dma2 semaphore(%run_scoped3A : memref<!tpu.dma_semaphore, #tpu.memory_space<semaphore_mem>>) src(%dma_wait3A_109 : memref<2x2x128xi32, #tpu.memory_space<hbm>>) dst(%arg8 : memref<2x2x128xi32, #tpu.memory_space<vmem>>)
      tpu.yield
    }) : () -> ()
    %broadcast_in_dim3A = arith.constant 0 : i32
    %broadcast_in_dim3A_75 = vector.broadcast %broadcast_in_dim3A : i32 to vector<16xi32>
    %broadcast_in_dim3A_76 = arith.constant 1 : i32
    %broadcast_in_dim3A_77 = vector.broadcast %broadcast_in_dim3A_76 : i32 to vector<16xi32>
    %broadcast_in_dim3A_78 = arith.constant 2 : i32
    %broadcast_in_dim3A_79 = vector.broadcast %broadcast_in_dim3A_78 : i32 to vector<16xi32>
    %broadcast_in_dim3A_80 = arith.constant 3 : i32
    %broadcast_in_dim3A_81 = vector.broadcast %broadcast_in_dim3A_80 : i32 to vector<16xi32>
    %broadcast_in_dim3A_82 = arith.constant 4 : i32
    %broadcast_in_dim3A_83 = vector.broadcast %broadcast_in_dim3A_82 : i32 to vector<16xi32>
    %broadcast_in_dim3A_84 = arith.constant 5 : i32
    %broadcast_in_dim3A_85 = vector.broadcast %broadcast_in_dim3A_84 : i32 to vector<16xi32>
    %broadcast_in_dim3A_86 = arith.constant 6 : i32
    %broadcast_in_dim3A_87 = vector.broadcast %broadcast_in_dim3A_86 : i32 to vector<16xi32>
    %broadcast_in_dim3A_88 = arith.constant 7 : i32
    %broadcast_in_dim3A_89 = vector.broadcast %broadcast_in_dim3A_88 : i32 to vector<16xi32>
    %scan3A = arith.constant 0 : i32
    %scan3A_90 = arith.constant 2 : i32
    %scan3A_91 = arith.addi %scan3A, %scan3A_90 : i32
    %scan3A_92 = arith.constant 1 : i32
    scf.for %scan3A_96 = %scan3A to %scan3A_91 step %scan3A_92  : i32 {
      %mul3A_97 = arith.constant 1 : i32
      %mul3A_98 = arith.muli %scan3A_96, %mul3A_97 : i32
      %add3A_99 = arith.constant 0 : i32
      %add3A_100 = arith.addi %add3A_99, %mul3A_98 : i32
      %scan3A_101 = arith.constant 0 : i32
      %scan3A_102 = arith.constant 2 : i32
      %scan3A_103 = arith.addi %scan3A_101, %scan3A_102 : i32
      %scan3A_104 = arith.constant 1 : i32
      scf.for %scan3A_106 = %scan3A_101 to %scan3A_103 step %scan3A_104  : i32 {
        %mul3A_107 = arith.constant 1 : i32
        %mul3A_108 = arith.muli %scan3A_106, %mul3A_107 : i32
        %add3A_109 = arith.constant 0 : i32
        %add3A_110 = arith.addi %add3A_109, %mul3A_108 : i32
        %scan3A_111 = arith.constant 0 : i32
        %scan3A_112 = arith.constant 8 : i32
        %scan3A_113 = arith.addi %scan3A_111, %scan3A_112 : i32
        %scan3A_114 = arith.constant 1 : i32
        scf.for %scan3A_116 = %scan3A_111 to %scan3A_113 step %scan3A_114  : i32 {
          %mul3A_117 = arith.constant 1 : i32
          %mul3A_118 = arith.muli %scan3A_116, %mul3A_117 : i32
          %add3A_119 = arith.constant 0 : i32
          %add3A_120 = arith.addi %add3A_119, %mul3A_118 : i32
          %mul3A_121 = arith.constant 16 : i32
          %mul3A_122 = arith.muli %add3A_120, %mul3A_121 : i32
          %broadcast_in_dim3A_123 = arith.constant 0 : i32
          %broadcast_in_dim3A_124 = vector.broadcast %broadcast_in_dim3A_123 : i32 to vector<16xi32>
          %broadcast_in_dim3A_125 = arith.constant 0.000000e+00 : f32
          %broadcast_in_dim3A_126 = vector.broadcast %broadcast_in_dim3A_125 : f32 to vector<16xf32>
          %broadcast_in_dim3A_127 = arith.constant 0.000000e+00 : f32
          %broadcast_in_dim3A_128 = vector.broadcast %broadcast_in_dim3A_127 : f32 to vector<16xf32>
          %broadcast_in_dim3A_129 = arith.constant 0.000000e+00 : f32
          %broadcast_in_dim3A_130 = vector.broadcast %broadcast_in_dim3A_129 : f32 to vector<16xf32>
          %broadcast_in_dim3A_131 = arith.constant 0.000000e+00 : f32
          %broadcast_in_dim3A_132 = vector.broadcast %broadcast_in_dim3A_131 : f32 to vector<16xf32>
          %broadcast_in_dim3A_133 = arith.constant 0.000000e+00 : f32
          %broadcast_in_dim3A_134 = vector.broadcast %broadcast_in_dim3A_133 : f32 to vector<16xf32>
          %broadcast_in_dim3A_135 = arith.constant 0.000000e+00 : f32
          %broadcast_in_dim3A_136 = vector.broadcast %broadcast_in_dim3A_135 : f32 to vector<16xf32>
          %broadcast_in_dim3A_137 = arith.constant 0.000000e+00 : f32
          %broadcast_in_dim3A_138 = vector.broadcast %broadcast_in_dim3A_137 : f32 to vector<16xf32>
          %broadcast_in_dim3A_139 = arith.constant 0.000000e+00 : f32
          %broadcast_in_dim3A_140 = vector.broadcast %broadcast_in_dim3A_139 : f32 to vector<16xf32>
          %get3A = arith.constant 0 : i32
          %get3A_141 = arith.constant 0 : i32
          %get3A_142 = arith.index_cast %add3A_100 : i32 to index
          %get3A_143 = arith.index_cast %get3A : i32 to index
          %get3A_144 = arith.index_cast %add3A_110 : i32 to index
          %get3A_145 = arith.index_cast %get3A_141 : i32 to index
          %get3A_146 = arith.index_cast %mul3A_122 : i32 to index
          %get3A_147 = tpu.vector_load %arg7[%get3A_142, %get3A_143, %get3A_144, %get3A_145, %get3A_146] {strides = array<i32>} : memref<2x2x2x8x128xi32, #tpu.memory_space<vmem>>, vector<16xi32>,
          %and3A_148 = arith.constant 127 : i32
          %and3A_149 = vector.broadcast %and3A_148 : i32 to vector<16xi32>
          %and3A_150 = arith.andi %get3A_147, %and3A_149 : vector<16xi32>
          %shift_right_arithmetic3A = arith.constant 31 : i32
          %shift_right_arithmetic3A_151 = vector.broadcast %shift_right_arithmetic3A : i32 to vector<16xi32>
          %shift_right_arithmetic3A_152 = arith.shrsi %get3A_147, %shift_right_arithmetic3A_151 : vector<16xi32>
          %add3A_153 = arith.addi %broadcast_in_dim3A_124, %shift_right_arithmetic3A_152 : vector<16xi32>
          %gather3A = tpu.vector_load_idx %arg10[%broadcast_in_dim3A_75, %and3A_150] : memref<8x128xf32, #tpu.memory_space<vmem>>[vector<16xi32>, vector<16xi32>], vector<16xf32>,
          %add3A_154 = arith.addf %broadcast_in_dim3A_126, %gather3A : vector<16xf32>
          %gather3A_155 = tpu.vector_load_idx %arg10[%broadcast_in_dim3A_77, %and3A_150] : memref<8x128xf32, #tpu.memory_space<vmem>>[vector<16xi32>, vector<16xi32>], vector<16xf32>,
          %add3A_156 = arith.addf %broadcast_in_dim3A_128, %gather3A_155 : vector<16xf32>
          %gather3A_157 = tpu.vector_load_idx %arg10[%broadcast_in_dim3A_79, %and3A_150] : memref<8x128xf32, #tpu.memory_space<vmem>>[vector<16xi32>, vector<16xi32>], vector<16xf32>,
          %add3A_158 = arith.addf %broadcast_in_dim3A_130, %gather3A_157 : vector<16xf32>
          %gather3A_159 = tpu.vector_load_idx %arg10[%broadcast_in_dim3A_81, %and3A_150] : memref<8x128xf32, #tpu.memory_space<vmem>>[vector<16xi32>, vector<16xi32>], vector<16xf32>,
          %add3A_160 = arith.addf %broadcast_in_dim3A_132, %gather3A_159 : vector<16xf32>
          %gather3A_161 = tpu.vector_load_idx %arg10[%broadcast_in_dim3A_83, %and3A_150] : memref<8x128xf32, #tpu.memory_space<vmem>>[vector<16xi32>, vector<16xi32>], vector<16xf32>,
          %add3A_162 = arith.addf %broadcast_in_dim3A_134, %gather3A_161 : vector<16xf32>
          %gather3A_163 = tpu.vector_load_idx %arg10[%broadcast_in_dim3A_85, %and3A_150] : memref<8x128xf32, #tpu.memory_space<vmem>>[vector<16xi32>, vector<16xi32>], vector<16xf32>,
          %add3A_164 = arith.addf %broadcast_in_dim3A_136, %gather3A_163 : vector<16xf32>
          %gather3A_165 = tpu.vector_load_idx %arg10[%broadcast_in_dim3A_87, %and3A_150] : memref<8x128xf32, #tpu.memory_space<vmem>>[vector<16xi32>, vector<16xi32>], vector<16xf32>,
          %add3A_166 = arith.addf %broadcast_in_dim3A_138, %gather3A_165 : vector<16xf32>
          %gather3A_167 = tpu.vector_load_idx %arg10[%broadcast_in_dim3A_89, %and3A_150] : memref<8x128xf32, #tpu.memory_space<vmem>>[vector<16xi32>, vector<16xi32>], vector<16xf32>,
          %add3A_168 = arith.addf %broadcast_in_dim3A_140, %gather3A_167 : vector<16xf32>
          %get3A_169 = arith.constant 0 : i32
          %get3A_170 = arith.constant 1 : i32
          %get3A_171 = arith.index_cast %add3A_100 : i32 to index
          %get3A_172 = arith.index_cast %get3A_169 : i32 to index
          %get3A_173 = arith.index_cast %add3A_110 : i32 to index
          %get3A_174 = arith.index_cast %get3A_170 : i32 to index
          %get3A_175 = arith.index_cast %mul3A_122 : i32 to index
          %get3A_176 = tpu.vector_load %arg7[%get3A_171, %get3A_172, %get3A_173, %get3A_174, %get3A_175] {strides = array<i32>} : memref<2x2x2x8x128xi32, #tpu.memory_space<vmem>>, vector<16xi32>,
          %and3A_177 = arith.constant 127 : i32
          %and3A_178 = vector.broadcast %and3A_177 : i32 to vector<16xi32>
          %and3A_179 = arith.andi %get3A_176, %and3A_178 : vector<16xi32>
          %shift_right_arithmetic3A_180 = arith.constant 31 : i32
          %shift_right_arithmetic3A_181 = vector.broadcast %shift_right_arithmetic3A_180 : i32 to vector<16xi32>
          %shift_right_arithmetic3A_182 = arith.shrsi %get3A_176, %shift_right_arithmetic3A_181 : vector<16xi32>
          %add3A_183 = arith.addi %add3A_153, %shift_right_arithmetic3A_182 : vector<16xi32>
          %gather3A_184 = tpu.vector_load_idx %arg10[%broadcast_in_dim3A_75, %and3A_179] : memref<8x128xf32, #tpu.memory_space<vmem>>[vector<16xi32>, vector<16xi32>], vector<16xf32>,
          %add3A_185 = arith.addf %add3A_154, %gather3A_184 : vector<16xf32>
          %gather3A_186 = tpu.vector_load_idx %arg10[%broadcast_in_dim3A_77, %and3A_179] : memref<8x128xf32, #tpu.memory_space<vmem>>[vector<16xi32>, vector<16xi32>], vector<16xf32>,
          %add3A_187 = arith.addf %add3A_156, %gather3A_186 : vector<16xf32>
          %gather3A_188 = tpu.vector_load_idx %arg10[%broadcast_in_dim3A_79, %and3A_179] : memref<8x128xf32, #tpu.memory_space<vmem>>[vector<16xi32>, vector<16xi32>], vector<16xf32>,
          %add3A_189 = arith.addf %add3A_158, %gather3A_188 : vector<16xf32>
          %gather3A_190 = tpu.vector_load_idx %arg10[%broadcast_in_dim3A_81, %and3A_179] : memref<8x128xf32, #tpu.memory_space<vmem>>[vector<16xi32>, vector<16xi32>], vector<16xf32>,
          %add3A_191 = arith.addf %add3A_160, %gather3A_190 : vector<16xf32>
          %gather3A_192 = tpu.vector_load_idx %arg10[%broadcast_in_dim3A_83, %and3A_179] : memref<8x128xf32, #tpu.memory_space<vmem>>[vector<16xi32>, vector<16xi32>], vector<16xf32>,
          %add3A_193 = arith.addf %add3A_162, %gather3A_192 : vector<16xf32>
          %gather3A_194 = tpu.vector_load_idx %arg10[%broadcast_in_dim3A_85, %and3A_179] : memref<8x128xf32, #tpu.memory_space<vmem>>[vector<16xi32>, vector<16xi32>], vector<16xf32>,
          %add3A_195 = arith.addf %add3A_164, %gather3A_194 : vector<16xf32>
          %gather3A_196 = tpu.vector_load_idx %arg10[%broadcast_in_dim3A_87, %and3A_179] : memref<8x128xf32, #tpu.memory_space<vmem>>[vector<16xi32>, vector<16xi32>], vector<16xf32>,
          %add3A_197 = arith.addf %add3A_166, %gather3A_196 : vector<16xf32>
          %gather3A_198 = tpu.vector_load_idx %arg10[%broadcast_in_dim3A_89, %and3A_179] : memref<8x128xf32, #tpu.memory_space<vmem>>[vector<16xi32>, vector<16xi32>], vector<16xf32>,
          %add3A_199 = arith.addf %add3A_168, %gather3A_198 : vector<16xf32>
          %get3A_200 = arith.constant 0 : i32
          %get3A_201 = arith.constant 2 : i32
          %get3A_202 = arith.index_cast %add3A_100 : i32 to index
          %get3A_203 = arith.index_cast %get3A_200 : i32 to index
          %get3A_204 = arith.index_cast %add3A_110 : i32 to index
          %get3A_205 = arith.index_cast %get3A_201 : i32 to index
          %get3A_206 = arith.index_cast %mul3A_122 : i32 to index
          %get3A_207 = tpu.vector_load %arg7[%get3A_202, %get3A_203, %get3A_204, %get3A_205, %get3A_206] {strides = array<i32>} : memref<2x2x2x8x128xi32, #tpu.memory_space<vmem>>, vector<16xi32>,
          %and3A_208 = arith.constant 127 : i32
          %and3A_209 = vector.broadcast %and3A_208 : i32 to vector<16xi32>
          %and3A_210 = arith.andi %get3A_207, %and3A_209 : vector<16xi32>
          %shift_right_arithmetic3A_211 = arith.constant 31 : i32
          %shift_right_arithmetic3A_212 = vector.broadcast %shift_right_arithmetic3A_211 : i32 to vector<16xi32>
          %shift_right_arithmetic3A_213 = arith.shrsi %get3A_207, %shift_right_arithmetic3A_212 : vector<16xi32>
          %add3A_214 = arith.addi %add3A_183, %shift_right_arithmetic3A_213 : vector<16xi32>
          %gather3A_215 = tpu.vector_load_idx %arg10[%broadcast_in_dim3A_75, %and3A_210] : memref<8x128xf32, #tpu.memory_space<vmem>>[vector<16xi32>, vector<16xi32>], vector<16xf32>,
          %add3A_216 = arith.addf %add3A_185, %gather3A_215 : vector<16xf32>
          %gather3A_217 = tpu.vector_load_idx %arg10[%broadcast_in_dim3A_77, %and3A_210] : memref<8x128xf32, #tpu.memory_space<vmem>>[vector<16xi32>, vector<16xi32>], vector<16xf32>,
          %add3A_218 = arith.addf %add3A_187, %gather3A_217 : vector<16xf32>
          %gather3A_219 = tpu.vector_load_idx %arg10[%broadcast_in_dim3A_79, %and3A_210] : memref<8x128xf32, #tpu.memory_space<vmem>>[vector<16xi32>, vector<16xi32>], vector<16xf32>,
          %add3A_220 = arith.addf %add3A_189, %gather3A_219 : vector<16xf32>
          %gather3A_221 = tpu.vector_load_idx %arg10[%broadcast_in_dim3A_81, %and3A_210] : memref<8x128xf32, #tpu.memory_space<vmem>>[vector<16xi32>, vector<16xi32>], vector<16xf32>,
          %add3A_222 = arith.addf %add3A_191, %gather3A_221 : vector<16xf32>
          %gather3A_223 = tpu.vector_load_idx %arg10[%broadcast_in_dim3A_83, %and3A_210] : memref<8x128xf32, #tpu.memory_space<vmem>>[vector<16xi32>, vector<16xi32>], vector<16xf32>,
          %add3A_224 = arith.addf %add3A_193, %gather3A_223 : vector<16xf32>
          %gather3A_225 = tpu.vector_load_idx %arg10[%broadcast_in_dim3A_85, %and3A_210] : memref<8x128xf32, #tpu.memory_space<vmem>>[vector<16xi32>, vector<16xi32>], vector<16xf32>,
          %add3A_226 = arith.addf %add3A_195, %gather3A_225 : vector<16xf32>
          %gather3A_227 = tpu.vector_load_idx %arg10[%broadcast_in_dim3A_87, %and3A_210] : memref<8x128xf32, #tpu.memory_space<vmem>>[vector<16xi32>, vector<16xi32>], vector<16xf32>,
          %add3A_228 = arith.addf %add3A_197, %gather3A_227 : vector<16xf32>
          %gather3A_229 = tpu.vector_load_idx %arg10[%broadcast_in_dim3A_89, %and3A_210] : memref<8x128xf32, #tpu.memory_space<vmem>>[vector<16xi32>, vector<16xi32>], vector<16xf32>,
          %add3A_230 = arith.addf %add3A_199, %gather3A_229 : vector<16xf32>
          %get3A_231 = arith.constant 0 : i32
          %get3A_232 = arith.constant 3 : i32
          %get3A_233 = arith.index_cast %add3A_100 : i32 to index
          %get3A_234 = arith.index_cast %get3A_231 : i32 to index
          %get3A_235 = arith.index_cast %add3A_110 : i32 to index
          %get3A_236 = arith.index_cast %get3A_232 : i32 to index
          %get3A_237 = arith.index_cast %mul3A_122 : i32 to index
          %get3A_238 = tpu.vector_load %arg7[%get3A_233, %get3A_234, %get3A_235, %get3A_236, %get3A_237] {strides = array<i32>} : memref<2x2x2x8x128xi32, #tpu.memory_space<vmem>>, vector<16xi32>,
          %and3A_239 = arith.constant 127 : i32
          %and3A_240 = vector.broadcast %and3A_239 : i32 to vector<16xi32>
          %and3A_241 = arith.andi %get3A_238, %and3A_240 : vector<16xi32>
          %shift_right_arithmetic3A_242 = arith.constant 31 : i32
          %shift_right_arithmetic3A_243 = vector.broadcast %shift_right_arithmetic3A_242 : i32 to vector<16xi32>
          %shift_right_arithmetic3A_244 = arith.shrsi %get3A_238, %shift_right_arithmetic3A_243 : vector<16xi32>
          %add3A_245 = arith.addi %add3A_214, %shift_right_arithmetic3A_244 : vector<16xi32>
          %gather3A_246 = tpu.vector_load_idx %arg10[%broadcast_in_dim3A_75, %and3A_241] : memref<8x128xf32, #tpu.memory_space<vmem>>[vector<16xi32>, vector<16xi32>], vector<16xf32>,
          %add3A_247 = arith.addf %add3A_216, %gather3A_246 : vector<16xf32>
          %gather3A_248 = tpu.vector_load_idx %arg10[%broadcast_in_dim3A_77, %and3A_241] : memref<8x128xf32, #tpu.memory_space<vmem>>[vector<16xi32>, vector<16xi32>], vector<16xf32>,
          %add3A_249 = arith.addf %add3A_218, %gather3A_248 : vector<16xf32>
          %gather3A_250 = tpu.vector_load_idx %arg10[%broadcast_in_dim3A_79, %and3A_241] : memref<8x128xf32, #tpu.memory_space<vmem>>[vector<16xi32>, vector<16xi32>], vector<16xf32>,
          %add3A_251 = arith.addf %add3A_220, %gather3A_250 : vector<16xf32>
          %gather3A_252 = tpu.vector_load_idx %arg10[%broadcast_in_dim3A_81, %and3A_241] : memref<8x128xf32, #tpu.memory_space<vmem>>[vector<16xi32>, vector<16xi32>], vector<16xf32>,
          %add3A_253 = arith.addf %add3A_222, %gather3A_252 : vector<16xf32>
          %gather3A_254 = tpu.vector_load_idx %arg10[%broadcast_in_dim3A_83, %and3A_241] : memref<8x128xf32, #tpu.memory_space<vmem>>[vector<16xi32>, vector<16xi32>], vector<16xf32>,
          %add3A_255 = arith.addf %add3A_224, %gather3A_254 : vector<16xf32>
          %gather3A_256 = tpu.vector_load_idx %arg10[%broadcast_in_dim3A_85, %and3A_241] : memref<8x128xf32, #tpu.memory_space<vmem>>[vector<16xi32>, vector<16xi32>], vector<16xf32>,
          %add3A_257 = arith.addf %add3A_226, %gather3A_256 : vector<16xf32>
          %gather3A_258 = tpu.vector_load_idx %arg10[%broadcast_in_dim3A_87, %and3A_241] : memref<8x128xf32, #tpu.memory_space<vmem>>[vector<16xi32>, vector<16xi32>], vector<16xf32>,
          %add3A_259 = arith.addf %add3A_228, %gather3A_258 : vector<16xf32>
          %gather3A_260 = tpu.vector_load_idx %arg10[%broadcast_in_dim3A_89, %and3A_241] : memref<8x128xf32, #tpu.memory_space<vmem>>[vector<16xi32>, vector<16xi32>], vector<16xf32>,
          %add3A_261 = arith.addf %add3A_230, %gather3A_260 : vector<16xf32>
          %get3A_262 = arith.constant 0 : i32
          %get3A_263 = arith.constant 4 : i32
          %get3A_264 = arith.index_cast %add3A_100 : i32 to index
          %get3A_265 = arith.index_cast %get3A_262 : i32 to index
          %get3A_266 = arith.index_cast %add3A_110 : i32 to index
          %get3A_267 = arith.index_cast %get3A_263 : i32 to index
          %get3A_268 = arith.index_cast %mul3A_122 : i32 to index
          %get3A_269 = tpu.vector_load %arg7[%get3A_264, %get3A_265, %get3A_266, %get3A_267, %get3A_268] {strides = array<i32>} : memref<2x2x2x8x128xi32, #tpu.memory_space<vmem>>, vector<16xi32>,
          %and3A_270 = arith.constant 127 : i32
          %and3A_271 = vector.broadcast %and3A_270 : i32 to vector<16xi32>
          %and3A_272 = arith.andi %get3A_269, %and3A_271 : vector<16xi32>
          %shift_right_arithmetic3A_273 = arith.constant 31 : i32
          %shift_right_arithmetic3A_274 = vector.broadcast %shift_right_arithmetic3A_273 : i32 to vector<16xi32>
          %shift_right_arithmetic3A_275 = arith.shrsi %get3A_269, %shift_right_arithmetic3A_274 : vector<16xi32>
          %add3A_276 = arith.addi %add3A_245, %shift_right_arithmetic3A_275 : vector<16xi32>
          %gather3A_277 = tpu.vector_load_idx %arg10[%broadcast_in_dim3A_75, %and3A_272] : memref<8x128xf32, #tpu.memory_space<vmem>>[vector<16xi32>, vector<16xi32>], vector<16xf32>,
          %add3A_278 = arith.addf %add3A_247, %gather3A_277 : vector<16xf32>
          %gather3A_279 = tpu.vector_load_idx %arg10[%broadcast_in_dim3A_77, %and3A_272] : memref<8x128xf32, #tpu.memory_space<vmem>>[vector<16xi32>, vector<16xi32>], vector<16xf32>,
          %add3A_280 = arith.addf %add3A_249, %gather3A_279 : vector<16xf32>
          %gather3A_281 = tpu.vector_load_idx %arg10[%broadcast_in_dim3A_79, %and3A_272] : memref<8x128xf32, #tpu.memory_space<vmem>>[vector<16xi32>, vector<16xi32>], vector<16xf32>,
          %add3A_282 = arith.addf %add3A_251, %gather3A_281 : vector<16xf32>
          %gather3A_283 = tpu.vector_load_idx %arg10[%broadcast_in_dim3A_81, %and3A_272] : memref<8x128xf32, #tpu.memory_space<vmem>>[vector<16xi32>, vector<16xi32>], vector<16xf32>,
          %add3A_284 = arith.addf %add3A_253, %gather3A_283 : vector<16xf32>
          %gather3A_285 = tpu.vector_load_idx %arg10[%broadcast_in_dim3A_83, %and3A_272] : memref<8x128xf32, #tpu.memory_space<vmem>>[vector<16xi32>, vector<16xi32>], vector<16xf32>,
          %add3A_286 = arith.addf %add3A_255, %gather3A_285 : vector<16xf32>
          %gather3A_287 = tpu.vector_load_idx %arg10[%broadcast_in_dim3A_85, %and3A_272] : memref<8x128xf32, #tpu.memory_space<vmem>>[vector<16xi32>, vector<16xi32>], vector<16xf32>,
          %add3A_288 = arith.addf %add3A_257, %gather3A_287 : vector<16xf32>
          %gather3A_289 = tpu.vector_load_idx %arg10[%broadcast_in_dim3A_87, %and3A_272] : memref<8x128xf32, #tpu.memory_space<vmem>>[vector<16xi32>, vector<16xi32>], vector<16xf32>,
          %add3A_290 = arith.addf %add3A_259, %gather3A_289 : vector<16xf32>
          %gather3A_291 = tpu.vector_load_idx %arg10[%broadcast_in_dim3A_89, %and3A_272] : memref<8x128xf32, #tpu.memory_space<vmem>>[vector<16xi32>, vector<16xi32>], vector<16xf32>,
          %add3A_292 = arith.addf %add3A_261, %gather3A_291 : vector<16xf32>
          %get3A_293 = arith.constant 0 : i32
          %get3A_294 = arith.constant 5 : i32
          %get3A_295 = arith.index_cast %add3A_100 : i32 to index
          %get3A_296 = arith.index_cast %get3A_293 : i32 to index
          %get3A_297 = arith.index_cast %add3A_110 : i32 to index
          %get3A_298 = arith.index_cast %get3A_294 : i32 to index
          %get3A_299 = arith.index_cast %mul3A_122 : i32 to index
          %get3A_300 = tpu.vector_load %arg7[%get3A_295, %get3A_296, %get3A_297, %get3A_298, %get3A_299] {strides = array<i32>} : memref<2x2x2x8x128xi32, #tpu.memory_space<vmem>>, vector<16xi32>,
          %and3A_301 = arith.constant 127 : i32
          %and3A_302 = vector.broadcast %and3A_301 : i32 to vector<16xi32>
          %and3A_303 = arith.andi %get3A_300, %and3A_302 : vector<16xi32>
          %shift_right_arithmetic3A_304 = arith.constant 31 : i32
          %shift_right_arithmetic3A_305 = vector.broadcast %shift_right_arithmetic3A_304 : i32 to vector<16xi32>
          %shift_right_arithmetic3A_306 = arith.shrsi %get3A_300, %shift_right_arithmetic3A_305 : vector<16xi32>
          %add3A_307 = arith.addi %add3A_276, %shift_right_arithmetic3A_306 : vector<16xi32>
          %gather3A_308 = tpu.vector_load_idx %arg10[%broadcast_in_dim3A_75, %and3A_303] : memref<8x128xf32, #tpu.memory_space<vmem>>[vector<16xi32>, vector<16xi32>], vector<16xf32>,
          %add3A_309 = arith.addf %add3A_278, %gather3A_308 : vector<16xf32>
          %gather3A_310 = tpu.vector_load_idx %arg10[%broadcast_in_dim3A_77, %and3A_303] : memref<8x128xf32, #tpu.memory_space<vmem>>[vector<16xi32>, vector<16xi32>], vector<16xf32>,
          %add3A_311 = arith.addf %add3A_280, %gather3A_310 : vector<16xf32>
          %gather3A_312 = tpu.vector_load_idx %arg10[%broadcast_in_dim3A_79, %and3A_303] : memref<8x128xf32, #tpu.memory_space<vmem>>[vector<16xi32>, vector<16xi32>], vector<16xf32>,
          %add3A_313 = arith.addf %add3A_282, %gather3A_312 : vector<16xf32>
          %gather3A_314 = tpu.vector_load_idx %arg10[%broadcast_in_dim3A_81, %and3A_303] : memref<8x128xf32, #tpu.memory_space<vmem>>[vector<16xi32>, vector<16xi32>], vector<16xf32>,
          %add3A_315 = arith.addf %add3A_284, %gather3A_314 : vector<16xf32>
          %gather3A_316 = tpu.vector_load_idx %arg10[%broadcast_in_dim3A_83, %and3A_303] : memref<8x128xf32, #tpu.memory_space<vmem>>[vector<16xi32>, vector<16xi32>], vector<16xf32>,
          %add3A_317 = arith.addf %add3A_286, %gather3A_316 : vector<16xf32>
          %gather3A_318 = tpu.vector_load_idx %arg10[%broadcast_in_dim3A_85, %and3A_303] : memref<8x128xf32, #tpu.memory_space<vmem>>[vector<16xi32>, vector<16xi32>], vector<16xf32>,
          %add3A_319 = arith.addf %add3A_288, %gather3A_318 : vector<16xf32>
          %gather3A_320 = tpu.vector_load_idx %arg10[%broadcast_in_dim3A_87, %and3A_303] : memref<8x128xf32, #tpu.memory_space<vmem>>[vector<16xi32>, vector<16xi32>], vector<16xf32>,
          %add3A_321 = arith.addf %add3A_290, %gather3A_320 : vector<16xf32>
          %gather3A_322 = tpu.vector_load_idx %arg10[%broadcast_in_dim3A_89, %and3A_303] : memref<8x128xf32, #tpu.memory_space<vmem>>[vector<16xi32>, vector<16xi32>], vector<16xf32>,
          %add3A_323 = arith.addf %add3A_292, %gather3A_322 : vector<16xf32>
          %get3A_324 = arith.constant 0 : i32
          %get3A_325 = arith.constant 6 : i32
          %get3A_326 = arith.index_cast %add3A_100 : i32 to index
          %get3A_327 = arith.index_cast %get3A_324 : i32 to index
          %get3A_328 = arith.index_cast %add3A_110 : i32 to index
          %get3A_329 = arith.index_cast %get3A_325 : i32 to index
          %get3A_330 = arith.index_cast %mul3A_122 : i32 to index
          %get3A_331 = tpu.vector_load %arg7[%get3A_326, %get3A_327, %get3A_328, %get3A_329, %get3A_330] {strides = array<i32>} : memref<2x2x2x8x128xi32, #tpu.memory_space<vmem>>, vector<16xi32>,
          %and3A_332 = arith.constant 127 : i32
          %and3A_333 = vector.broadcast %and3A_332 : i32 to vector<16xi32>
          %and3A_334 = arith.andi %get3A_331, %and3A_333 : vector<16xi32>
          %shift_right_arithmetic3A_335 = arith.constant 31 : i32
          %shift_right_arithmetic3A_336 = vector.broadcast %shift_right_arithmetic3A_335 : i32 to vector<16xi32>
          %shift_right_arithmetic3A_337 = arith.shrsi %get3A_331, %shift_right_arithmetic3A_336 : vector<16xi32>
          %add3A_338 = arith.addi %add3A_307, %shift_right_arithmetic3A_337 : vector<16xi32>
          %gather3A_339 = tpu.vector_load_idx %arg10[%broadcast_in_dim3A_75, %and3A_334] : memref<8x128xf32, #tpu.memory_space<vmem>>[vector<16xi32>, vector<16xi32>], vector<16xf32>,
          %add3A_340 = arith.addf %add3A_309, %gather3A_339 : vector<16xf32>
          %gather3A_341 = tpu.vector_load_idx %arg10[%broadcast_in_dim3A_77, %and3A_334] : memref<8x128xf32, #tpu.memory_space<vmem>>[vector<16xi32>, vector<16xi32>], vector<16xf32>,
          %add3A_342 = arith.addf %add3A_311, %gather3A_341 : vector<16xf32>
          %gather3A_343 = tpu.vector_load_idx %arg10[%broadcast_in_dim3A_79, %and3A_334] : memref<8x128xf32, #tpu.memory_space<vmem>>[vector<16xi32>, vector<16xi32>], vector<16xf32>,
          %add3A_344 = arith.addf %add3A_313, %gather3A_343 : vector<16xf32>
          %gather3A_345 = tpu.vector_load_idx %arg10[%broadcast_in_dim3A_81, %and3A_334] : memref<8x128xf32, #tpu.memory_space<vmem>>[vector<16xi32>, vector<16xi32>], vector<16xf32>,
          %add3A_346 = arith.addf %add3A_315, %gather3A_345 : vector<16xf32>
          %gather3A_347 = tpu.vector_load_idx %arg10[%broadcast_in_dim3A_83, %and3A_334] : memref<8x128xf32, #tpu.memory_space<vmem>>[vector<16xi32>, vector<16xi32>], vector<16xf32>,
          %add3A_348 = arith.addf %add3A_317, %gather3A_347 : vector<16xf32>
          %gather3A_349 = tpu.vector_load_idx %arg10[%broadcast_in_dim3A_85, %and3A_334] : memref<8x128xf32, #tpu.memory_space<vmem>>[vector<16xi32>, vector<16xi32>], vector<16xf32>,
          %add3A_350 = arith.addf %add3A_319, %gather3A_349 : vector<16xf32>
          %gather3A_351 = tpu.vector_load_idx %arg10[%broadcast_in_dim3A_87, %and3A_334] : memref<8x128xf32, #tpu.memory_space<vmem>>[vector<16xi32>, vector<16xi32>], vector<16xf32>,
          %add3A_352 = arith.addf %add3A_321, %gather3A_351 : vector<16xf32>
          %gather3A_353 = tpu.vector_load_idx %arg10[%broadcast_in_dim3A_89, %and3A_334] : memref<8x128xf32, #tpu.memory_space<vmem>>[vector<16xi32>, vector<16xi32>], vector<16xf32>,
          %add3A_354 = arith.addf %add3A_323, %gather3A_353 : vector<16xf32>
          %get3A_355 = arith.constant 0 : i32
          %get3A_356 = arith.constant 7 : i32
          %get3A_357 = arith.index_cast %add3A_100 : i32 to index
          %get3A_358 = arith.index_cast %get3A_355 : i32 to index
          %get3A_359 = arith.index_cast %add3A_110 : i32 to index
          %get3A_360 = arith.index_cast %get3A_356 : i32 to index
          %get3A_361 = arith.index_cast %mul3A_122 : i32 to index
          %get3A_362 = tpu.vector_load %arg7[%get3A_357, %get3A_358, %get3A_359, %get3A_360, %get3A_361] {strides = array<i32>} : memref<2x2x2x8x128xi32, #tpu.memory_space<vmem>>, vector<16xi32>,
          %and3A_363 = arith.constant 127 : i32
          %and3A_364 = vector.broadcast %and3A_363 : i32 to vector<16xi32>
          %and3A_365 = arith.andi %get3A_362, %and3A_364 : vector<16xi32>
          %shift_right_arithmetic3A_366 = arith.constant 31 : i32
          %shift_right_arithmetic3A_367 = vector.broadcast %shift_right_arithmetic3A_366 : i32 to vector<16xi32>
          %shift_right_arithmetic3A_368 = arith.shrsi %get3A_362, %shift_right_arithmetic3A_367 : vector<16xi32>
          %add3A_369 = arith.addi %add3A_338, %shift_right_arithmetic3A_368 : vector<16xi32>
          %gather3A_370 = tpu.vector_load_idx %arg10[%broadcast_in_dim3A_75, %and3A_365] : memref<8x128xf32, #tpu.memory_space<vmem>>[vector<16xi32>, vector<16xi32>], vector<16xf32>,
          %add3A_371 = arith.addf %add3A_340, %gather3A_370 : vector<16xf32>
          %gather3A_372 = tpu.vector_load_idx %arg10[%broadcast_in_dim3A_77, %and3A_365] : memref<8x128xf32, #tpu.memory_space<vmem>>[vector<16xi32>, vector<16xi32>], vector<16xf32>,
          %add3A_373 = arith.addf %add3A_342, %gather3A_372 : vector<16xf32>
          %gather3A_374 = tpu.vector_load_idx %arg10[%broadcast_in_dim3A_79, %and3A_365] : memref<8x128xf32, #tpu.memory_space<vmem>>[vector<16xi32>, vector<16xi32>], vector<16xf32>,
          %add3A_375 = arith.addf %add3A_344, %gather3A_374 : vector<16xf32>
          %gather3A_376 = tpu.vector_load_idx %arg10[%broadcast_in_dim3A_81, %and3A_365] : memref<8x128xf32, #tpu.memory_space<vmem>>[vector<16xi32>, vector<16xi32>], vector<16xf32>,
          %add3A_377 = arith.addf %add3A_346, %gather3A_376 : vector<16xf32>
          %gather3A_378 = tpu.vector_load_idx %arg10[%broadcast_in_dim3A_83, %and3A_365] : memref<8x128xf32, #tpu.memory_space<vmem>>[vector<16xi32>, vector<16xi32>], vector<16xf32>,
          %add3A_379 = arith.addf %add3A_348, %gather3A_378 : vector<16xf32>
          %gather3A_380 = tpu.vector_load_idx %arg10[%broadcast_in_dim3A_85, %and3A_365] : memref<8x128xf32, #tpu.memory_space<vmem>>[vector<16xi32>, vector<16xi32>], vector<16xf32>,
          %add3A_381 = arith.addf %add3A_350, %gather3A_380 : vector<16xf32>
          %gather3A_382 = tpu.vector_load_idx %arg10[%broadcast_in_dim3A_87, %and3A_365] : memref<8x128xf32, #tpu.memory_space<vmem>>[vector<16xi32>, vector<16xi32>], vector<16xf32>,
          %add3A_383 = arith.addf %add3A_352, %gather3A_382 : vector<16xf32>
          %gather3A_384 = tpu.vector_load_idx %arg10[%broadcast_in_dim3A_89, %and3A_365] : memref<8x128xf32, #tpu.memory_space<vmem>>[vector<16xi32>, vector<16xi32>], vector<16xf32>,
          %add3A_385 = arith.addf %add3A_354, %gather3A_384 : vector<16xf32>
          %get3A_386 = arith.constant 1 : i32
          %get3A_387 = arith.constant 0 : i32
          %get3A_388 = arith.index_cast %add3A_100 : i32 to index
          %get3A_389 = arith.index_cast %get3A_386 : i32 to index
          %get3A_390 = arith.index_cast %add3A_110 : i32 to index
          %get3A_391 = arith.index_cast %get3A_387 : i32 to index
          %get3A_392 = arith.index_cast %mul3A_122 : i32 to index
          %get3A_393 = tpu.vector_load %arg7[%get3A_388, %get3A_389, %get3A_390, %get3A_391, %get3A_392] {strides = array<i32>} : memref<2x2x2x8x128xi32, #tpu.memory_space<vmem>>, vector<16xi32>,
          %and3A_394 = arith.constant 127 : i32
          %and3A_395 = vector.broadcast %and3A_394 : i32 to vector<16xi32>
          %and3A_396 = arith.andi %get3A_393, %and3A_395 : vector<16xi32>
          %shift_right_arithmetic3A_397 = arith.constant 31 : i32
          %shift_right_arithmetic3A_398 = vector.broadcast %shift_right_arithmetic3A_397 : i32 to vector<16xi32>
          %shift_right_arithmetic3A_399 = arith.shrsi %get3A_393, %shift_right_arithmetic3A_398 : vector<16xi32>
          %add3A_400 = arith.addi %add3A_369, %shift_right_arithmetic3A_399 : vector<16xi32>
          %gather3A_401 = tpu.vector_load_idx %arg10[%broadcast_in_dim3A_75, %and3A_396] : memref<8x128xf32, #tpu.memory_space<vmem>>[vector<16xi32>, vector<16xi32>], vector<16xf32>,
          %add3A_402 = arith.addf %add3A_371, %gather3A_401 : vector<16xf32>
          %gather3A_403 = tpu.vector_load_idx %arg10[%broadcast_in_dim3A_77, %and3A_396] : memref<8x128xf32, #tpu.memory_space<vmem>>[vector<16xi32>, vector<16xi32>], vector<16xf32>,
          %add3A_404 = arith.addf %add3A_373, %gather3A_403 : vector<16xf32>
          %gather3A_405 = tpu.vector_load_idx %arg10[%broadcast_in_dim3A_79, %and3A_396] : memref<8x128xf32, #tpu.memory_space<vmem>>[vector<16xi32>, vector<16xi32>], vector<16xf32>,
          %add3A_406 = arith.addf %add3A_375, %gather3A_405 : vector<16xf32>
          %gather3A_407 = tpu.vector_load_idx %arg10[%broadcast_in_dim3A_81, %and3A_396] : memref<8x128xf32, #tpu.memory_space<vmem>>[vector<16xi32>, vector<16xi32>], vector<16xf32>,
          %add3A_408 = arith.addf %add3A_377, %gather3A_407 : vector<16xf32>
          %gather3A_409 = tpu.vector_load_idx %arg10[%broadcast_in_dim3A_83, %and3A_396] : memref<8x128xf32, #tpu.memory_space<vmem>>[vector<16xi32>, vector<16xi32>], vector<16xf32>,
          %add3A_410 = arith.addf %add3A_379, %gather3A_409 : vector<16xf32>
          %gather3A_411 = tpu.vector_load_idx %arg10[%broadcast_in_dim3A_85, %and3A_396] : memref<8x128xf32, #tpu.memory_space<vmem>>[vector<16xi32>, vector<16xi32>], vector<16xf32>,
          %add3A_412 = arith.addf %add3A_381, %gather3A_411 : vector<16xf32>
          %gather3A_413 = tpu.vector_load_idx %arg10[%broadcast_in_dim3A_87, %and3A_396] : memref<8x128xf32, #tpu.memory_space<vmem>>[vector<16xi32>, vector<16xi32>], vector<16xf32>,
          %add3A_414 = arith.addf %add3A_383, %gather3A_413 : vector<16xf32>
          %gather3A_415 = tpu.vector_load_idx %arg10[%broadcast_in_dim3A_89, %and3A_396] : memref<8x128xf32, #tpu.memory_space<vmem>>[vector<16xi32>, vector<16xi32>], vector<16xf32>,
          %add3A_416 = arith.addf %add3A_385, %gather3A_415 : vector<16xf32>
          %get3A_417 = arith.constant 1 : i32
          %get3A_418 = arith.constant 1 : i32
          %get3A_419 = arith.index_cast %add3A_100 : i32 to index
          %get3A_420 = arith.index_cast %get3A_417 : i32 to index
          %get3A_421 = arith.index_cast %add3A_110 : i32 to index
          %get3A_422 = arith.index_cast %get3A_418 : i32 to index
          %get3A_423 = arith.index_cast %mul3A_122 : i32 to index
          %get3A_424 = tpu.vector_load %arg7[%get3A_419, %get3A_420, %get3A_421, %get3A_422, %get3A_423] {strides = array<i32>} : memref<2x2x2x8x128xi32, #tpu.memory_space<vmem>>, vector<16xi32>,
          %and3A_425 = arith.constant 127 : i32
          %and3A_426 = vector.broadcast %and3A_425 : i32 to vector<16xi32>
          %and3A_427 = arith.andi %get3A_424, %and3A_426 : vector<16xi32>
          %shift_right_arithmetic3A_428 = arith.constant 31 : i32
          %shift_right_arithmetic3A_429 = vector.broadcast %shift_right_arithmetic3A_428 : i32 to vector<16xi32>
          %shift_right_arithmetic3A_430 = arith.shrsi %get3A_424, %shift_right_arithmetic3A_429 : vector<16xi32>
          %add3A_431 = arith.addi %add3A_400, %shift_right_arithmetic3A_430 : vector<16xi32>
          %gather3A_432 = tpu.vector_load_idx %arg10[%broadcast_in_dim3A_75, %and3A_427] : memref<8x128xf32, #tpu.memory_space<vmem>>[vector<16xi32>, vector<16xi32>], vector<16xf32>,
          %add3A_433 = arith.addf %add3A_402, %gather3A_432 : vector<16xf32>
          %gather3A_434 = tpu.vector_load_idx %arg10[%broadcast_in_dim3A_77, %and3A_427] : memref<8x128xf32, #tpu.memory_space<vmem>>[vector<16xi32>, vector<16xi32>], vector<16xf32>,
          %add3A_435 = arith.addf %add3A_404, %gather3A_434 : vector<16xf32>
          %gather3A_436 = tpu.vector_load_idx %arg10[%broadcast_in_dim3A_79, %and3A_427] : memref<8x128xf32, #tpu.memory_space<vmem>>[vector<16xi32>, vector<16xi32>], vector<16xf32>,
          %add3A_437 = arith.addf %add3A_406, %gather3A_436 : vector<16xf32>
          %gather3A_438 = tpu.vector_load_idx %arg10[%broadcast_in_dim3A_81, %and3A_427] : memref<8x128xf32, #tpu.memory_space<vmem>>[vector<16xi32>, vector<16xi32>], vector<16xf32>,
          %add3A_439 = arith.addf %add3A_408, %gather3A_438 : vector<16xf32>
          %gather3A_440 = tpu.vector_load_idx %arg10[%broadcast_in_dim3A_83, %and3A_427] : memref<8x128xf32, #tpu.memory_space<vmem>>[vector<16xi32>, vector<16xi32>], vector<16xf32>,
          %add3A_441 = arith.addf %add3A_410, %gather3A_440 : vector<16xf32>
          %gather3A_442 = tpu.vector_load_idx %arg10[%broadcast_in_dim3A_85, %and3A_427] : memref<8x128xf32, #tpu.memory_space<vmem>>[vector<16xi32>, vector<16xi32>], vector<16xf32>,
          %add3A_443 = arith.addf %add3A_412, %gather3A_442 : vector<16xf32>
          %gather3A_444 = tpu.vector_load_idx %arg10[%broadcast_in_dim3A_87, %and3A_427] : memref<8x128xf32, #tpu.memory_space<vmem>>[vector<16xi32>, vector<16xi32>], vector<16xf32>,
          %add3A_445 = arith.addf %add3A_414, %gather3A_444 : vector<16xf32>
          %gather3A_446 = tpu.vector_load_idx %arg10[%broadcast_in_dim3A_89, %and3A_427] : memref<8x128xf32, #tpu.memory_space<vmem>>[vector<16xi32>, vector<16xi32>], vector<16xf32>,
          %add3A_447 = arith.addf %add3A_416, %gather3A_446 : vector<16xf32>
          %get3A_448 = arith.constant 1 : i32
          %get3A_449 = arith.constant 2 : i32
          %get3A_450 = arith.index_cast %add3A_100 : i32 to index
          %get3A_451 = arith.index_cast %get3A_448 : i32 to index
          %get3A_452 = arith.index_cast %add3A_110 : i32 to index
          %get3A_453 = arith.index_cast %get3A_449 : i32 to index
          %get3A_454 = arith.index_cast %mul3A_122 : i32 to index
          %get3A_455 = tpu.vector_load %arg7[%get3A_450, %get3A_451, %get3A_452, %get3A_453, %get3A_454] {strides = array<i32>} : memref<2x2x2x8x128xi32, #tpu.memory_space<vmem>>, vector<16xi32>,
          %and3A_456 = arith.constant 127 : i32
          %and3A_457 = vector.broadcast %and3A_456 : i32 to vector<16xi32>
          %and3A_458 = arith.andi %get3A_455, %and3A_457 : vector<16xi32>
          %shift_right_arithmetic3A_459 = arith.constant 31 : i32
          %shift_right_arithmetic3A_460 = vector.broadcast %shift_right_arithmetic3A_459 : i32 to vector<16xi32>
          %shift_right_arithmetic3A_461 = arith.shrsi %get3A_455, %shift_right_arithmetic3A_460 : vector<16xi32>
          %add3A_462 = arith.addi %add3A_431, %shift_right_arithmetic3A_461 : vector<16xi32>
          %gather3A_463 = tpu.vector_load_idx %arg10[%broadcast_in_dim3A_75, %and3A_458] : memref<8x128xf32, #tpu.memory_space<vmem>>[vector<16xi32>, vector<16xi32>], vector<16xf32>,
          %add3A_464 = arith.addf %add3A_433, %gather3A_463 : vector<16xf32>
          %gather3A_465 = tpu.vector_load_idx %arg10[%broadcast_in_dim3A_77, %and3A_458] : memref<8x128xf32, #tpu.memory_space<vmem>>[vector<16xi32>, vector<16xi32>], vector<16xf32>,
          %add3A_466 = arith.addf %add3A_435, %gather3A_465 : vector<16xf32>
          %gather3A_467 = tpu.vector_load_idx %arg10[%broadcast_in_dim3A_79, %and3A_458] : memref<8x128xf32, #tpu.memory_space<vmem>>[vector<16xi32>, vector<16xi32>], vector<16xf32>,
          %add3A_468 = arith.addf %add3A_437, %gather3A_467 : vector<16xf32>
          %gather3A_469 = tpu.vector_load_idx %arg10[%broadcast_in_dim3A_81, %and3A_458] : memref<8x128xf32, #tpu.memory_space<vmem>>[vector<16xi32>, vector<16xi32>], vector<16xf32>,
          %add3A_470 = arith.addf %add3A_439, %gather3A_469 : vector<16xf32>
          %gather3A_471 = tpu.vector_load_idx %arg10[%broadcast_in_dim3A_83, %and3A_458] : memref<8x128xf32, #tpu.memory_space<vmem>>[vector<16xi32>, vector<16xi32>], vector<16xf32>,
          %add3A_472 = arith.addf %add3A_441, %gather3A_471 : vector<16xf32>
          %gather3A_473 = tpu.vector_load_idx %arg10[%broadcast_in_dim3A_85, %and3A_458] : memref<8x128xf32, #tpu.memory_space<vmem>>[vector<16xi32>, vector<16xi32>], vector<16xf32>,
          %add3A_474 = arith.addf %add3A_443, %gather3A_473 : vector<16xf32>
          %gather3A_475 = tpu.vector_load_idx %arg10[%broadcast_in_dim3A_87, %and3A_458] : memref<8x128xf32, #tpu.memory_space<vmem>>[vector<16xi32>, vector<16xi32>], vector<16xf32>,
          %add3A_476 = arith.addf %add3A_445, %gather3A_475 : vector<16xf32>
          %gather3A_477 = tpu.vector_load_idx %arg10[%broadcast_in_dim3A_89, %and3A_458] : memref<8x128xf32, #tpu.memory_space<vmem>>[vector<16xi32>, vector<16xi32>], vector<16xf32>,
          %add3A_478 = arith.addf %add3A_447, %gather3A_477 : vector<16xf32>
          %get3A_479 = arith.constant 1 : i32
          %get3A_480 = arith.constant 3 : i32
          %get3A_481 = arith.index_cast %add3A_100 : i32 to index
          %get3A_482 = arith.index_cast %get3A_479 : i32 to index
          %get3A_483 = arith.index_cast %add3A_110 : i32 to index
          %get3A_484 = arith.index_cast %get3A_480 : i32 to index
          %get3A_485 = arith.index_cast %mul3A_122 : i32 to index
          %get3A_486 = tpu.vector_load %arg7[%get3A_481, %get3A_482, %get3A_483, %get3A_484, %get3A_485] {strides = array<i32>} : memref<2x2x2x8x128xi32, #tpu.memory_space<vmem>>, vector<16xi32>,
          %and3A_487 = arith.constant 127 : i32
          %and3A_488 = vector.broadcast %and3A_487 : i32 to vector<16xi32>
          %and3A_489 = arith.andi %get3A_486, %and3A_488 : vector<16xi32>
          %shift_right_arithmetic3A_490 = arith.constant 31 : i32
          %shift_right_arithmetic3A_491 = vector.broadcast %shift_right_arithmetic3A_490 : i32 to vector<16xi32>
          %shift_right_arithmetic3A_492 = arith.shrsi %get3A_486, %shift_right_arithmetic3A_491 : vector<16xi32>
          %add3A_493 = arith.addi %add3A_462, %shift_right_arithmetic3A_492 : vector<16xi32>
          %gather3A_494 = tpu.vector_load_idx %arg10[%broadcast_in_dim3A_75, %and3A_489] : memref<8x128xf32, #tpu.memory_space<vmem>>[vector<16xi32>, vector<16xi32>], vector<16xf32>,
          %add3A_495 = arith.addf %add3A_464, %gather3A_494 : vector<16xf32>
          %gather3A_496 = tpu.vector_load_idx %arg10[%broadcast_in_dim3A_77, %and3A_489] : memref<8x128xf32, #tpu.memory_space<vmem>>[vector<16xi32>, vector<16xi32>], vector<16xf32>,
          %add3A_497 = arith.addf %add3A_466, %gather3A_496 : vector<16xf32>
          %gather3A_498 = tpu.vector_load_idx %arg10[%broadcast_in_dim3A_79, %and3A_489] : memref<8x128xf32, #tpu.memory_space<vmem>>[vector<16xi32>, vector<16xi32>], vector<16xf32>,
          %add3A_499 = arith.addf %add3A_468, %gather3A_498 : vector<16xf32>
          %gather3A_500 = tpu.vector_load_idx %arg10[%broadcast_in_dim3A_81, %and3A_489] : memref<8x128xf32, #tpu.memory_space<vmem>>[vector<16xi32>, vector<16xi32>], vector<16xf32>,
          %add3A_501 = arith.addf %add3A_470, %gather3A_500 : vector<16xf32>
          %gather3A_502 = tpu.vector_load_idx %arg10[%broadcast_in_dim3A_83, %and3A_489] : memref<8x128xf32, #tpu.memory_space<vmem>>[vector<16xi32>, vector<16xi32>], vector<16xf32>,
          %add3A_503 = arith.addf %add3A_472, %gather3A_502 : vector<16xf32>
          %gather3A_504 = tpu.vector_load_idx %arg10[%broadcast_in_dim3A_85, %and3A_489] : memref<8x128xf32, #tpu.memory_space<vmem>>[vector<16xi32>, vector<16xi32>], vector<16xf32>,
          %add3A_505 = arith.addf %add3A_474, %gather3A_504 : vector<16xf32>
          %gather3A_506 = tpu.vector_load_idx %arg10[%broadcast_in_dim3A_87, %and3A_489] : memref<8x128xf32, #tpu.memory_space<vmem>>[vector<16xi32>, vector<16xi32>], vector<16xf32>,
          %add3A_507 = arith.addf %add3A_476, %gather3A_506 : vector<16xf32>
          %gather3A_508 = tpu.vector_load_idx %arg10[%broadcast_in_dim3A_89, %and3A_489] : memref<8x128xf32, #tpu.memory_space<vmem>>[vector<16xi32>, vector<16xi32>], vector<16xf32>,
          %add3A_509 = arith.addf %add3A_478, %gather3A_508 : vector<16xf32>
          %get3A_510 = arith.constant 1 : i32
          %get3A_511 = arith.constant 4 : i32
          %get3A_512 = arith.index_cast %add3A_100 : i32 to index
          %get3A_513 = arith.index_cast %get3A_510 : i32 to index
          %get3A_514 = arith.index_cast %add3A_110 : i32 to index
          %get3A_515 = arith.index_cast %get3A_511 : i32 to index
          %get3A_516 = arith.index_cast %mul3A_122 : i32 to index
          %get3A_517 = tpu.vector_load %arg7[%get3A_512, %get3A_513, %get3A_514, %get3A_515, %get3A_516] {strides = array<i32>} : memref<2x2x2x8x128xi32, #tpu.memory_space<vmem>>, vector<16xi32>,
          %and3A_518 = arith.constant 127 : i32
          %and3A_519 = vector.broadcast %and3A_518 : i32 to vector<16xi32>
          %and3A_520 = arith.andi %get3A_517, %and3A_519 : vector<16xi32>
          %shift_right_arithmetic3A_521 = arith.constant 31 : i32
          %shift_right_arithmetic3A_522 = vector.broadcast %shift_right_arithmetic3A_521 : i32 to vector<16xi32>
          %shift_right_arithmetic3A_523 = arith.shrsi %get3A_517, %shift_right_arithmetic3A_522 : vector<16xi32>
          %add3A_524 = arith.addi %add3A_493, %shift_right_arithmetic3A_523 : vector<16xi32>
          %gather3A_525 = tpu.vector_load_idx %arg10[%broadcast_in_dim3A_75, %and3A_520] : memref<8x128xf32, #tpu.memory_space<vmem>>[vector<16xi32>, vector<16xi32>], vector<16xf32>,
          %add3A_526 = arith.addf %add3A_495, %gather3A_525 : vector<16xf32>
          %gather3A_527 = tpu.vector_load_idx %arg10[%broadcast_in_dim3A_77, %and3A_520] : memref<8x128xf32, #tpu.memory_space<vmem>>[vector<16xi32>, vector<16xi32>], vector<16xf32>,
          %add3A_528 = arith.addf %add3A_497, %gather3A_527 : vector<16xf32>
          %gather3A_529 = tpu.vector_load_idx %arg10[%broadcast_in_dim3A_79, %and3A_520] : memref<8x128xf32, #tpu.memory_space<vmem>>[vector<16xi32>, vector<16xi32>], vector<16xf32>,
          %add3A_530 = arith.addf %add3A_499, %gather3A_529 : vector<16xf32>
          %gather3A_531 = tpu.vector_load_idx %arg10[%broadcast_in_dim3A_81, %and3A_520] : memref<8x128xf32, #tpu.memory_space<vmem>>[vector<16xi32>, vector<16xi32>], vector<16xf32>,
          %add3A_532 = arith.addf %add3A_501, %gather3A_531 : vector<16xf32>
          %gather3A_533 = tpu.vector_load_idx %arg10[%broadcast_in_dim3A_83, %and3A_520] : memref<8x128xf32, #tpu.memory_space<vmem>>[vector<16xi32>, vector<16xi32>], vector<16xf32>,
          %add3A_534 = arith.addf %add3A_503, %gather3A_533 : vector<16xf32>
          %gather3A_535 = tpu.vector_load_idx %arg10[%broadcast_in_dim3A_85, %and3A_520] : memref<8x128xf32, #tpu.memory_space<vmem>>[vector<16xi32>, vector<16xi32>], vector<16xf32>,
          %add3A_536 = arith.addf %add3A_505, %gather3A_535 : vector<16xf32>
          %gather3A_537 = tpu.vector_load_idx %arg10[%broadcast_in_dim3A_87, %and3A_520] : memref<8x128xf32, #tpu.memory_space<vmem>>[vector<16xi32>, vector<16xi32>], vector<16xf32>,
          %add3A_538 = arith.addf %add3A_507, %gather3A_537 : vector<16xf32>
          %gather3A_539 = tpu.vector_load_idx %arg10[%broadcast_in_dim3A_89, %and3A_520] : memref<8x128xf32, #tpu.memory_space<vmem>>[vector<16xi32>, vector<16xi32>], vector<16xf32>,
          %add3A_540 = arith.addf %add3A_509, %gather3A_539 : vector<16xf32>
          %get3A_541 = arith.constant 1 : i32
          %get3A_542 = arith.constant 5 : i32
          %get3A_543 = arith.index_cast %add3A_100 : i32 to index
          %get3A_544 = arith.index_cast %get3A_541 : i32 to index
          %get3A_545 = arith.index_cast %add3A_110 : i32 to index
          %get3A_546 = arith.index_cast %get3A_542 : i32 to index
          %get3A_547 = arith.index_cast %mul3A_122 : i32 to index
          %get3A_548 = tpu.vector_load %arg7[%get3A_543, %get3A_544, %get3A_545, %get3A_546, %get3A_547] {strides = array<i32>} : memref<2x2x2x8x128xi32, #tpu.memory_space<vmem>>, vector<16xi32>,
          %and3A_549 = arith.constant 127 : i32
          %and3A_550 = vector.broadcast %and3A_549 : i32 to vector<16xi32>
          %and3A_551 = arith.andi %get3A_548, %and3A_550 : vector<16xi32>
          %shift_right_arithmetic3A_552 = arith.constant 31 : i32
          %shift_right_arithmetic3A_553 = vector.broadcast %shift_right_arithmetic3A_552 : i32 to vector<16xi32>
          %shift_right_arithmetic3A_554 = arith.shrsi %get3A_548, %shift_right_arithmetic3A_553 : vector<16xi32>
          %add3A_555 = arith.addi %add3A_524, %shift_right_arithmetic3A_554 : vector<16xi32>
          %gather3A_556 = tpu.vector_load_idx %arg10[%broadcast_in_dim3A_75, %and3A_551] : memref<8x128xf32, #tpu.memory_space<vmem>>[vector<16xi32>, vector<16xi32>], vector<16xf32>,
          %add3A_557 = arith.addf %add3A_526, %gather3A_556 : vector<16xf32>
          %gather3A_558 = tpu.vector_load_idx %arg10[%broadcast_in_dim3A_77, %and3A_551] : memref<8x128xf32, #tpu.memory_space<vmem>>[vector<16xi32>, vector<16xi32>], vector<16xf32>,
          %add3A_559 = arith.addf %add3A_528, %gather3A_558 : vector<16xf32>
          %gather3A_560 = tpu.vector_load_idx %arg10[%broadcast_in_dim3A_79, %and3A_551] : memref<8x128xf32, #tpu.memory_space<vmem>>[vector<16xi32>, vector<16xi32>], vector<16xf32>,
          %add3A_561 = arith.addf %add3A_530, %gather3A_560 : vector<16xf32>
          %gather3A_562 = tpu.vector_load_idx %arg10[%broadcast_in_dim3A_81, %and3A_551] : memref<8x128xf32, #tpu.memory_space<vmem>>[vector<16xi32>, vector<16xi32>], vector<16xf32>,
          %add3A_563 = arith.addf %add3A_532, %gather3A_562 : vector<16xf32>
          %gather3A_564 = tpu.vector_load_idx %arg10[%broadcast_in_dim3A_83, %and3A_551] : memref<8x128xf32, #tpu.memory_space<vmem>>[vector<16xi32>, vector<16xi32>], vector<16xf32>,
          %add3A_565 = arith.addf %add3A_534, %gather3A_564 : vector<16xf32>
          %gather3A_566 = tpu.vector_load_idx %arg10[%broadcast_in_dim3A_85, %and3A_551] : memref<8x128xf32, #tpu.memory_space<vmem>>[vector<16xi32>, vector<16xi32>], vector<16xf32>,
          %add3A_567 = arith.addf %add3A_536, %gather3A_566 : vector<16xf32>
          %gather3A_568 = tpu.vector_load_idx %arg10[%broadcast_in_dim3A_87, %and3A_551] : memref<8x128xf32, #tpu.memory_space<vmem>>[vector<16xi32>, vector<16xi32>], vector<16xf32>,
          %add3A_569 = arith.addf %add3A_538, %gather3A_568 : vector<16xf32>
          %gather3A_570 = tpu.vector_load_idx %arg10[%broadcast_in_dim3A_89, %and3A_551] : memref<8x128xf32, #tpu.memory_space<vmem>>[vector<16xi32>, vector<16xi32>], vector<16xf32>,
          %add3A_571 = arith.addf %add3A_540, %gather3A_570 : vector<16xf32>
          %get3A_572 = arith.constant 1 : i32
          %get3A_573 = arith.constant 6 : i32
          %get3A_574 = arith.index_cast %add3A_100 : i32 to index
          %get3A_575 = arith.index_cast %get3A_572 : i32 to index
          %get3A_576 = arith.index_cast %add3A_110 : i32 to index
          %get3A_577 = arith.index_cast %get3A_573 : i32 to index
          %get3A_578 = arith.index_cast %mul3A_122 : i32 to index
          %get3A_579 = tpu.vector_load %arg7[%get3A_574, %get3A_575, %get3A_576, %get3A_577, %get3A_578] {strides = array<i32>} : memref<2x2x2x8x128xi32, #tpu.memory_space<vmem>>, vector<16xi32>,
          %and3A_580 = arith.constant 127 : i32
          %and3A_581 = vector.broadcast %and3A_580 : i32 to vector<16xi32>
          %and3A_582 = arith.andi %get3A_579, %and3A_581 : vector<16xi32>
          %shift_right_arithmetic3A_583 = arith.constant 31 : i32
          %shift_right_arithmetic3A_584 = vector.broadcast %shift_right_arithmetic3A_583 : i32 to vector<16xi32>
          %shift_right_arithmetic3A_585 = arith.shrsi %get3A_579, %shift_right_arithmetic3A_584 : vector<16xi32>
          %add3A_586 = arith.addi %add3A_555, %shift_right_arithmetic3A_585 : vector<16xi32>
          %gather3A_587 = tpu.vector_load_idx %arg10[%broadcast_in_dim3A_75, %and3A_582] : memref<8x128xf32, #tpu.memory_space<vmem>>[vector<16xi32>, vector<16xi32>], vector<16xf32>,
          %add3A_588 = arith.addf %add3A_557, %gather3A_587 : vector<16xf32>
          %gather3A_589 = tpu.vector_load_idx %arg10[%broadcast_in_dim3A_77, %and3A_582] : memref<8x128xf32, #tpu.memory_space<vmem>>[vector<16xi32>, vector<16xi32>], vector<16xf32>,
          %add3A_590 = arith.addf %add3A_559, %gather3A_589 : vector<16xf32>
          %gather3A_591 = tpu.vector_load_idx %arg10[%broadcast_in_dim3A_79, %and3A_582] : memref<8x128xf32, #tpu.memory_space<vmem>>[vector<16xi32>, vector<16xi32>], vector<16xf32>,
          %add3A_592 = arith.addf %add3A_561, %gather3A_591 : vector<16xf32>
          %gather3A_593 = tpu.vector_load_idx %arg10[%broadcast_in_dim3A_81, %and3A_582] : memref<8x128xf32, #tpu.memory_space<vmem>>[vector<16xi32>, vector<16xi32>], vector<16xf32>,
          %add3A_594 = arith.addf %add3A_563, %gather3A_593 : vector<16xf32>
          %gather3A_595 = tpu.vector_load_idx %arg10[%broadcast_in_dim3A_83, %and3A_582] : memref<8x128xf32, #tpu.memory_space<vmem>>[vector<16xi32>, vector<16xi32>], vector<16xf32>,
          %add3A_596 = arith.addf %add3A_565, %gather3A_595 : vector<16xf32>
          %gather3A_597 = tpu.vector_load_idx %arg10[%broadcast_in_dim3A_85, %and3A_582] : memref<8x128xf32, #tpu.memory_space<vmem>>[vector<16xi32>, vector<16xi32>], vector<16xf32>,
          %add3A_598 = arith.addf %add3A_567, %gather3A_597 : vector<16xf32>
          %gather3A_599 = tpu.vector_load_idx %arg10[%broadcast_in_dim3A_87, %and3A_582] : memref<8x128xf32, #tpu.memory_space<vmem>>[vector<16xi32>, vector<16xi32>], vector<16xf32>,
          %add3A_600 = arith.addf %add3A_569, %gather3A_599 : vector<16xf32>
          %gather3A_601 = tpu.vector_load_idx %arg10[%broadcast_in_dim3A_89, %and3A_582] : memref<8x128xf32, #tpu.memory_space<vmem>>[vector<16xi32>, vector<16xi32>], vector<16xf32>,
          %add3A_602 = arith.addf %add3A_571, %gather3A_601 : vector<16xf32>
          %get3A_603 = arith.constant 1 : i32
          %get3A_604 = arith.constant 7 : i32
          %get3A_605 = arith.index_cast %add3A_100 : i32 to index
          %get3A_606 = arith.index_cast %get3A_603 : i32 to index
          %get3A_607 = arith.index_cast %add3A_110 : i32 to index
          %get3A_608 = arith.index_cast %get3A_604 : i32 to index
          %get3A_609 = arith.index_cast %mul3A_122 : i32 to index
          %get3A_610 = tpu.vector_load %arg7[%get3A_605, %get3A_606, %get3A_607, %get3A_608, %get3A_609] {strides = array<i32>} : memref<2x2x2x8x128xi32, #tpu.memory_space<vmem>>, vector<16xi32>,
          %and3A_611 = arith.constant 127 : i32
          %and3A_612 = vector.broadcast %and3A_611 : i32 to vector<16xi32>
          %and3A_613 = arith.andi %get3A_610, %and3A_612 : vector<16xi32>
          %shift_right_arithmetic3A_614 = arith.constant 31 : i32
          %shift_right_arithmetic3A_615 = vector.broadcast %shift_right_arithmetic3A_614 : i32 to vector<16xi32>
          %shift_right_arithmetic3A_616 = arith.shrsi %get3A_610, %shift_right_arithmetic3A_615 : vector<16xi32>
          %add3A_617 = arith.addi %add3A_586, %shift_right_arithmetic3A_616 : vector<16xi32>
          %gather3A_618 = tpu.vector_load_idx %arg10[%broadcast_in_dim3A_75, %and3A_613] : memref<8x128xf32, #tpu.memory_space<vmem>>[vector<16xi32>, vector<16xi32>], vector<16xf32>,
          %add3A_619 = arith.addf %add3A_588, %gather3A_618 : vector<16xf32>
          %gather3A_620 = tpu.vector_load_idx %arg10[%broadcast_in_dim3A_77, %and3A_613] : memref<8x128xf32, #tpu.memory_space<vmem>>[vector<16xi32>, vector<16xi32>], vector<16xf32>,
          %add3A_621 = arith.addf %add3A_590, %gather3A_620 : vector<16xf32>
          %gather3A_622 = tpu.vector_load_idx %arg10[%broadcast_in_dim3A_79, %and3A_613] : memref<8x128xf32, #tpu.memory_space<vmem>>[vector<16xi32>, vector<16xi32>], vector<16xf32>,
          %add3A_623 = arith.addf %add3A_592, %gather3A_622 : vector<16xf32>
          %gather3A_624 = tpu.vector_load_idx %arg10[%broadcast_in_dim3A_81, %and3A_613] : memref<8x128xf32, #tpu.memory_space<vmem>>[vector<16xi32>, vector<16xi32>], vector<16xf32>,
          %add3A_625 = arith.addf %add3A_594, %gather3A_624 : vector<16xf32>
          %gather3A_626 = tpu.vector_load_idx %arg10[%broadcast_in_dim3A_83, %and3A_613] : memref<8x128xf32, #tpu.memory_space<vmem>>[vector<16xi32>, vector<16xi32>], vector<16xf32>,
          %add3A_627 = arith.addf %add3A_596, %gather3A_626 : vector<16xf32>
          %gather3A_628 = tpu.vector_load_idx %arg10[%broadcast_in_dim3A_85, %and3A_613] : memref<8x128xf32, #tpu.memory_space<vmem>>[vector<16xi32>, vector<16xi32>], vector<16xf32>,
          %add3A_629 = arith.addf %add3A_598, %gather3A_628 : vector<16xf32>
          %gather3A_630 = tpu.vector_load_idx %arg10[%broadcast_in_dim3A_87, %and3A_613] : memref<8x128xf32, #tpu.memory_space<vmem>>[vector<16xi32>, vector<16xi32>], vector<16xf32>,
          %add3A_631 = arith.addf %add3A_600, %gather3A_630 : vector<16xf32>
          %gather3A_632 = tpu.vector_load_idx %arg10[%broadcast_in_dim3A_89, %and3A_613] : memref<8x128xf32, #tpu.memory_space<vmem>>[vector<16xi32>, vector<16xi32>], vector<16xf32>,
          %add3A_633 = arith.addf %add3A_602, %gather3A_632 : vector<16xf32>
          %add3A_634 = arith.constant 16 : i32
          %add3A_635 = vector.broadcast %add3A_634 : i32 to vector<16xi32>
          %add3A_636 = arith.addi %add3A_635, %add3A_617 : vector<16xi32>
          %convert_element_type3A = arith.sitofp %add3A_636 : vector<16xi32> to vector<16xf32>
          %add3A_637 = arith.constant 9.99999997E-7 : f32
          %add3A_638 = vector.broadcast %add3A_637 : f32 to vector<16xf32>
          %add3A_639 = arith.addf %convert_element_type3A, %add3A_638 : vector<16xf32>
          %div3A_640 = arith.constant 1.000000e+00 : f32
          %div3A_641 = vector.broadcast %div3A_640 : f32 to vector<16xf32>
          %div3A_642 = arith.divf %div3A_641, %add3A_639 : vector<16xf32>
          %get3A_643 = arith.index_cast %add3A_110 : i32 to index
          %get3A_644 = arith.index_cast %add3A_100 : i32 to index
          %get3A_645 = arith.index_cast %mul3A_122 : i32 to index
          %get3A_646 = tpu.vector_load %arg8[%get3A_643, %get3A_644, %get3A_645] {strides = array<i32>} : memref<2x2x128xi32, #tpu.memory_space<vmem>>, vector<16xi32>,
          %gather3A_647 = tpu.vector_load_idx %arg9[%broadcast_in_dim3A_75, %get3A_646] : memref<8x128xf32, #tpu.memory_space<vmem>>[vector<16xi32>, vector<16xi32>], vector<16xf32>,
          %mul3A_648 = arith.mulf %add3A_619, %div3A_642 : vector<16xf32>
          %add3A_649 = arith.addf %gather3A_647, %mul3A_648 : vector<16xf32>
          %swap3A = arith.constant 0 : i32
          %swap3A_650 = arith.index_cast %swap3A : i32 to index
          %swap3A_651 = arith.index_cast %add3A_110 : i32 to index
          %swap3A_652 = arith.index_cast %add3A_100 : i32 to index
          %swap3A_653 = arith.index_cast %mul3A_122 : i32 to index
          %swap3A_654 = tpu.vector_load %arg11[%swap3A_650, %swap3A_651, %swap3A_652, %swap3A_653] {strides = array<i32>} : memref<8x2x2x128xf32, #tpu.memory_space<vmem>>, vector<16xf32>,
          tpu.vector_store %arg11[%swap3A_650, %swap3A_651, %swap3A_652, %swap3A_653], %add3A_649 {strides = array<i32>} : memref<8x2x2x128xf32, #tpu.memory_space<vmem>>, vector<16xf32>,
          %gather3A_655 = tpu.vector_load_idx %arg9[%broadcast_in_dim3A_77, %get3A_646] : memref<8x128xf32, #tpu.memory_space<vmem>>[vector<16xi32>, vector<16xi32>], vector<16xf32>,
          %mul3A_656 = arith.mulf %add3A_621, %div3A_642 : vector<16xf32>
          %add3A_657 = arith.addf %gather3A_655, %mul3A_656 : vector<16xf32>
          %swap3A_658 = arith.constant 1 : i32
          %swap3A_659 = arith.index_cast %swap3A_658 : i32 to index
          %swap3A_660 = arith.index_cast %add3A_110 : i32 to index
          %swap3A_661 = arith.index_cast %add3A_100 : i32 to index
          %swap3A_662 = arith.index_cast %mul3A_122 : i32 to index
          %swap3A_663 = tpu.vector_load %arg11[%swap3A_659, %swap3A_660, %swap3A_661, %swap3A_662] {strides = array<i32>} : memref<8x2x2x128xf32, #tpu.memory_space<vmem>>, vector<16xf32>,
          tpu.vector_store %arg11[%swap3A_659, %swap3A_660, %swap3A_661, %swap3A_662], %add3A_657 {strides = array<i32>} : memref<8x2x2x128xf32, #tpu.memory_space<vmem>>, vector<16xf32>,
          %gather3A_664 = tpu.vector_load_idx %arg9[%broadcast_in_dim3A_79, %get3A_646] : memref<8x128xf32, #tpu.memory_space<vmem>>[vector<16xi32>, vector<16xi32>], vector<16xf32>,
          %mul3A_665 = arith.mulf %add3A_623, %div3A_642 : vector<16xf32>
          %add3A_666 = arith.addf %gather3A_664, %mul3A_665 : vector<16xf32>
          %swap3A_667 = arith.constant 2 : i32
          %swap3A_668 = arith.index_cast %swap3A_667 : i32 to index
          %swap3A_669 = arith.index_cast %add3A_110 : i32 to index
          %swap3A_670 = arith.index_cast %add3A_100 : i32 to index
          %swap3A_671 = arith.index_cast %mul3A_122 : i32 to index
          %swap3A_672 = tpu.vector_load %arg11[%swap3A_668, %swap3A_669, %swap3A_670, %swap3A_671] {strides = array<i32>} : memref<8x2x2x128xf32, #tpu.memory_space<vmem>>, vector<16xf32>,
          tpu.vector_store %arg11[%swap3A_668, %swap3A_669, %swap3A_670, %swap3A_671], %add3A_666 {strides = array<i32>} : memref<8x2x2x128xf32, #tpu.memory_space<vmem>>, vector<16xf32>,
          %gather3A_673 = tpu.vector_load_idx %arg9[%broadcast_in_dim3A_81, %get3A_646] : memref<8x128xf32, #tpu.memory_space<vmem>>[vector<16xi32>, vector<16xi32>], vector<16xf32>,
          %mul3A_674 = arith.mulf %add3A_625, %div3A_642 : vector<16xf32>
          %add3A_675 = arith.addf %gather3A_673, %mul3A_674 : vector<16xf32>
          %swap3A_676 = arith.constant 3 : i32
          %swap3A_677 = arith.index_cast %swap3A_676 : i32 to index
          %swap3A_678 = arith.index_cast %add3A_110 : i32 to index
          %swap3A_679 = arith.index_cast %add3A_100 : i32 to index
          %swap3A_680 = arith.index_cast %mul3A_122 : i32 to index
          %swap3A_681 = tpu.vector_load %arg11[%swap3A_677, %swap3A_678, %swap3A_679, %swap3A_680] {strides = array<i32>} : memref<8x2x2x128xf32, #tpu.memory_space<vmem>>, vector<16xf32>,
          tpu.vector_store %arg11[%swap3A_677, %swap3A_678, %swap3A_679, %swap3A_680], %add3A_675 {strides = array<i32>} : memref<8x2x2x128xf32, #tpu.memory_space<vmem>>, vector<16xf32>,
          %gather3A_682 = tpu.vector_load_idx %arg9[%broadcast_in_dim3A_83, %get3A_646] : memref<8x128xf32, #tpu.memory_space<vmem>>[vector<16xi32>, vector<16xi32>], vector<16xf32>,
          %mul3A_683 = arith.mulf %add3A_627, %div3A_642 : vector<16xf32>
          %add3A_684 = arith.addf %gather3A_682, %mul3A_683 : vector<16xf32>
          %swap3A_685 = arith.constant 4 : i32
          %swap3A_686 = arith.index_cast %swap3A_685 : i32 to index
          %swap3A_687 = arith.index_cast %add3A_110 : i32 to index
          %swap3A_688 = arith.index_cast %add3A_100 : i32 to index
          %swap3A_689 = arith.index_cast %mul3A_122 : i32 to index
          %swap3A_690 = tpu.vector_load %arg11[%swap3A_686, %swap3A_687, %swap3A_688, %swap3A_689] {strides = array<i32>} : memref<8x2x2x128xf32, #tpu.memory_space<vmem>>, vector<16xf32>,
          tpu.vector_store %arg11[%swap3A_686, %swap3A_687, %swap3A_688, %swap3A_689], %add3A_684 {strides = array<i32>} : memref<8x2x2x128xf32, #tpu.memory_space<vmem>>, vector<16xf32>,
          %gather3A_691 = tpu.vector_load_idx %arg9[%broadcast_in_dim3A_85, %get3A_646] : memref<8x128xf32, #tpu.memory_space<vmem>>[vector<16xi32>, vector<16xi32>], vector<16xf32>,
          %mul3A_692 = arith.mulf %add3A_629, %div3A_642 : vector<16xf32>
          %add3A_693 = arith.addf %gather3A_691, %mul3A_692 : vector<16xf32>
          %swap3A_694 = arith.constant 5 : i32
          %swap3A_695 = arith.index_cast %swap3A_694 : i32 to index
          %swap3A_696 = arith.index_cast %add3A_110 : i32 to index
          %swap3A_697 = arith.index_cast %add3A_100 : i32 to index
          %swap3A_698 = arith.index_cast %mul3A_122 : i32 to index
          %swap3A_699 = tpu.vector_load %arg11[%swap3A_695, %swap3A_696, %swap3A_697, %swap3A_698] {strides = array<i32>} : memref<8x2x2x128xf32, #tpu.memory_space<vmem>>, vector<16xf32>,
          tpu.vector_store %arg11[%swap3A_695, %swap3A_696, %swap3A_697, %swap3A_698], %add3A_693 {strides = array<i32>} : memref<8x2x2x128xf32, #tpu.memory_space<vmem>>, vector<16xf32>,
          %gather3A_700 = tpu.vector_load_idx %arg9[%broadcast_in_dim3A_87, %get3A_646] : memref<8x128xf32, #tpu.memory_space<vmem>>[vector<16xi32>, vector<16xi32>], vector<16xf32>,
          %mul3A_701 = arith.mulf %add3A_631, %div3A_642 : vector<16xf32>
          %add3A_702 = arith.addf %gather3A_700, %mul3A_701 : vector<16xf32>
          %swap3A_703 = arith.constant 6 : i32
          %swap3A_704 = arith.index_cast %swap3A_703 : i32 to index
          %swap3A_705 = arith.index_cast %add3A_110 : i32 to index
          %swap3A_706 = arith.index_cast %add3A_100 : i32 to index
          %swap3A_707 = arith.index_cast %mul3A_122 : i32 to index
          %swap3A_708 = tpu.vector_load %arg11[%swap3A_704, %swap3A_705, %swap3A_706, %swap3A_707] {strides = array<i32>} : memref<8x2x2x128xf32, #tpu.memory_space<vmem>>, vector<16xf32>,
          tpu.vector_store %arg11[%swap3A_704, %swap3A_705, %swap3A_706, %swap3A_707], %add3A_702 {strides = array<i32>} : memref<8x2x2x128xf32, #tpu.memory_space<vmem>>, vector<16xf32>,
          %gather3A_709 = tpu.vector_load_idx %arg9[%broadcast_in_dim3A_89, %get3A_646] : memref<8x128xf32, #tpu.memory_space<vmem>>[vector<16xi32>, vector<16xi32>], vector<16xf32>,
          %mul3A_710 = arith.mulf %add3A_633, %div3A_642 : vector<16xf32>
          %add3A_711 = arith.addf %gather3A_709, %mul3A_710 : vector<16xf32>
          %swap3A_712 = arith.constant 7 : i32
          %swap3A_713 = arith.index_cast %swap3A_712 : i32 to index
          %swap3A_714 = arith.index_cast %add3A_110 : i32 to index
          %swap3A_715 = arith.index_cast %add3A_100 : i32 to index
          %swap3A_716 = arith.index_cast %mul3A_122 : i32 to index
          %swap3A_717 = tpu.vector_load %arg11[%swap3A_713, %swap3A_714, %swap3A_715, %swap3A_716] {strides = array<i32>} : memref<8x2x2x128xf32, #tpu.memory_space<vmem>>, vector<16xf32>,
          tpu.vector_store %arg11[%swap3A_713, %swap3A_714, %swap3A_715, %swap3A_716], %add3A_711 {strides = array<i32>} : memref<8x2x2x128xf32, #tpu.memory_space<vmem>>, vector<16xf32>,
        }
        %scan3A_115 = arith.constant 8 : i32
      }
      %scan3A_105 = arith.constant 2 : i32
    }
    %scan3A_93 = arith.constant 2 : i32
    %sub3A_94 = arith.constant 30 : i32
    %sub3A_95 = arith.subi %select_n3A_58, %sub3A_94 : i32
    "tpu.region"() ({
      %run_scoped3A = tpu.sem_alloc : memref<!tpu.dma_semaphore, #tpu.memory_space<semaphore_mem>>
      %dma_start3A = arith.constant 0 : i32
      %dma_start3A_96 = arith.constant 0 : i32
      %dma_start3A_97 = arith.constant 0 : i32
      %dma_start3A_98 = tpu.memref_slice %arg6[%select_n3A, %dma_start3A, %sub3A_95, %dma_start3A_96, %select_n3A_74, %dma_start3A_97] : memref<4x8x2x2x8x128xf32, #tpu.memory_space<hbm>> -> memref<1x8x1x2x2x128xf32, #tpu.memory_space<hbm>>
      %dma_start3A_99 = tpu.memref_squeeze %dma_start3A_98 : memref<1x8x1x2x2x128xf32, #tpu.memory_space<hbm>> -> memref<8x2x2x128xf32, #tpu.memory_space<hbm>>
      %dma_start3A_100 = arith.constant 0 : i32
      %dma_start3A_101 = arith.constant 0 : i32
      %dma_start3A_102 = arith.constant 0 : i32
      %dma_start3A_103 = tpu.memref_slice %arg6[%select_n3A, %dma_start3A_100, %sub3A_95, %dma_start3A_101, %select_n3A_74, %dma_start3A_102] : memref<4x8x2x2x8x128xf32, #tpu.memory_space<hbm>> -> memref<1x8x1x2x2x128xf32, #tpu.memory_space<hbm>>
      %dma_start3A_104 = tpu.memref_squeeze %dma_start3A_103 : memref<1x8x1x2x2x128xf32, #tpu.memory_space<hbm>> -> memref<8x2x2x128xf32, #tpu.memory_space<hbm>>
      tpu.enqueue_dma source(%arg11 : memref<8x2x2x128xf32, #tpu.memory_space<vmem>>) target(%dma_start3A_104 : memref<8x2x2x128xf32, #tpu.memory_space<hbm>>) target_semaphore(%run_scoped3A : memref<!tpu.dma_semaphore, #tpu.memory_space<semaphore_mem>>)
      %dma_wait3A = arith.constant 0 : i32
      %dma_wait3A_105 = arith.constant 0 : i32
      %dma_wait3A_106 = arith.constant 0 : i32
      %dma_wait3A_107 = tpu.memref_slice %arg6[%select_n3A, %dma_wait3A, %sub3A_95, %dma_wait3A_105, %select_n3A_74, %dma_wait3A_106] : memref<4x8x2x2x8x128xf32, #tpu.memory_space<hbm>> -> memref<1x8x1x2x2x128xf32, #tpu.memory_space<hbm>>
      %dma_wait3A_108 = tpu.memref_squeeze %dma_wait3A_107 : memref<1x8x1x2x2x128xf32, #tpu.memory_space<hbm>> -> memref<8x2x2x128xf32, #tpu.memory_space<hbm>>
      %dma_wait3A_109 = arith.constant 0 : i32
      %dma_wait3A_110 = arith.constant 0 : i32
      %dma_wait3A_111 = arith.constant 0 : i32
      %dma_wait3A_112 = tpu.memref_slice %arg6[%select_n3A, %dma_wait3A_109, %sub3A_95, %dma_wait3A_110, %select_n3A_74, %dma_wait3A_111] : memref<4x8x2x2x8x128xf32, #tpu.memory_space<hbm>> -> memref<1x8x1x2x2x128xf32, #tpu.memory_space<hbm>>
      %dma_wait3A_113 = tpu.memref_squeeze %dma_wait3A_112 : memref<1x8x1x2x2x128xf32, #tpu.memory_space<hbm>> -> memref<8x2x2x128xf32, #tpu.memory_space<hbm>>
      tpu.wait_dma2 semaphore(%run_scoped3A : memref<!tpu.dma_semaphore, #tpu.memory_space<semaphore_mem>>) src(%arg11 : memref<8x2x2x128xf32, #tpu.memory_space<vmem>>) dst(%dma_wait3A_113 : memref<8x2x2x128xf32, #tpu.memory_space<hbm>>)
      tpu.yield
    }) : () -> ()
    return
  }
}

module attributes {stable_mosaic.version = 14 : i64} {
  func.func @_tc_body(%arg0: i32, %arg1: i32, %arg2: i32, %arg3: memref<1x8x16x128xi32, #tpu.memory_space<vmem>>, %arg4: memref<1x8x128xi32, #tpu.memory_space<vmem>>, %arg5: memref<8x68xf32, #tpu.memory_space<vmem>>, %arg6: memref<8x32xf32, #tpu.memory_space<vmem>>, %arg7: memref<1x8x8x128xf32, #tpu.memory_space<vmem>>, %arg8: memref<8x128xf32, #tpu.memory_space<vmem>>, %arg9: memref<8x128xf32, #tpu.memory_space<vmem>>) attributes {dimension_semantics = [#tpu.dimension_semantics<arbitrary>, #tpu.dimension_semantics<arbitrary>, #tpu.dimension_semantics<arbitrary>], iteration_bounds = array<i64: 4, 30, 2>, scalar_prefetch = 0 : i64, scratch_operands = 2 : i64, tpu.core_type = #tpu.core_type<tc>, window_params = [{transform_indices = @transform_0, window_bounds = array<i64: 1, 8, 16, 128>}, {transform_indices = @transform_1, window_bounds = array<i64: 1, 8, 128>}, {pipeline_mode = #tpu.pipeline_mode<synchronous>, transform_indices = @transform_2, window_bounds = array<i64: 8, 68>}, {pipeline_mode = #tpu.pipeline_mode<synchronous>, transform_indices = @transform_3, window_bounds = array<i64: 8, 32>}, {transform_indices = @transform_4, window_bounds = array<i64: 1, 8, 8, 128>}]} {
    %eq3A = arith.constant 0 : i32
    %eq3A_0 = arith.cmpi eq, %arg0, %eq3A : i32
    %eq3A_1 = arith.constant 0 : i32
    %eq3A_2 = arith.cmpi eq, %arg1, %eq3A_1 : i32
    %and3A = arith.andi %eq3A_0, %eq3A_2 : i1
    %eq3A_3 = arith.constant 0 : i32
    %eq3A_4 = arith.cmpi eq, %arg2, %eq3A_3 : i32
    %and3A_5 = arith.andi %and3A, %eq3A_4 : i1
    %convert_element_type3A = arith.extui %and3A_5 : i1 to i32
    %cond3A = arith.constant 0 : i32
    %cond3A_6 = arith.cmpi ne, %convert_element_type3A, %cond3A : i32
    scf.if %cond3A_6 {
      %broadcast_in_dim3A_970 = arith.constant 0.000000e+00 : f32
      %broadcast_in_dim3A_971 = vector.broadcast %broadcast_in_dim3A_970 : f32 to vector<8x128xf32>
      %swap3A_972 = arith.constant 0 : index
      %swap3A_973 = arith.constant 0 : index
      %swap3A_974 = vector.load %arg8[%swap3A_972, %swap3A_973] : memref<8x128xf32, #tpu.memory_space<vmem>>, vector<8x128xf32>
      tpu.vector_store %arg8[%swap3A_972, %swap3A_973], %broadcast_in_dim3A_971 {strides = array<i32>} : memref<8x128xf32, #tpu.memory_space<vmem>>, vector<8x128xf32>,
      %swap3A_975 = arith.constant 0 : index
      %swap3A_976 = arith.constant 0 : index
      %swap3A_977 = vector.load %arg9[%swap3A_975, %swap3A_976] : memref<8x128xf32, #tpu.memory_space<vmem>>, vector<8x128xf32>
      tpu.vector_store %arg9[%swap3A_975, %swap3A_976], %broadcast_in_dim3A_971 {strides = array<i32>} : memref<8x128xf32, #tpu.memory_space<vmem>>, vector<8x128xf32>,
      %get3A_978 = arith.constant 0 : index
      %get3A_979 = arith.constant 0 : index
      %get3A_980 = vector.load %arg5[%get3A_978, %get3A_979] : memref<8x68xf32, #tpu.memory_space<vmem>>, vector<8x68xf32>
      %swap3A_981 = arith.constant 0 : index
      %swap3A_982 = arith.constant 0 : index
      %swap3A_983 = vector.load %arg8[%swap3A_981, %swap3A_982] : memref<8x128xf32, #tpu.memory_space<vmem>>, vector<8x68xf32>
      tpu.vector_store %arg8[%swap3A_981, %swap3A_982], %get3A_980 {strides = array<i32>} : memref<8x128xf32, #tpu.memory_space<vmem>>, vector<8x68xf32>,
      %get3A_984 = arith.constant 0 : index
      %get3A_985 = arith.constant 0 : index
      %get3A_986 = vector.load %arg6[%get3A_984, %get3A_985] : memref<8x32xf32, #tpu.memory_space<vmem>>, vector<8x32xf32>
      %swap3A_987 = arith.constant 0 : index
      %swap3A_988 = arith.constant 0 : index
      %swap3A_989 = vector.load %arg9[%swap3A_987, %swap3A_988] : memref<8x128xf32, #tpu.memory_space<vmem>>, vector<8x32xf32>
      tpu.vector_store %arg9[%swap3A_987, %swap3A_988], %get3A_986 {strides = array<i32>} : memref<8x128xf32, #tpu.memory_space<vmem>>, vector<8x32xf32>,
    } else {
    }
    %get3A = arith.constant 0 : index
    %get3A_7 = arith.constant 0 : index
    %get3A_8 = vector.load %arg9[%get3A, %get3A_7] : memref<8x128xf32, #tpu.memory_space<vmem>>, vector<1x128xf32>
    %get3A_9 = vector.shape_cast %get3A_8 : vector<1x128xf32> to vector<128xf32>
    %broadcast_in_dim3A = vector.shape_cast %get3A_9 : vector<128xf32> to vector<1x128xf32>
    %broadcast_in_dim3A_10 = vector.shape_cast %broadcast_in_dim3A : vector<1x128xf32> to vector<1x128xf32>
    %broadcast_in_dim3A_11 = vector.broadcast %broadcast_in_dim3A_10 : vector<1x128xf32> to vector<8x128xf32>
    %get3A_12 = arith.constant 1 : index
    %get3A_13 = arith.constant 0 : index
    %get3A_14 = vector.load %arg9[%get3A_12, %get3A_13] : memref<8x128xf32, #tpu.memory_space<vmem>>, vector<1x128xf32>
    %get3A_15 = vector.shape_cast %get3A_14 : vector<1x128xf32> to vector<128xf32>
    %broadcast_in_dim3A_16 = vector.shape_cast %get3A_15 : vector<128xf32> to vector<1x128xf32>
    %broadcast_in_dim3A_17 = vector.shape_cast %broadcast_in_dim3A_16 : vector<1x128xf32> to vector<1x128xf32>
    %broadcast_in_dim3A_18 = vector.broadcast %broadcast_in_dim3A_17 : vector<1x128xf32> to vector<8x128xf32>
    %get3A_19 = arith.constant 2 : index
    %get3A_20 = arith.constant 0 : index
    %get3A_21 = vector.load %arg9[%get3A_19, %get3A_20] : memref<8x128xf32, #tpu.memory_space<vmem>>, vector<1x128xf32>
    %get3A_22 = vector.shape_cast %get3A_21 : vector<1x128xf32> to vector<128xf32>
    %broadcast_in_dim3A_23 = vector.shape_cast %get3A_22 : vector<128xf32> to vector<1x128xf32>
    %broadcast_in_dim3A_24 = vector.shape_cast %broadcast_in_dim3A_23 : vector<1x128xf32> to vector<1x128xf32>
    %broadcast_in_dim3A_25 = vector.broadcast %broadcast_in_dim3A_24 : vector<1x128xf32> to vector<8x128xf32>
    %get3A_26 = arith.constant 3 : index
    %get3A_27 = arith.constant 0 : index
    %get3A_28 = vector.load %arg9[%get3A_26, %get3A_27] : memref<8x128xf32, #tpu.memory_space<vmem>>, vector<1x128xf32>
    %get3A_29 = vector.shape_cast %get3A_28 : vector<1x128xf32> to vector<128xf32>
    %broadcast_in_dim3A_30 = vector.shape_cast %get3A_29 : vector<128xf32> to vector<1x128xf32>
    %broadcast_in_dim3A_31 = vector.shape_cast %broadcast_in_dim3A_30 : vector<1x128xf32> to vector<1x128xf32>
    %broadcast_in_dim3A_32 = vector.broadcast %broadcast_in_dim3A_31 : vector<1x128xf32> to vector<8x128xf32>
    %get3A_33 = arith.constant 4 : index
    %get3A_34 = arith.constant 0 : index
    %get3A_35 = vector.load %arg9[%get3A_33, %get3A_34] : memref<8x128xf32, #tpu.memory_space<vmem>>, vector<1x128xf32>
    %get3A_36 = vector.shape_cast %get3A_35 : vector<1x128xf32> to vector<128xf32>
    %broadcast_in_dim3A_37 = vector.shape_cast %get3A_36 : vector<128xf32> to vector<1x128xf32>
    %broadcast_in_dim3A_38 = vector.shape_cast %broadcast_in_dim3A_37 : vector<1x128xf32> to vector<1x128xf32>
    %broadcast_in_dim3A_39 = vector.broadcast %broadcast_in_dim3A_38 : vector<1x128xf32> to vector<8x128xf32>
    %get3A_40 = arith.constant 5 : index
    %get3A_41 = arith.constant 0 : index
    %get3A_42 = vector.load %arg9[%get3A_40, %get3A_41] : memref<8x128xf32, #tpu.memory_space<vmem>>, vector<1x128xf32>
    %get3A_43 = vector.shape_cast %get3A_42 : vector<1x128xf32> to vector<128xf32>
    %broadcast_in_dim3A_44 = vector.shape_cast %get3A_43 : vector<128xf32> to vector<1x128xf32>
    %broadcast_in_dim3A_45 = vector.shape_cast %broadcast_in_dim3A_44 : vector<1x128xf32> to vector<1x128xf32>
    %broadcast_in_dim3A_46 = vector.broadcast %broadcast_in_dim3A_45 : vector<1x128xf32> to vector<8x128xf32>
    %get3A_47 = arith.constant 6 : index
    %get3A_48 = arith.constant 0 : index
    %get3A_49 = vector.load %arg9[%get3A_47, %get3A_48] : memref<8x128xf32, #tpu.memory_space<vmem>>, vector<1x128xf32>
    %get3A_50 = vector.shape_cast %get3A_49 : vector<1x128xf32> to vector<128xf32>
    %broadcast_in_dim3A_51 = vector.shape_cast %get3A_50 : vector<128xf32> to vector<1x128xf32>
    %broadcast_in_dim3A_52 = vector.shape_cast %broadcast_in_dim3A_51 : vector<1x128xf32> to vector<1x128xf32>
    %broadcast_in_dim3A_53 = vector.broadcast %broadcast_in_dim3A_52 : vector<1x128xf32> to vector<8x128xf32>
    %get3A_54 = arith.constant 7 : index
    %get3A_55 = arith.constant 0 : index
    %get3A_56 = vector.load %arg9[%get3A_54, %get3A_55] : memref<8x128xf32, #tpu.memory_space<vmem>>, vector<1x128xf32>
    %get3A_57 = vector.shape_cast %get3A_56 : vector<1x128xf32> to vector<128xf32>
    %broadcast_in_dim3A_58 = vector.shape_cast %get3A_57 : vector<128xf32> to vector<1x128xf32>
    %broadcast_in_dim3A_59 = vector.shape_cast %broadcast_in_dim3A_58 : vector<1x128xf32> to vector<1x128xf32>
    %broadcast_in_dim3A_60 = vector.broadcast %broadcast_in_dim3A_59 : vector<1x128xf32> to vector<8x128xf32>
    %get3A_61 = arith.constant 0 : index
    %get3A_62 = arith.constant 0 : index
    %get3A_63 = vector.load %arg8[%get3A_61, %get3A_62] : memref<8x128xf32, #tpu.memory_space<vmem>>, vector<1x128xf32>
    %get3A_64 = vector.shape_cast %get3A_63 : vector<1x128xf32> to vector<128xf32>
    %broadcast_in_dim3A_65 = vector.shape_cast %get3A_64 : vector<128xf32> to vector<1x128xf32>
    %broadcast_in_dim3A_66 = vector.shape_cast %broadcast_in_dim3A_65 : vector<1x128xf32> to vector<1x128xf32>
    %broadcast_in_dim3A_67 = vector.broadcast %broadcast_in_dim3A_66 : vector<1x128xf32> to vector<8x128xf32>
    %get3A_68 = arith.constant 1 : index
    %get3A_69 = arith.constant 0 : index
    %get3A_70 = vector.load %arg8[%get3A_68, %get3A_69] : memref<8x128xf32, #tpu.memory_space<vmem>>, vector<1x128xf32>
    %get3A_71 = vector.shape_cast %get3A_70 : vector<1x128xf32> to vector<128xf32>
    %broadcast_in_dim3A_72 = vector.shape_cast %get3A_71 : vector<128xf32> to vector<1x128xf32>
    %broadcast_in_dim3A_73 = vector.shape_cast %broadcast_in_dim3A_72 : vector<1x128xf32> to vector<1x128xf32>
    %broadcast_in_dim3A_74 = vector.broadcast %broadcast_in_dim3A_73 : vector<1x128xf32> to vector<8x128xf32>
    %get3A_75 = arith.constant 2 : index
    %get3A_76 = arith.constant 0 : index
    %get3A_77 = vector.load %arg8[%get3A_75, %get3A_76] : memref<8x128xf32, #tpu.memory_space<vmem>>, vector<1x128xf32>
    %get3A_78 = vector.shape_cast %get3A_77 : vector<1x128xf32> to vector<128xf32>
    %broadcast_in_dim3A_79 = vector.shape_cast %get3A_78 : vector<128xf32> to vector<1x128xf32>
    %broadcast_in_dim3A_80 = vector.shape_cast %broadcast_in_dim3A_79 : vector<1x128xf32> to vector<1x128xf32>
    %broadcast_in_dim3A_81 = vector.broadcast %broadcast_in_dim3A_80 : vector<1x128xf32> to vector<8x128xf32>
    %get3A_82 = arith.constant 3 : index
    %get3A_83 = arith.constant 0 : index
    %get3A_84 = vector.load %arg8[%get3A_82, %get3A_83] : memref<8x128xf32, #tpu.memory_space<vmem>>, vector<1x128xf32>
    %get3A_85 = vector.shape_cast %get3A_84 : vector<1x128xf32> to vector<128xf32>
    %broadcast_in_dim3A_86 = vector.shape_cast %get3A_85 : vector<128xf32> to vector<1x128xf32>
    %broadcast_in_dim3A_87 = vector.shape_cast %broadcast_in_dim3A_86 : vector<1x128xf32> to vector<1x128xf32>
    %broadcast_in_dim3A_88 = vector.broadcast %broadcast_in_dim3A_87 : vector<1x128xf32> to vector<8x128xf32>
    %get3A_89 = arith.constant 4 : index
    %get3A_90 = arith.constant 0 : index
    %get3A_91 = vector.load %arg8[%get3A_89, %get3A_90] : memref<8x128xf32, #tpu.memory_space<vmem>>, vector<1x128xf32>
    %get3A_92 = vector.shape_cast %get3A_91 : vector<1x128xf32> to vector<128xf32>
    %broadcast_in_dim3A_93 = vector.shape_cast %get3A_92 : vector<128xf32> to vector<1x128xf32>
    %broadcast_in_dim3A_94 = vector.shape_cast %broadcast_in_dim3A_93 : vector<1x128xf32> to vector<1x128xf32>
    %broadcast_in_dim3A_95 = vector.broadcast %broadcast_in_dim3A_94 : vector<1x128xf32> to vector<8x128xf32>
    %get3A_96 = arith.constant 5 : index
    %get3A_97 = arith.constant 0 : index
    %get3A_98 = vector.load %arg8[%get3A_96, %get3A_97] : memref<8x128xf32, #tpu.memory_space<vmem>>, vector<1x128xf32>
    %get3A_99 = vector.shape_cast %get3A_98 : vector<1x128xf32> to vector<128xf32>
    %broadcast_in_dim3A_100 = vector.shape_cast %get3A_99 : vector<128xf32> to vector<1x128xf32>
    %broadcast_in_dim3A_101 = vector.shape_cast %broadcast_in_dim3A_100 : vector<1x128xf32> to vector<1x128xf32>
    %broadcast_in_dim3A_102 = vector.broadcast %broadcast_in_dim3A_101 : vector<1x128xf32> to vector<8x128xf32>
    %get3A_103 = arith.constant 6 : index
    %get3A_104 = arith.constant 0 : index
    %get3A_105 = vector.load %arg8[%get3A_103, %get3A_104] : memref<8x128xf32, #tpu.memory_space<vmem>>, vector<1x128xf32>
    %get3A_106 = vector.shape_cast %get3A_105 : vector<1x128xf32> to vector<128xf32>
    %broadcast_in_dim3A_107 = vector.shape_cast %get3A_106 : vector<128xf32> to vector<1x128xf32>
    %broadcast_in_dim3A_108 = vector.shape_cast %broadcast_in_dim3A_107 : vector<1x128xf32> to vector<1x128xf32>
    %broadcast_in_dim3A_109 = vector.broadcast %broadcast_in_dim3A_108 : vector<1x128xf32> to vector<8x128xf32>
    %get3A_110 = arith.constant 7 : index
    %get3A_111 = arith.constant 0 : index
    %get3A_112 = vector.load %arg8[%get3A_110, %get3A_111] : memref<8x128xf32, #tpu.memory_space<vmem>>, vector<1x128xf32>
    %get3A_113 = vector.shape_cast %get3A_112 : vector<1x128xf32> to vector<128xf32>
    %broadcast_in_dim3A_114 = vector.shape_cast %get3A_113 : vector<128xf32> to vector<1x128xf32>
    %broadcast_in_dim3A_115 = vector.shape_cast %broadcast_in_dim3A_114 : vector<1x128xf32> to vector<1x128xf32>
    %broadcast_in_dim3A_116 = vector.broadcast %broadcast_in_dim3A_115 : vector<1x128xf32> to vector<8x128xf32>
    %broadcast_in_dim3A_117 = arith.constant 0 : i32
    %broadcast_in_dim3A_118 = vector.broadcast %broadcast_in_dim3A_117 : i32 to vector<8x128xi32>
    %broadcast_in_dim3A_119 = arith.constant 0.000000e+00 : f32
    %broadcast_in_dim3A_120 = vector.broadcast %broadcast_in_dim3A_119 : f32 to vector<8x128xf32>
    %broadcast_in_dim3A_121 = arith.constant 0.000000e+00 : f32
    %broadcast_in_dim3A_122 = vector.broadcast %broadcast_in_dim3A_121 : f32 to vector<8x128xf32>
    %broadcast_in_dim3A_123 = arith.constant 0.000000e+00 : f32
    %broadcast_in_dim3A_124 = vector.broadcast %broadcast_in_dim3A_123 : f32 to vector<8x128xf32>
    %broadcast_in_dim3A_125 = arith.constant 0.000000e+00 : f32
    %broadcast_in_dim3A_126 = vector.broadcast %broadcast_in_dim3A_125 : f32 to vector<8x128xf32>
    %broadcast_in_dim3A_127 = arith.constant 0.000000e+00 : f32
    %broadcast_in_dim3A_128 = vector.broadcast %broadcast_in_dim3A_127 : f32 to vector<8x128xf32>
    %broadcast_in_dim3A_129 = arith.constant 0.000000e+00 : f32
    %broadcast_in_dim3A_130 = vector.broadcast %broadcast_in_dim3A_129 : f32 to vector<8x128xf32>
    %broadcast_in_dim3A_131 = arith.constant 0.000000e+00 : f32
    %broadcast_in_dim3A_132 = vector.broadcast %broadcast_in_dim3A_131 : f32 to vector<8x128xf32>
    %broadcast_in_dim3A_133 = arith.constant 0.000000e+00 : f32
    %broadcast_in_dim3A_134 = vector.broadcast %broadcast_in_dim3A_133 : f32 to vector<8x128xf32>
    %get3A_135 = arith.constant 0 : index
    %get3A_136 = arith.constant 0 : index
    %get3A_137 = arith.constant 0 : index
    %get3A_138 = arith.constant 0 : index
    %get3A_139 = vector.load %arg3[%get3A_135, %get3A_136, %get3A_137, %get3A_138] : memref<1x8x16x128xi32, #tpu.memory_space<vmem>>, vector<1x8x1x128xi32>
    %get3A_140 = vector.shape_cast %get3A_139 : vector<1x8x1x128xi32> to vector<8x128xi32>
    %ge3A = arith.constant 0 : i32
    %ge3A_141 = vector.broadcast %ge3A : i32 to vector<8x128xi32>
    %ge3A_142 = arith.cmpi sge, %get3A_140, %ge3A_141 : vector<8x128xi32>
    %convert_element_type3A_143 = arith.extui %ge3A_142 : vector<8x128xi1> to vector<8x128xi32>
    %add3A = arith.addi %broadcast_in_dim3A_118, %convert_element_type3A_143 : vector<8x128xi32>
    %jit3A = arith.constant 32 : i32
    %broadcast_in_dim3A_144 = vector.broadcast %jit3A : i32 to vector<8x128xi32>
    %select_n3A = arith.select %ge3A_142, %get3A_140, %broadcast_in_dim3A_144 : vector<8x128xi1>, vector<8x128xi32>
    %reshape3A = vector.shape_cast %select_n3A : vector<8x128xi32> to vector<8x128x1xi32>
    %gather3A = vector.shape_cast %reshape3A : vector<8x128x1xi32> to vector<8x128xi32>
    %gather3A_145 = tpu.dynamic_gather %broadcast_in_dim3A_11[%gather3A] in [1] : vector<8x128xf32>, vector<8x128xi32> -> vector<8x128xf32>
    %add3A_146 = arith.addf %broadcast_in_dim3A_120, %gather3A_145 : vector<8x128xf32>
    %reshape3A_147 = vector.shape_cast %select_n3A : vector<8x128xi32> to vector<8x128x1xi32>
    %gather3A_148 = vector.shape_cast %reshape3A_147 : vector<8x128x1xi32> to vector<8x128xi32>
    %gather3A_149 = tpu.dynamic_gather %broadcast_in_dim3A_18[%gather3A_148] in [1] : vector<8x128xf32>, vector<8x128xi32> -> vector<8x128xf32>
    %add3A_150 = arith.addf %broadcast_in_dim3A_122, %gather3A_149 : vector<8x128xf32>
    %reshape3A_151 = vector.shape_cast %select_n3A : vector<8x128xi32> to vector<8x128x1xi32>
    %gather3A_152 = vector.shape_cast %reshape3A_151 : vector<8x128x1xi32> to vector<8x128xi32>
    %gather3A_153 = tpu.dynamic_gather %broadcast_in_dim3A_25[%gather3A_152] in [1] : vector<8x128xf32>, vector<8x128xi32> -> vector<8x128xf32>
    %add3A_154 = arith.addf %broadcast_in_dim3A_124, %gather3A_153 : vector<8x128xf32>
    %reshape3A_155 = vector.shape_cast %select_n3A : vector<8x128xi32> to vector<8x128x1xi32>
    %gather3A_156 = vector.shape_cast %reshape3A_155 : vector<8x128x1xi32> to vector<8x128xi32>
    %gather3A_157 = tpu.dynamic_gather %broadcast_in_dim3A_32[%gather3A_156] in [1] : vector<8x128xf32>, vector<8x128xi32> -> vector<8x128xf32>
    %add3A_158 = arith.addf %broadcast_in_dim3A_126, %gather3A_157 : vector<8x128xf32>
    %reshape3A_159 = vector.shape_cast %select_n3A : vector<8x128xi32> to vector<8x128x1xi32>
    %gather3A_160 = vector.shape_cast %reshape3A_159 : vector<8x128x1xi32> to vector<8x128xi32>
    %gather3A_161 = tpu.dynamic_gather %broadcast_in_dim3A_39[%gather3A_160] in [1] : vector<8x128xf32>, vector<8x128xi32> -> vector<8x128xf32>
    %add3A_162 = arith.addf %broadcast_in_dim3A_128, %gather3A_161 : vector<8x128xf32>
    %reshape3A_163 = vector.shape_cast %select_n3A : vector<8x128xi32> to vector<8x128x1xi32>
    %gather3A_164 = vector.shape_cast %reshape3A_163 : vector<8x128x1xi32> to vector<8x128xi32>
    %gather3A_165 = tpu.dynamic_gather %broadcast_in_dim3A_46[%gather3A_164] in [1] : vector<8x128xf32>, vector<8x128xi32> -> vector<8x128xf32>
    %add3A_166 = arith.addf %broadcast_in_dim3A_130, %gather3A_165 : vector<8x128xf32>
    %reshape3A_167 = vector.shape_cast %select_n3A : vector<8x128xi32> to vector<8x128x1xi32>
    %gather3A_168 = vector.shape_cast %reshape3A_167 : vector<8x128x1xi32> to vector<8x128xi32>
    %gather3A_169 = tpu.dynamic_gather %broadcast_in_dim3A_53[%gather3A_168] in [1] : vector<8x128xf32>, vector<8x128xi32> -> vector<8x128xf32>
    %add3A_170 = arith.addf %broadcast_in_dim3A_132, %gather3A_169 : vector<8x128xf32>
    %reshape3A_171 = vector.shape_cast %select_n3A : vector<8x128xi32> to vector<8x128x1xi32>
    %gather3A_172 = vector.shape_cast %reshape3A_171 : vector<8x128x1xi32> to vector<8x128xi32>
    %gather3A_173 = tpu.dynamic_gather %broadcast_in_dim3A_60[%gather3A_172] in [1] : vector<8x128xf32>, vector<8x128xi32> -> vector<8x128xf32>
    %add3A_174 = arith.addf %broadcast_in_dim3A_134, %gather3A_173 : vector<8x128xf32>
    %get3A_175 = arith.constant 0 : index
    %get3A_176 = arith.constant 0 : index
    %get3A_177 = arith.constant 1 : index
    %get3A_178 = arith.constant 0 : index
    %get3A_179 = vector.load %arg3[%get3A_175, %get3A_176, %get3A_177, %get3A_178] : memref<1x8x16x128xi32, #tpu.memory_space<vmem>>, vector<1x8x1x128xi32>
    %get3A_180 = vector.shape_cast %get3A_179 : vector<1x8x1x128xi32> to vector<8x128xi32>
    %ge3A_181 = arith.constant 0 : i32
    %ge3A_182 = vector.broadcast %ge3A_181 : i32 to vector<8x128xi32>
    %ge3A_183 = arith.cmpi sge, %get3A_180, %ge3A_182 : vector<8x128xi32>
    %convert_element_type3A_184 = arith.extui %ge3A_183 : vector<8x128xi1> to vector<8x128xi32>
    %add3A_185 = arith.addi %add3A, %convert_element_type3A_184 : vector<8x128xi32>
    %jit3A_186 = arith.constant 32 : i32
    %broadcast_in_dim3A_187 = vector.broadcast %jit3A_186 : i32 to vector<8x128xi32>
    %select_n3A_188 = arith.select %ge3A_183, %get3A_180, %broadcast_in_dim3A_187 : vector<8x128xi1>, vector<8x128xi32>
    %reshape3A_189 = vector.shape_cast %select_n3A_188 : vector<8x128xi32> to vector<8x128x1xi32>
    %gather3A_190 = vector.shape_cast %reshape3A_189 : vector<8x128x1xi32> to vector<8x128xi32>
    %gather3A_191 = tpu.dynamic_gather %broadcast_in_dim3A_11[%gather3A_190] in [1] : vector<8x128xf32>, vector<8x128xi32> -> vector<8x128xf32>
    %add3A_192 = arith.addf %add3A_146, %gather3A_191 : vector<8x128xf32>
    %reshape3A_193 = vector.shape_cast %select_n3A_188 : vector<8x128xi32> to vector<8x128x1xi32>
    %gather3A_194 = vector.shape_cast %reshape3A_193 : vector<8x128x1xi32> to vector<8x128xi32>
    %gather3A_195 = tpu.dynamic_gather %broadcast_in_dim3A_18[%gather3A_194] in [1] : vector<8x128xf32>, vector<8x128xi32> -> vector<8x128xf32>
    %add3A_196 = arith.addf %add3A_150, %gather3A_195 : vector<8x128xf32>
    %reshape3A_197 = vector.shape_cast %select_n3A_188 : vector<8x128xi32> to vector<8x128x1xi32>
    %gather3A_198 = vector.shape_cast %reshape3A_197 : vector<8x128x1xi32> to vector<8x128xi32>
    %gather3A_199 = tpu.dynamic_gather %broadcast_in_dim3A_25[%gather3A_198] in [1] : vector<8x128xf32>, vector<8x128xi32> -> vector<8x128xf32>
    %add3A_200 = arith.addf %add3A_154, %gather3A_199 : vector<8x128xf32>
    %reshape3A_201 = vector.shape_cast %select_n3A_188 : vector<8x128xi32> to vector<8x128x1xi32>
    %gather3A_202 = vector.shape_cast %reshape3A_201 : vector<8x128x1xi32> to vector<8x128xi32>
    %gather3A_203 = tpu.dynamic_gather %broadcast_in_dim3A_32[%gather3A_202] in [1] : vector<8x128xf32>, vector<8x128xi32> -> vector<8x128xf32>
    %add3A_204 = arith.addf %add3A_158, %gather3A_203 : vector<8x128xf32>
    %reshape3A_205 = vector.shape_cast %select_n3A_188 : vector<8x128xi32> to vector<8x128x1xi32>
    %gather3A_206 = vector.shape_cast %reshape3A_205 : vector<8x128x1xi32> to vector<8x128xi32>
    %gather3A_207 = tpu.dynamic_gather %broadcast_in_dim3A_39[%gather3A_206] in [1] : vector<8x128xf32>, vector<8x128xi32> -> vector<8x128xf32>
    %add3A_208 = arith.addf %add3A_162, %gather3A_207 : vector<8x128xf32>
    %reshape3A_209 = vector.shape_cast %select_n3A_188 : vector<8x128xi32> to vector<8x128x1xi32>
    %gather3A_210 = vector.shape_cast %reshape3A_209 : vector<8x128x1xi32> to vector<8x128xi32>
    %gather3A_211 = tpu.dynamic_gather %broadcast_in_dim3A_46[%gather3A_210] in [1] : vector<8x128xf32>, vector<8x128xi32> -> vector<8x128xf32>
    %add3A_212 = arith.addf %add3A_166, %gather3A_211 : vector<8x128xf32>
    %reshape3A_213 = vector.shape_cast %select_n3A_188 : vector<8x128xi32> to vector<8x128x1xi32>
    %gather3A_214 = vector.shape_cast %reshape3A_213 : vector<8x128x1xi32> to vector<8x128xi32>
    %gather3A_215 = tpu.dynamic_gather %broadcast_in_dim3A_53[%gather3A_214] in [1] : vector<8x128xf32>, vector<8x128xi32> -> vector<8x128xf32>
    %add3A_216 = arith.addf %add3A_170, %gather3A_215 : vector<8x128xf32>
    %reshape3A_217 = vector.shape_cast %select_n3A_188 : vector<8x128xi32> to vector<8x128x1xi32>
    %gather3A_218 = vector.shape_cast %reshape3A_217 : vector<8x128x1xi32> to vector<8x128xi32>
    %gather3A_219 = tpu.dynamic_gather %broadcast_in_dim3A_60[%gather3A_218] in [1] : vector<8x128xf32>, vector<8x128xi32> -> vector<8x128xf32>
    %add3A_220 = arith.addf %add3A_174, %gather3A_219 : vector<8x128xf32>
    %get3A_221 = arith.constant 0 : index
    %get3A_222 = arith.constant 0 : index
    %get3A_223 = arith.constant 2 : index
    %get3A_224 = arith.constant 0 : index
    %get3A_225 = vector.load %arg3[%get3A_221, %get3A_222, %get3A_223, %get3A_224] : memref<1x8x16x128xi32, #tpu.memory_space<vmem>>, vector<1x8x1x128xi32>
    %get3A_226 = vector.shape_cast %get3A_225 : vector<1x8x1x128xi32> to vector<8x128xi32>
    %ge3A_227 = arith.constant 0 : i32
    %ge3A_228 = vector.broadcast %ge3A_227 : i32 to vector<8x128xi32>
    %ge3A_229 = arith.cmpi sge, %get3A_226, %ge3A_228 : vector<8x128xi32>
    %convert_element_type3A_230 = arith.extui %ge3A_229 : vector<8x128xi1> to vector<8x128xi32>
    %add3A_231 = arith.addi %add3A_185, %convert_element_type3A_230 : vector<8x128xi32>
    %jit3A_232 = arith.constant 32 : i32
    %broadcast_in_dim3A_233 = vector.broadcast %jit3A_232 : i32 to vector<8x128xi32>
    %select_n3A_234 = arith.select %ge3A_229, %get3A_226, %broadcast_in_dim3A_233 : vector<8x128xi1>, vector<8x128xi32>
    %reshape3A_235 = vector.shape_cast %select_n3A_234 : vector<8x128xi32> to vector<8x128x1xi32>
    %gather3A_236 = vector.shape_cast %reshape3A_235 : vector<8x128x1xi32> to vector<8x128xi32>
    %gather3A_237 = tpu.dynamic_gather %broadcast_in_dim3A_11[%gather3A_236] in [1] : vector<8x128xf32>, vector<8x128xi32> -> vector<8x128xf32>
    %add3A_238 = arith.addf %add3A_192, %gather3A_237 : vector<8x128xf32>
    %reshape3A_239 = vector.shape_cast %select_n3A_234 : vector<8x128xi32> to vector<8x128x1xi32>
    %gather3A_240 = vector.shape_cast %reshape3A_239 : vector<8x128x1xi32> to vector<8x128xi32>
    %gather3A_241 = tpu.dynamic_gather %broadcast_in_dim3A_18[%gather3A_240] in [1] : vector<8x128xf32>, vector<8x128xi32> -> vector<8x128xf32>
    %add3A_242 = arith.addf %add3A_196, %gather3A_241 : vector<8x128xf32>
    %reshape3A_243 = vector.shape_cast %select_n3A_234 : vector<8x128xi32> to vector<8x128x1xi32>
    %gather3A_244 = vector.shape_cast %reshape3A_243 : vector<8x128x1xi32> to vector<8x128xi32>
    %gather3A_245 = tpu.dynamic_gather %broadcast_in_dim3A_25[%gather3A_244] in [1] : vector<8x128xf32>, vector<8x128xi32> -> vector<8x128xf32>
    %add3A_246 = arith.addf %add3A_200, %gather3A_245 : vector<8x128xf32>
    %reshape3A_247 = vector.shape_cast %select_n3A_234 : vector<8x128xi32> to vector<8x128x1xi32>
    %gather3A_248 = vector.shape_cast %reshape3A_247 : vector<8x128x1xi32> to vector<8x128xi32>
    %gather3A_249 = tpu.dynamic_gather %broadcast_in_dim3A_32[%gather3A_248] in [1] : vector<8x128xf32>, vector<8x128xi32> -> vector<8x128xf32>
    %add3A_250 = arith.addf %add3A_204, %gather3A_249 : vector<8x128xf32>
    %reshape3A_251 = vector.shape_cast %select_n3A_234 : vector<8x128xi32> to vector<8x128x1xi32>
    %gather3A_252 = vector.shape_cast %reshape3A_251 : vector<8x128x1xi32> to vector<8x128xi32>
    %gather3A_253 = tpu.dynamic_gather %broadcast_in_dim3A_39[%gather3A_252] in [1] : vector<8x128xf32>, vector<8x128xi32> -> vector<8x128xf32>
    %add3A_254 = arith.addf %add3A_208, %gather3A_253 : vector<8x128xf32>
    %reshape3A_255 = vector.shape_cast %select_n3A_234 : vector<8x128xi32> to vector<8x128x1xi32>
    %gather3A_256 = vector.shape_cast %reshape3A_255 : vector<8x128x1xi32> to vector<8x128xi32>
    %gather3A_257 = tpu.dynamic_gather %broadcast_in_dim3A_46[%gather3A_256] in [1] : vector<8x128xf32>, vector<8x128xi32> -> vector<8x128xf32>
    %add3A_258 = arith.addf %add3A_212, %gather3A_257 : vector<8x128xf32>
    %reshape3A_259 = vector.shape_cast %select_n3A_234 : vector<8x128xi32> to vector<8x128x1xi32>
    %gather3A_260 = vector.shape_cast %reshape3A_259 : vector<8x128x1xi32> to vector<8x128xi32>
    %gather3A_261 = tpu.dynamic_gather %broadcast_in_dim3A_53[%gather3A_260] in [1] : vector<8x128xf32>, vector<8x128xi32> -> vector<8x128xf32>
    %add3A_262 = arith.addf %add3A_216, %gather3A_261 : vector<8x128xf32>
    %reshape3A_263 = vector.shape_cast %select_n3A_234 : vector<8x128xi32> to vector<8x128x1xi32>
    %gather3A_264 = vector.shape_cast %reshape3A_263 : vector<8x128x1xi32> to vector<8x128xi32>
    %gather3A_265 = tpu.dynamic_gather %broadcast_in_dim3A_60[%gather3A_264] in [1] : vector<8x128xf32>, vector<8x128xi32> -> vector<8x128xf32>
    %add3A_266 = arith.addf %add3A_220, %gather3A_265 : vector<8x128xf32>
    %get3A_267 = arith.constant 0 : index
    %get3A_268 = arith.constant 0 : index
    %get3A_269 = arith.constant 3 : index
    %get3A_270 = arith.constant 0 : index
    %get3A_271 = vector.load %arg3[%get3A_267, %get3A_268, %get3A_269, %get3A_270] : memref<1x8x16x128xi32, #tpu.memory_space<vmem>>, vector<1x8x1x128xi32>
    %get3A_272 = vector.shape_cast %get3A_271 : vector<1x8x1x128xi32> to vector<8x128xi32>
    %ge3A_273 = arith.constant 0 : i32
    %ge3A_274 = vector.broadcast %ge3A_273 : i32 to vector<8x128xi32>
    %ge3A_275 = arith.cmpi sge, %get3A_272, %ge3A_274 : vector<8x128xi32>
    %convert_element_type3A_276 = arith.extui %ge3A_275 : vector<8x128xi1> to vector<8x128xi32>
    %add3A_277 = arith.addi %add3A_231, %convert_element_type3A_276 : vector<8x128xi32>
    %jit3A_278 = arith.constant 32 : i32
    %broadcast_in_dim3A_279 = vector.broadcast %jit3A_278 : i32 to vector<8x128xi32>
    %select_n3A_280 = arith.select %ge3A_275, %get3A_272, %broadcast_in_dim3A_279 : vector<8x128xi1>, vector<8x128xi32>
    %reshape3A_281 = vector.shape_cast %select_n3A_280 : vector<8x128xi32> to vector<8x128x1xi32>
    %gather3A_282 = vector.shape_cast %reshape3A_281 : vector<8x128x1xi32> to vector<8x128xi32>
    %gather3A_283 = tpu.dynamic_gather %broadcast_in_dim3A_11[%gather3A_282] in [1] : vector<8x128xf32>, vector<8x128xi32> -> vector<8x128xf32>
    %add3A_284 = arith.addf %add3A_238, %gather3A_283 : vector<8x128xf32>
    %reshape3A_285 = vector.shape_cast %select_n3A_280 : vector<8x128xi32> to vector<8x128x1xi32>
    %gather3A_286 = vector.shape_cast %reshape3A_285 : vector<8x128x1xi32> to vector<8x128xi32>
    %gather3A_287 = tpu.dynamic_gather %broadcast_in_dim3A_18[%gather3A_286] in [1] : vector<8x128xf32>, vector<8x128xi32> -> vector<8x128xf32>
    %add3A_288 = arith.addf %add3A_242, %gather3A_287 : vector<8x128xf32>
    %reshape3A_289 = vector.shape_cast %select_n3A_280 : vector<8x128xi32> to vector<8x128x1xi32>
    %gather3A_290 = vector.shape_cast %reshape3A_289 : vector<8x128x1xi32> to vector<8x128xi32>
    %gather3A_291 = tpu.dynamic_gather %broadcast_in_dim3A_25[%gather3A_290] in [1] : vector<8x128xf32>, vector<8x128xi32> -> vector<8x128xf32>
    %add3A_292 = arith.addf %add3A_246, %gather3A_291 : vector<8x128xf32>
    %reshape3A_293 = vector.shape_cast %select_n3A_280 : vector<8x128xi32> to vector<8x128x1xi32>
    %gather3A_294 = vector.shape_cast %reshape3A_293 : vector<8x128x1xi32> to vector<8x128xi32>
    %gather3A_295 = tpu.dynamic_gather %broadcast_in_dim3A_32[%gather3A_294] in [1] : vector<8x128xf32>, vector<8x128xi32> -> vector<8x128xf32>
    %add3A_296 = arith.addf %add3A_250, %gather3A_295 : vector<8x128xf32>
    %reshape3A_297 = vector.shape_cast %select_n3A_280 : vector<8x128xi32> to vector<8x128x1xi32>
    %gather3A_298 = vector.shape_cast %reshape3A_297 : vector<8x128x1xi32> to vector<8x128xi32>
    %gather3A_299 = tpu.dynamic_gather %broadcast_in_dim3A_39[%gather3A_298] in [1] : vector<8x128xf32>, vector<8x128xi32> -> vector<8x128xf32>
    %add3A_300 = arith.addf %add3A_254, %gather3A_299 : vector<8x128xf32>
    %reshape3A_301 = vector.shape_cast %select_n3A_280 : vector<8x128xi32> to vector<8x128x1xi32>
    %gather3A_302 = vector.shape_cast %reshape3A_301 : vector<8x128x1xi32> to vector<8x128xi32>
    %gather3A_303 = tpu.dynamic_gather %broadcast_in_dim3A_46[%gather3A_302] in [1] : vector<8x128xf32>, vector<8x128xi32> -> vector<8x128xf32>
    %add3A_304 = arith.addf %add3A_258, %gather3A_303 : vector<8x128xf32>
    %reshape3A_305 = vector.shape_cast %select_n3A_280 : vector<8x128xi32> to vector<8x128x1xi32>
    %gather3A_306 = vector.shape_cast %reshape3A_305 : vector<8x128x1xi32> to vector<8x128xi32>
    %gather3A_307 = tpu.dynamic_gather %broadcast_in_dim3A_53[%gather3A_306] in [1] : vector<8x128xf32>, vector<8x128xi32> -> vector<8x128xf32>
    %add3A_308 = arith.addf %add3A_262, %gather3A_307 : vector<8x128xf32>
    %reshape3A_309 = vector.shape_cast %select_n3A_280 : vector<8x128xi32> to vector<8x128x1xi32>
    %gather3A_310 = vector.shape_cast %reshape3A_309 : vector<8x128x1xi32> to vector<8x128xi32>
    %gather3A_311 = tpu.dynamic_gather %broadcast_in_dim3A_60[%gather3A_310] in [1] : vector<8x128xf32>, vector<8x128xi32> -> vector<8x128xf32>
    %add3A_312 = arith.addf %add3A_266, %gather3A_311 : vector<8x128xf32>
    %get3A_313 = arith.constant 0 : index
    %get3A_314 = arith.constant 0 : index
    %get3A_315 = arith.constant 4 : index
    %get3A_316 = arith.constant 0 : index
    %get3A_317 = vector.load %arg3[%get3A_313, %get3A_314, %get3A_315, %get3A_316] : memref<1x8x16x128xi32, #tpu.memory_space<vmem>>, vector<1x8x1x128xi32>
    %get3A_318 = vector.shape_cast %get3A_317 : vector<1x8x1x128xi32> to vector<8x128xi32>
    %ge3A_319 = arith.constant 0 : i32
    %ge3A_320 = vector.broadcast %ge3A_319 : i32 to vector<8x128xi32>
    %ge3A_321 = arith.cmpi sge, %get3A_318, %ge3A_320 : vector<8x128xi32>
    %convert_element_type3A_322 = arith.extui %ge3A_321 : vector<8x128xi1> to vector<8x128xi32>
    %add3A_323 = arith.addi %add3A_277, %convert_element_type3A_322 : vector<8x128xi32>
    %jit3A_324 = arith.constant 32 : i32
    %broadcast_in_dim3A_325 = vector.broadcast %jit3A_324 : i32 to vector<8x128xi32>
    %select_n3A_326 = arith.select %ge3A_321, %get3A_318, %broadcast_in_dim3A_325 : vector<8x128xi1>, vector<8x128xi32>
    %reshape3A_327 = vector.shape_cast %select_n3A_326 : vector<8x128xi32> to vector<8x128x1xi32>
    %gather3A_328 = vector.shape_cast %reshape3A_327 : vector<8x128x1xi32> to vector<8x128xi32>
    %gather3A_329 = tpu.dynamic_gather %broadcast_in_dim3A_11[%gather3A_328] in [1] : vector<8x128xf32>, vector<8x128xi32> -> vector<8x128xf32>
    %add3A_330 = arith.addf %add3A_284, %gather3A_329 : vector<8x128xf32>
    %reshape3A_331 = vector.shape_cast %select_n3A_326 : vector<8x128xi32> to vector<8x128x1xi32>
    %gather3A_332 = vector.shape_cast %reshape3A_331 : vector<8x128x1xi32> to vector<8x128xi32>
    %gather3A_333 = tpu.dynamic_gather %broadcast_in_dim3A_18[%gather3A_332] in [1] : vector<8x128xf32>, vector<8x128xi32> -> vector<8x128xf32>
    %add3A_334 = arith.addf %add3A_288, %gather3A_333 : vector<8x128xf32>
    %reshape3A_335 = vector.shape_cast %select_n3A_326 : vector<8x128xi32> to vector<8x128x1xi32>
    %gather3A_336 = vector.shape_cast %reshape3A_335 : vector<8x128x1xi32> to vector<8x128xi32>
    %gather3A_337 = tpu.dynamic_gather %broadcast_in_dim3A_25[%gather3A_336] in [1] : vector<8x128xf32>, vector<8x128xi32> -> vector<8x128xf32>
    %add3A_338 = arith.addf %add3A_292, %gather3A_337 : vector<8x128xf32>
    %reshape3A_339 = vector.shape_cast %select_n3A_326 : vector<8x128xi32> to vector<8x128x1xi32>
    %gather3A_340 = vector.shape_cast %reshape3A_339 : vector<8x128x1xi32> to vector<8x128xi32>
    %gather3A_341 = tpu.dynamic_gather %broadcast_in_dim3A_32[%gather3A_340] in [1] : vector<8x128xf32>, vector<8x128xi32> -> vector<8x128xf32>
    %add3A_342 = arith.addf %add3A_296, %gather3A_341 : vector<8x128xf32>
    %reshape3A_343 = vector.shape_cast %select_n3A_326 : vector<8x128xi32> to vector<8x128x1xi32>
    %gather3A_344 = vector.shape_cast %reshape3A_343 : vector<8x128x1xi32> to vector<8x128xi32>
    %gather3A_345 = tpu.dynamic_gather %broadcast_in_dim3A_39[%gather3A_344] in [1] : vector<8x128xf32>, vector<8x128xi32> -> vector<8x128xf32>
    %add3A_346 = arith.addf %add3A_300, %gather3A_345 : vector<8x128xf32>
    %reshape3A_347 = vector.shape_cast %select_n3A_326 : vector<8x128xi32> to vector<8x128x1xi32>
    %gather3A_348 = vector.shape_cast %reshape3A_347 : vector<8x128x1xi32> to vector<8x128xi32>
    %gather3A_349 = tpu.dynamic_gather %broadcast_in_dim3A_46[%gather3A_348] in [1] : vector<8x128xf32>, vector<8x128xi32> -> vector<8x128xf32>
    %add3A_350 = arith.addf %add3A_304, %gather3A_349 : vector<8x128xf32>
    %reshape3A_351 = vector.shape_cast %select_n3A_326 : vector<8x128xi32> to vector<8x128x1xi32>
    %gather3A_352 = vector.shape_cast %reshape3A_351 : vector<8x128x1xi32> to vector<8x128xi32>
    %gather3A_353 = tpu.dynamic_gather %broadcast_in_dim3A_53[%gather3A_352] in [1] : vector<8x128xf32>, vector<8x128xi32> -> vector<8x128xf32>
    %add3A_354 = arith.addf %add3A_308, %gather3A_353 : vector<8x128xf32>
    %reshape3A_355 = vector.shape_cast %select_n3A_326 : vector<8x128xi32> to vector<8x128x1xi32>
    %gather3A_356 = vector.shape_cast %reshape3A_355 : vector<8x128x1xi32> to vector<8x128xi32>
    %gather3A_357 = tpu.dynamic_gather %broadcast_in_dim3A_60[%gather3A_356] in [1] : vector<8x128xf32>, vector<8x128xi32> -> vector<8x128xf32>
    %add3A_358 = arith.addf %add3A_312, %gather3A_357 : vector<8x128xf32>
    %get3A_359 = arith.constant 0 : index
    %get3A_360 = arith.constant 0 : index
    %get3A_361 = arith.constant 5 : index
    %get3A_362 = arith.constant 0 : index
    %get3A_363 = vector.load %arg3[%get3A_359, %get3A_360, %get3A_361, %get3A_362] : memref<1x8x16x128xi32, #tpu.memory_space<vmem>>, vector<1x8x1x128xi32>
    %get3A_364 = vector.shape_cast %get3A_363 : vector<1x8x1x128xi32> to vector<8x128xi32>
    %ge3A_365 = arith.constant 0 : i32
    %ge3A_366 = vector.broadcast %ge3A_365 : i32 to vector<8x128xi32>
    %ge3A_367 = arith.cmpi sge, %get3A_364, %ge3A_366 : vector<8x128xi32>
    %convert_element_type3A_368 = arith.extui %ge3A_367 : vector<8x128xi1> to vector<8x128xi32>
    %add3A_369 = arith.addi %add3A_323, %convert_element_type3A_368 : vector<8x128xi32>
    %jit3A_370 = arith.constant 32 : i32
    %broadcast_in_dim3A_371 = vector.broadcast %jit3A_370 : i32 to vector<8x128xi32>
    %select_n3A_372 = arith.select %ge3A_367, %get3A_364, %broadcast_in_dim3A_371 : vector<8x128xi1>, vector<8x128xi32>
    %reshape3A_373 = vector.shape_cast %select_n3A_372 : vector<8x128xi32> to vector<8x128x1xi32>
    %gather3A_374 = vector.shape_cast %reshape3A_373 : vector<8x128x1xi32> to vector<8x128xi32>
    %gather3A_375 = tpu.dynamic_gather %broadcast_in_dim3A_11[%gather3A_374] in [1] : vector<8x128xf32>, vector<8x128xi32> -> vector<8x128xf32>
    %add3A_376 = arith.addf %add3A_330, %gather3A_375 : vector<8x128xf32>
    %reshape3A_377 = vector.shape_cast %select_n3A_372 : vector<8x128xi32> to vector<8x128x1xi32>
    %gather3A_378 = vector.shape_cast %reshape3A_377 : vector<8x128x1xi32> to vector<8x128xi32>
    %gather3A_379 = tpu.dynamic_gather %broadcast_in_dim3A_18[%gather3A_378] in [1] : vector<8x128xf32>, vector<8x128xi32> -> vector<8x128xf32>
    %add3A_380 = arith.addf %add3A_334, %gather3A_379 : vector<8x128xf32>
    %reshape3A_381 = vector.shape_cast %select_n3A_372 : vector<8x128xi32> to vector<8x128x1xi32>
    %gather3A_382 = vector.shape_cast %reshape3A_381 : vector<8x128x1xi32> to vector<8x128xi32>
    %gather3A_383 = tpu.dynamic_gather %broadcast_in_dim3A_25[%gather3A_382] in [1] : vector<8x128xf32>, vector<8x128xi32> -> vector<8x128xf32>
    %add3A_384 = arith.addf %add3A_338, %gather3A_383 : vector<8x128xf32>
    %reshape3A_385 = vector.shape_cast %select_n3A_372 : vector<8x128xi32> to vector<8x128x1xi32>
    %gather3A_386 = vector.shape_cast %reshape3A_385 : vector<8x128x1xi32> to vector<8x128xi32>
    %gather3A_387 = tpu.dynamic_gather %broadcast_in_dim3A_32[%gather3A_386] in [1] : vector<8x128xf32>, vector<8x128xi32> -> vector<8x128xf32>
    %add3A_388 = arith.addf %add3A_342, %gather3A_387 : vector<8x128xf32>
    %reshape3A_389 = vector.shape_cast %select_n3A_372 : vector<8x128xi32> to vector<8x128x1xi32>
    %gather3A_390 = vector.shape_cast %reshape3A_389 : vector<8x128x1xi32> to vector<8x128xi32>
    %gather3A_391 = tpu.dynamic_gather %broadcast_in_dim3A_39[%gather3A_390] in [1] : vector<8x128xf32>, vector<8x128xi32> -> vector<8x128xf32>
    %add3A_392 = arith.addf %add3A_346, %gather3A_391 : vector<8x128xf32>
    %reshape3A_393 = vector.shape_cast %select_n3A_372 : vector<8x128xi32> to vector<8x128x1xi32>
    %gather3A_394 = vector.shape_cast %reshape3A_393 : vector<8x128x1xi32> to vector<8x128xi32>
    %gather3A_395 = tpu.dynamic_gather %broadcast_in_dim3A_46[%gather3A_394] in [1] : vector<8x128xf32>, vector<8x128xi32> -> vector<8x128xf32>
    %add3A_396 = arith.addf %add3A_350, %gather3A_395 : vector<8x128xf32>
    %reshape3A_397 = vector.shape_cast %select_n3A_372 : vector<8x128xi32> to vector<8x128x1xi32>
    %gather3A_398 = vector.shape_cast %reshape3A_397 : vector<8x128x1xi32> to vector<8x128xi32>
    %gather3A_399 = tpu.dynamic_gather %broadcast_in_dim3A_53[%gather3A_398] in [1] : vector<8x128xf32>, vector<8x128xi32> -> vector<8x128xf32>
    %add3A_400 = arith.addf %add3A_354, %gather3A_399 : vector<8x128xf32>
    %reshape3A_401 = vector.shape_cast %select_n3A_372 : vector<8x128xi32> to vector<8x128x1xi32>
    %gather3A_402 = vector.shape_cast %reshape3A_401 : vector<8x128x1xi32> to vector<8x128xi32>
    %gather3A_403 = tpu.dynamic_gather %broadcast_in_dim3A_60[%gather3A_402] in [1] : vector<8x128xf32>, vector<8x128xi32> -> vector<8x128xf32>
    %add3A_404 = arith.addf %add3A_358, %gather3A_403 : vector<8x128xf32>
    %get3A_405 = arith.constant 0 : index
    %get3A_406 = arith.constant 0 : index
    %get3A_407 = arith.constant 6 : index
    %get3A_408 = arith.constant 0 : index
    %get3A_409 = vector.load %arg3[%get3A_405, %get3A_406, %get3A_407, %get3A_408] : memref<1x8x16x128xi32, #tpu.memory_space<vmem>>, vector<1x8x1x128xi32>
    %get3A_410 = vector.shape_cast %get3A_409 : vector<1x8x1x128xi32> to vector<8x128xi32>
    %ge3A_411 = arith.constant 0 : i32
    %ge3A_412 = vector.broadcast %ge3A_411 : i32 to vector<8x128xi32>
    %ge3A_413 = arith.cmpi sge, %get3A_410, %ge3A_412 : vector<8x128xi32>
    %convert_element_type3A_414 = arith.extui %ge3A_413 : vector<8x128xi1> to vector<8x128xi32>
    %add3A_415 = arith.addi %add3A_369, %convert_element_type3A_414 : vector<8x128xi32>
    %jit3A_416 = arith.constant 32 : i32
    %broadcast_in_dim3A_417 = vector.broadcast %jit3A_416 : i32 to vector<8x128xi32>
    %select_n3A_418 = arith.select %ge3A_413, %get3A_410, %broadcast_in_dim3A_417 : vector<8x128xi1>, vector<8x128xi32>
    %reshape3A_419 = vector.shape_cast %select_n3A_418 : vector<8x128xi32> to vector<8x128x1xi32>
    %gather3A_420 = vector.shape_cast %reshape3A_419 : vector<8x128x1xi32> to vector<8x128xi32>
    %gather3A_421 = tpu.dynamic_gather %broadcast_in_dim3A_11[%gather3A_420] in [1] : vector<8x128xf32>, vector<8x128xi32> -> vector<8x128xf32>
    %add3A_422 = arith.addf %add3A_376, %gather3A_421 : vector<8x128xf32>
    %reshape3A_423 = vector.shape_cast %select_n3A_418 : vector<8x128xi32> to vector<8x128x1xi32>
    %gather3A_424 = vector.shape_cast %reshape3A_423 : vector<8x128x1xi32> to vector<8x128xi32>
    %gather3A_425 = tpu.dynamic_gather %broadcast_in_dim3A_18[%gather3A_424] in [1] : vector<8x128xf32>, vector<8x128xi32> -> vector<8x128xf32>
    %add3A_426 = arith.addf %add3A_380, %gather3A_425 : vector<8x128xf32>
    %reshape3A_427 = vector.shape_cast %select_n3A_418 : vector<8x128xi32> to vector<8x128x1xi32>
    %gather3A_428 = vector.shape_cast %reshape3A_427 : vector<8x128x1xi32> to vector<8x128xi32>
    %gather3A_429 = tpu.dynamic_gather %broadcast_in_dim3A_25[%gather3A_428] in [1] : vector<8x128xf32>, vector<8x128xi32> -> vector<8x128xf32>
    %add3A_430 = arith.addf %add3A_384, %gather3A_429 : vector<8x128xf32>
    %reshape3A_431 = vector.shape_cast %select_n3A_418 : vector<8x128xi32> to vector<8x128x1xi32>
    %gather3A_432 = vector.shape_cast %reshape3A_431 : vector<8x128x1xi32> to vector<8x128xi32>
    %gather3A_433 = tpu.dynamic_gather %broadcast_in_dim3A_32[%gather3A_432] in [1] : vector<8x128xf32>, vector<8x128xi32> -> vector<8x128xf32>
    %add3A_434 = arith.addf %add3A_388, %gather3A_433 : vector<8x128xf32>
    %reshape3A_435 = vector.shape_cast %select_n3A_418 : vector<8x128xi32> to vector<8x128x1xi32>
    %gather3A_436 = vector.shape_cast %reshape3A_435 : vector<8x128x1xi32> to vector<8x128xi32>
    %gather3A_437 = tpu.dynamic_gather %broadcast_in_dim3A_39[%gather3A_436] in [1] : vector<8x128xf32>, vector<8x128xi32> -> vector<8x128xf32>
    %add3A_438 = arith.addf %add3A_392, %gather3A_437 : vector<8x128xf32>
    %reshape3A_439 = vector.shape_cast %select_n3A_418 : vector<8x128xi32> to vector<8x128x1xi32>
    %gather3A_440 = vector.shape_cast %reshape3A_439 : vector<8x128x1xi32> to vector<8x128xi32>
    %gather3A_441 = tpu.dynamic_gather %broadcast_in_dim3A_46[%gather3A_440] in [1] : vector<8x128xf32>, vector<8x128xi32> -> vector<8x128xf32>
    %add3A_442 = arith.addf %add3A_396, %gather3A_441 : vector<8x128xf32>
    %reshape3A_443 = vector.shape_cast %select_n3A_418 : vector<8x128xi32> to vector<8x128x1xi32>
    %gather3A_444 = vector.shape_cast %reshape3A_443 : vector<8x128x1xi32> to vector<8x128xi32>
    %gather3A_445 = tpu.dynamic_gather %broadcast_in_dim3A_53[%gather3A_444] in [1] : vector<8x128xf32>, vector<8x128xi32> -> vector<8x128xf32>
    %add3A_446 = arith.addf %add3A_400, %gather3A_445 : vector<8x128xf32>
    %reshape3A_447 = vector.shape_cast %select_n3A_418 : vector<8x128xi32> to vector<8x128x1xi32>
    %gather3A_448 = vector.shape_cast %reshape3A_447 : vector<8x128x1xi32> to vector<8x128xi32>
    %gather3A_449 = tpu.dynamic_gather %broadcast_in_dim3A_60[%gather3A_448] in [1] : vector<8x128xf32>, vector<8x128xi32> -> vector<8x128xf32>
    %add3A_450 = arith.addf %add3A_404, %gather3A_449 : vector<8x128xf32>
    %get3A_451 = arith.constant 0 : index
    %get3A_452 = arith.constant 0 : index
    %get3A_453 = arith.constant 7 : index
    %get3A_454 = arith.constant 0 : index
    %get3A_455 = vector.load %arg3[%get3A_451, %get3A_452, %get3A_453, %get3A_454] : memref<1x8x16x128xi32, #tpu.memory_space<vmem>>, vector<1x8x1x128xi32>
    %get3A_456 = vector.shape_cast %get3A_455 : vector<1x8x1x128xi32> to vector<8x128xi32>
    %ge3A_457 = arith.constant 0 : i32
    %ge3A_458 = vector.broadcast %ge3A_457 : i32 to vector<8x128xi32>
    %ge3A_459 = arith.cmpi sge, %get3A_456, %ge3A_458 : vector<8x128xi32>
    %convert_element_type3A_460 = arith.extui %ge3A_459 : vector<8x128xi1> to vector<8x128xi32>
    %add3A_461 = arith.addi %add3A_415, %convert_element_type3A_460 : vector<8x128xi32>
    %jit3A_462 = arith.constant 32 : i32
    %broadcast_in_dim3A_463 = vector.broadcast %jit3A_462 : i32 to vector<8x128xi32>
    %select_n3A_464 = arith.select %ge3A_459, %get3A_456, %broadcast_in_dim3A_463 : vector<8x128xi1>, vector<8x128xi32>
    %reshape3A_465 = vector.shape_cast %select_n3A_464 : vector<8x128xi32> to vector<8x128x1xi32>
    %gather3A_466 = vector.shape_cast %reshape3A_465 : vector<8x128x1xi32> to vector<8x128xi32>
    %gather3A_467 = tpu.dynamic_gather %broadcast_in_dim3A_11[%gather3A_466] in [1] : vector<8x128xf32>, vector<8x128xi32> -> vector<8x128xf32>
    %add3A_468 = arith.addf %add3A_422, %gather3A_467 : vector<8x128xf32>
    %reshape3A_469 = vector.shape_cast %select_n3A_464 : vector<8x128xi32> to vector<8x128x1xi32>
    %gather3A_470 = vector.shape_cast %reshape3A_469 : vector<8x128x1xi32> to vector<8x128xi32>
    %gather3A_471 = tpu.dynamic_gather %broadcast_in_dim3A_18[%gather3A_470] in [1] : vector<8x128xf32>, vector<8x128xi32> -> vector<8x128xf32>
    %add3A_472 = arith.addf %add3A_426, %gather3A_471 : vector<8x128xf32>
    %reshape3A_473 = vector.shape_cast %select_n3A_464 : vector<8x128xi32> to vector<8x128x1xi32>
    %gather3A_474 = vector.shape_cast %reshape3A_473 : vector<8x128x1xi32> to vector<8x128xi32>
    %gather3A_475 = tpu.dynamic_gather %broadcast_in_dim3A_25[%gather3A_474] in [1] : vector<8x128xf32>, vector<8x128xi32> -> vector<8x128xf32>
    %add3A_476 = arith.addf %add3A_430, %gather3A_475 : vector<8x128xf32>
    %reshape3A_477 = vector.shape_cast %select_n3A_464 : vector<8x128xi32> to vector<8x128x1xi32>
    %gather3A_478 = vector.shape_cast %reshape3A_477 : vector<8x128x1xi32> to vector<8x128xi32>
    %gather3A_479 = tpu.dynamic_gather %broadcast_in_dim3A_32[%gather3A_478] in [1] : vector<8x128xf32>, vector<8x128xi32> -> vector<8x128xf32>
    %add3A_480 = arith.addf %add3A_434, %gather3A_479 : vector<8x128xf32>
    %reshape3A_481 = vector.shape_cast %select_n3A_464 : vector<8x128xi32> to vector<8x128x1xi32>
    %gather3A_482 = vector.shape_cast %reshape3A_481 : vector<8x128x1xi32> to vector<8x128xi32>
    %gather3A_483 = tpu.dynamic_gather %broadcast_in_dim3A_39[%gather3A_482] in [1] : vector<8x128xf32>, vector<8x128xi32> -> vector<8x128xf32>
    %add3A_484 = arith.addf %add3A_438, %gather3A_483 : vector<8x128xf32>
    %reshape3A_485 = vector.shape_cast %select_n3A_464 : vector<8x128xi32> to vector<8x128x1xi32>
    %gather3A_486 = vector.shape_cast %reshape3A_485 : vector<8x128x1xi32> to vector<8x128xi32>
    %gather3A_487 = tpu.dynamic_gather %broadcast_in_dim3A_46[%gather3A_486] in [1] : vector<8x128xf32>, vector<8x128xi32> -> vector<8x128xf32>
    %add3A_488 = arith.addf %add3A_442, %gather3A_487 : vector<8x128xf32>
    %reshape3A_489 = vector.shape_cast %select_n3A_464 : vector<8x128xi32> to vector<8x128x1xi32>
    %gather3A_490 = vector.shape_cast %reshape3A_489 : vector<8x128x1xi32> to vector<8x128xi32>
    %gather3A_491 = tpu.dynamic_gather %broadcast_in_dim3A_53[%gather3A_490] in [1] : vector<8x128xf32>, vector<8x128xi32> -> vector<8x128xf32>
    %add3A_492 = arith.addf %add3A_446, %gather3A_491 : vector<8x128xf32>
    %reshape3A_493 = vector.shape_cast %select_n3A_464 : vector<8x128xi32> to vector<8x128x1xi32>
    %gather3A_494 = vector.shape_cast %reshape3A_493 : vector<8x128x1xi32> to vector<8x128xi32>
    %gather3A_495 = tpu.dynamic_gather %broadcast_in_dim3A_60[%gather3A_494] in [1] : vector<8x128xf32>, vector<8x128xi32> -> vector<8x128xf32>
    %add3A_496 = arith.addf %add3A_450, %gather3A_495 : vector<8x128xf32>
    %get3A_497 = arith.constant 0 : index
    %get3A_498 = arith.constant 0 : index
    %get3A_499 = arith.constant 8 : index
    %get3A_500 = arith.constant 0 : index
    %get3A_501 = vector.load %arg3[%get3A_497, %get3A_498, %get3A_499, %get3A_500] : memref<1x8x16x128xi32, #tpu.memory_space<vmem>>, vector<1x8x1x128xi32>
    %get3A_502 = vector.shape_cast %get3A_501 : vector<1x8x1x128xi32> to vector<8x128xi32>
    %ge3A_503 = arith.constant 0 : i32
    %ge3A_504 = vector.broadcast %ge3A_503 : i32 to vector<8x128xi32>
    %ge3A_505 = arith.cmpi sge, %get3A_502, %ge3A_504 : vector<8x128xi32>
    %convert_element_type3A_506 = arith.extui %ge3A_505 : vector<8x128xi1> to vector<8x128xi32>
    %add3A_507 = arith.addi %add3A_461, %convert_element_type3A_506 : vector<8x128xi32>
    %jit3A_508 = arith.constant 32 : i32
    %broadcast_in_dim3A_509 = vector.broadcast %jit3A_508 : i32 to vector<8x128xi32>
    %select_n3A_510 = arith.select %ge3A_505, %get3A_502, %broadcast_in_dim3A_509 : vector<8x128xi1>, vector<8x128xi32>
    %reshape3A_511 = vector.shape_cast %select_n3A_510 : vector<8x128xi32> to vector<8x128x1xi32>
    %gather3A_512 = vector.shape_cast %reshape3A_511 : vector<8x128x1xi32> to vector<8x128xi32>
    %gather3A_513 = tpu.dynamic_gather %broadcast_in_dim3A_11[%gather3A_512] in [1] : vector<8x128xf32>, vector<8x128xi32> -> vector<8x128xf32>
    %add3A_514 = arith.addf %add3A_468, %gather3A_513 : vector<8x128xf32>
    %reshape3A_515 = vector.shape_cast %select_n3A_510 : vector<8x128xi32> to vector<8x128x1xi32>
    %gather3A_516 = vector.shape_cast %reshape3A_515 : vector<8x128x1xi32> to vector<8x128xi32>
    %gather3A_517 = tpu.dynamic_gather %broadcast_in_dim3A_18[%gather3A_516] in [1] : vector<8x128xf32>, vector<8x128xi32> -> vector<8x128xf32>
    %add3A_518 = arith.addf %add3A_472, %gather3A_517 : vector<8x128xf32>
    %reshape3A_519 = vector.shape_cast %select_n3A_510 : vector<8x128xi32> to vector<8x128x1xi32>
    %gather3A_520 = vector.shape_cast %reshape3A_519 : vector<8x128x1xi32> to vector<8x128xi32>
    %gather3A_521 = tpu.dynamic_gather %broadcast_in_dim3A_25[%gather3A_520] in [1] : vector<8x128xf32>, vector<8x128xi32> -> vector<8x128xf32>
    %add3A_522 = arith.addf %add3A_476, %gather3A_521 : vector<8x128xf32>
    %reshape3A_523 = vector.shape_cast %select_n3A_510 : vector<8x128xi32> to vector<8x128x1xi32>
    %gather3A_524 = vector.shape_cast %reshape3A_523 : vector<8x128x1xi32> to vector<8x128xi32>
    %gather3A_525 = tpu.dynamic_gather %broadcast_in_dim3A_32[%gather3A_524] in [1] : vector<8x128xf32>, vector<8x128xi32> -> vector<8x128xf32>
    %add3A_526 = arith.addf %add3A_480, %gather3A_525 : vector<8x128xf32>
    %reshape3A_527 = vector.shape_cast %select_n3A_510 : vector<8x128xi32> to vector<8x128x1xi32>
    %gather3A_528 = vector.shape_cast %reshape3A_527 : vector<8x128x1xi32> to vector<8x128xi32>
    %gather3A_529 = tpu.dynamic_gather %broadcast_in_dim3A_39[%gather3A_528] in [1] : vector<8x128xf32>, vector<8x128xi32> -> vector<8x128xf32>
    %add3A_530 = arith.addf %add3A_484, %gather3A_529 : vector<8x128xf32>
    %reshape3A_531 = vector.shape_cast %select_n3A_510 : vector<8x128xi32> to vector<8x128x1xi32>
    %gather3A_532 = vector.shape_cast %reshape3A_531 : vector<8x128x1xi32> to vector<8x128xi32>
    %gather3A_533 = tpu.dynamic_gather %broadcast_in_dim3A_46[%gather3A_532] in [1] : vector<8x128xf32>, vector<8x128xi32> -> vector<8x128xf32>
    %add3A_534 = arith.addf %add3A_488, %gather3A_533 : vector<8x128xf32>
    %reshape3A_535 = vector.shape_cast %select_n3A_510 : vector<8x128xi32> to vector<8x128x1xi32>
    %gather3A_536 = vector.shape_cast %reshape3A_535 : vector<8x128x1xi32> to vector<8x128xi32>
    %gather3A_537 = tpu.dynamic_gather %broadcast_in_dim3A_53[%gather3A_536] in [1] : vector<8x128xf32>, vector<8x128xi32> -> vector<8x128xf32>
    %add3A_538 = arith.addf %add3A_492, %gather3A_537 : vector<8x128xf32>
    %reshape3A_539 = vector.shape_cast %select_n3A_510 : vector<8x128xi32> to vector<8x128x1xi32>
    %gather3A_540 = vector.shape_cast %reshape3A_539 : vector<8x128x1xi32> to vector<8x128xi32>
    %gather3A_541 = tpu.dynamic_gather %broadcast_in_dim3A_60[%gather3A_540] in [1] : vector<8x128xf32>, vector<8x128xi32> -> vector<8x128xf32>
    %add3A_542 = arith.addf %add3A_496, %gather3A_541 : vector<8x128xf32>
    %get3A_543 = arith.constant 0 : index
    %get3A_544 = arith.constant 0 : index
    %get3A_545 = arith.constant 9 : index
    %get3A_546 = arith.constant 0 : index
    %get3A_547 = vector.load %arg3[%get3A_543, %get3A_544, %get3A_545, %get3A_546] : memref<1x8x16x128xi32, #tpu.memory_space<vmem>>, vector<1x8x1x128xi32>
    %get3A_548 = vector.shape_cast %get3A_547 : vector<1x8x1x128xi32> to vector<8x128xi32>
    %ge3A_549 = arith.constant 0 : i32
    %ge3A_550 = vector.broadcast %ge3A_549 : i32 to vector<8x128xi32>
    %ge3A_551 = arith.cmpi sge, %get3A_548, %ge3A_550 : vector<8x128xi32>
    %convert_element_type3A_552 = arith.extui %ge3A_551 : vector<8x128xi1> to vector<8x128xi32>
    %add3A_553 = arith.addi %add3A_507, %convert_element_type3A_552 : vector<8x128xi32>
    %jit3A_554 = arith.constant 32 : i32
    %broadcast_in_dim3A_555 = vector.broadcast %jit3A_554 : i32 to vector<8x128xi32>
    %select_n3A_556 = arith.select %ge3A_551, %get3A_548, %broadcast_in_dim3A_555 : vector<8x128xi1>, vector<8x128xi32>
    %reshape3A_557 = vector.shape_cast %select_n3A_556 : vector<8x128xi32> to vector<8x128x1xi32>
    %gather3A_558 = vector.shape_cast %reshape3A_557 : vector<8x128x1xi32> to vector<8x128xi32>
    %gather3A_559 = tpu.dynamic_gather %broadcast_in_dim3A_11[%gather3A_558] in [1] : vector<8x128xf32>, vector<8x128xi32> -> vector<8x128xf32>
    %add3A_560 = arith.addf %add3A_514, %gather3A_559 : vector<8x128xf32>
    %reshape3A_561 = vector.shape_cast %select_n3A_556 : vector<8x128xi32> to vector<8x128x1xi32>
    %gather3A_562 = vector.shape_cast %reshape3A_561 : vector<8x128x1xi32> to vector<8x128xi32>
    %gather3A_563 = tpu.dynamic_gather %broadcast_in_dim3A_18[%gather3A_562] in [1] : vector<8x128xf32>, vector<8x128xi32> -> vector<8x128xf32>
    %add3A_564 = arith.addf %add3A_518, %gather3A_563 : vector<8x128xf32>
    %reshape3A_565 = vector.shape_cast %select_n3A_556 : vector<8x128xi32> to vector<8x128x1xi32>
    %gather3A_566 = vector.shape_cast %reshape3A_565 : vector<8x128x1xi32> to vector<8x128xi32>
    %gather3A_567 = tpu.dynamic_gather %broadcast_in_dim3A_25[%gather3A_566] in [1] : vector<8x128xf32>, vector<8x128xi32> -> vector<8x128xf32>
    %add3A_568 = arith.addf %add3A_522, %gather3A_567 : vector<8x128xf32>
    %reshape3A_569 = vector.shape_cast %select_n3A_556 : vector<8x128xi32> to vector<8x128x1xi32>
    %gather3A_570 = vector.shape_cast %reshape3A_569 : vector<8x128x1xi32> to vector<8x128xi32>
    %gather3A_571 = tpu.dynamic_gather %broadcast_in_dim3A_32[%gather3A_570] in [1] : vector<8x128xf32>, vector<8x128xi32> -> vector<8x128xf32>
    %add3A_572 = arith.addf %add3A_526, %gather3A_571 : vector<8x128xf32>
    %reshape3A_573 = vector.shape_cast %select_n3A_556 : vector<8x128xi32> to vector<8x128x1xi32>
    %gather3A_574 = vector.shape_cast %reshape3A_573 : vector<8x128x1xi32> to vector<8x128xi32>
    %gather3A_575 = tpu.dynamic_gather %broadcast_in_dim3A_39[%gather3A_574] in [1] : vector<8x128xf32>, vector<8x128xi32> -> vector<8x128xf32>
    %add3A_576 = arith.addf %add3A_530, %gather3A_575 : vector<8x128xf32>
    %reshape3A_577 = vector.shape_cast %select_n3A_556 : vector<8x128xi32> to vector<8x128x1xi32>
    %gather3A_578 = vector.shape_cast %reshape3A_577 : vector<8x128x1xi32> to vector<8x128xi32>
    %gather3A_579 = tpu.dynamic_gather %broadcast_in_dim3A_46[%gather3A_578] in [1] : vector<8x128xf32>, vector<8x128xi32> -> vector<8x128xf32>
    %add3A_580 = arith.addf %add3A_534, %gather3A_579 : vector<8x128xf32>
    %reshape3A_581 = vector.shape_cast %select_n3A_556 : vector<8x128xi32> to vector<8x128x1xi32>
    %gather3A_582 = vector.shape_cast %reshape3A_581 : vector<8x128x1xi32> to vector<8x128xi32>
    %gather3A_583 = tpu.dynamic_gather %broadcast_in_dim3A_53[%gather3A_582] in [1] : vector<8x128xf32>, vector<8x128xi32> -> vector<8x128xf32>
    %add3A_584 = arith.addf %add3A_538, %gather3A_583 : vector<8x128xf32>
    %reshape3A_585 = vector.shape_cast %select_n3A_556 : vector<8x128xi32> to vector<8x128x1xi32>
    %gather3A_586 = vector.shape_cast %reshape3A_585 : vector<8x128x1xi32> to vector<8x128xi32>
    %gather3A_587 = tpu.dynamic_gather %broadcast_in_dim3A_60[%gather3A_586] in [1] : vector<8x128xf32>, vector<8x128xi32> -> vector<8x128xf32>
    %add3A_588 = arith.addf %add3A_542, %gather3A_587 : vector<8x128xf32>
    %get3A_589 = arith.constant 0 : index
    %get3A_590 = arith.constant 0 : index
    %get3A_591 = arith.constant 10 : index
    %get3A_592 = arith.constant 0 : index
    %get3A_593 = vector.load %arg3[%get3A_589, %get3A_590, %get3A_591, %get3A_592] : memref<1x8x16x128xi32, #tpu.memory_space<vmem>>, vector<1x8x1x128xi32>
    %get3A_594 = vector.shape_cast %get3A_593 : vector<1x8x1x128xi32> to vector<8x128xi32>
    %ge3A_595 = arith.constant 0 : i32
    %ge3A_596 = vector.broadcast %ge3A_595 : i32 to vector<8x128xi32>
    %ge3A_597 = arith.cmpi sge, %get3A_594, %ge3A_596 : vector<8x128xi32>
    %convert_element_type3A_598 = arith.extui %ge3A_597 : vector<8x128xi1> to vector<8x128xi32>
    %add3A_599 = arith.addi %add3A_553, %convert_element_type3A_598 : vector<8x128xi32>
    %jit3A_600 = arith.constant 32 : i32
    %broadcast_in_dim3A_601 = vector.broadcast %jit3A_600 : i32 to vector<8x128xi32>
    %select_n3A_602 = arith.select %ge3A_597, %get3A_594, %broadcast_in_dim3A_601 : vector<8x128xi1>, vector<8x128xi32>
    %reshape3A_603 = vector.shape_cast %select_n3A_602 : vector<8x128xi32> to vector<8x128x1xi32>
    %gather3A_604 = vector.shape_cast %reshape3A_603 : vector<8x128x1xi32> to vector<8x128xi32>
    %gather3A_605 = tpu.dynamic_gather %broadcast_in_dim3A_11[%gather3A_604] in [1] : vector<8x128xf32>, vector<8x128xi32> -> vector<8x128xf32>
    %add3A_606 = arith.addf %add3A_560, %gather3A_605 : vector<8x128xf32>
    %reshape3A_607 = vector.shape_cast %select_n3A_602 : vector<8x128xi32> to vector<8x128x1xi32>
    %gather3A_608 = vector.shape_cast %reshape3A_607 : vector<8x128x1xi32> to vector<8x128xi32>
    %gather3A_609 = tpu.dynamic_gather %broadcast_in_dim3A_18[%gather3A_608] in [1] : vector<8x128xf32>, vector<8x128xi32> -> vector<8x128xf32>
    %add3A_610 = arith.addf %add3A_564, %gather3A_609 : vector<8x128xf32>
    %reshape3A_611 = vector.shape_cast %select_n3A_602 : vector<8x128xi32> to vector<8x128x1xi32>
    %gather3A_612 = vector.shape_cast %reshape3A_611 : vector<8x128x1xi32> to vector<8x128xi32>
    %gather3A_613 = tpu.dynamic_gather %broadcast_in_dim3A_25[%gather3A_612] in [1] : vector<8x128xf32>, vector<8x128xi32> -> vector<8x128xf32>
    %add3A_614 = arith.addf %add3A_568, %gather3A_613 : vector<8x128xf32>
    %reshape3A_615 = vector.shape_cast %select_n3A_602 : vector<8x128xi32> to vector<8x128x1xi32>
    %gather3A_616 = vector.shape_cast %reshape3A_615 : vector<8x128x1xi32> to vector<8x128xi32>
    %gather3A_617 = tpu.dynamic_gather %broadcast_in_dim3A_32[%gather3A_616] in [1] : vector<8x128xf32>, vector<8x128xi32> -> vector<8x128xf32>
    %add3A_618 = arith.addf %add3A_572, %gather3A_617 : vector<8x128xf32>
    %reshape3A_619 = vector.shape_cast %select_n3A_602 : vector<8x128xi32> to vector<8x128x1xi32>
    %gather3A_620 = vector.shape_cast %reshape3A_619 : vector<8x128x1xi32> to vector<8x128xi32>
    %gather3A_621 = tpu.dynamic_gather %broadcast_in_dim3A_39[%gather3A_620] in [1] : vector<8x128xf32>, vector<8x128xi32> -> vector<8x128xf32>
    %add3A_622 = arith.addf %add3A_576, %gather3A_621 : vector<8x128xf32>
    %reshape3A_623 = vector.shape_cast %select_n3A_602 : vector<8x128xi32> to vector<8x128x1xi32>
    %gather3A_624 = vector.shape_cast %reshape3A_623 : vector<8x128x1xi32> to vector<8x128xi32>
    %gather3A_625 = tpu.dynamic_gather %broadcast_in_dim3A_46[%gather3A_624] in [1] : vector<8x128xf32>, vector<8x128xi32> -> vector<8x128xf32>
    %add3A_626 = arith.addf %add3A_580, %gather3A_625 : vector<8x128xf32>
    %reshape3A_627 = vector.shape_cast %select_n3A_602 : vector<8x128xi32> to vector<8x128x1xi32>
    %gather3A_628 = vector.shape_cast %reshape3A_627 : vector<8x128x1xi32> to vector<8x128xi32>
    %gather3A_629 = tpu.dynamic_gather %broadcast_in_dim3A_53[%gather3A_628] in [1] : vector<8x128xf32>, vector<8x128xi32> -> vector<8x128xf32>
    %add3A_630 = arith.addf %add3A_584, %gather3A_629 : vector<8x128xf32>
    %reshape3A_631 = vector.shape_cast %select_n3A_602 : vector<8x128xi32> to vector<8x128x1xi32>
    %gather3A_632 = vector.shape_cast %reshape3A_631 : vector<8x128x1xi32> to vector<8x128xi32>
    %gather3A_633 = tpu.dynamic_gather %broadcast_in_dim3A_60[%gather3A_632] in [1] : vector<8x128xf32>, vector<8x128xi32> -> vector<8x128xf32>
    %add3A_634 = arith.addf %add3A_588, %gather3A_633 : vector<8x128xf32>
    %get3A_635 = arith.constant 0 : index
    %get3A_636 = arith.constant 0 : index
    %get3A_637 = arith.constant 11 : index
    %get3A_638 = arith.constant 0 : index
    %get3A_639 = vector.load %arg3[%get3A_635, %get3A_636, %get3A_637, %get3A_638] : memref<1x8x16x128xi32, #tpu.memory_space<vmem>>, vector<1x8x1x128xi32>
    %get3A_640 = vector.shape_cast %get3A_639 : vector<1x8x1x128xi32> to vector<8x128xi32>
    %ge3A_641 = arith.constant 0 : i32
    %ge3A_642 = vector.broadcast %ge3A_641 : i32 to vector<8x128xi32>
    %ge3A_643 = arith.cmpi sge, %get3A_640, %ge3A_642 : vector<8x128xi32>
    %convert_element_type3A_644 = arith.extui %ge3A_643 : vector<8x128xi1> to vector<8x128xi32>
    %add3A_645 = arith.addi %add3A_599, %convert_element_type3A_644 : vector<8x128xi32>
    %jit3A_646 = arith.constant 32 : i32
    %broadcast_in_dim3A_647 = vector.broadcast %jit3A_646 : i32 to vector<8x128xi32>
    %select_n3A_648 = arith.select %ge3A_643, %get3A_640, %broadcast_in_dim3A_647 : vector<8x128xi1>, vector<8x128xi32>
    %reshape3A_649 = vector.shape_cast %select_n3A_648 : vector<8x128xi32> to vector<8x128x1xi32>
    %gather3A_650 = vector.shape_cast %reshape3A_649 : vector<8x128x1xi32> to vector<8x128xi32>
    %gather3A_651 = tpu.dynamic_gather %broadcast_in_dim3A_11[%gather3A_650] in [1] : vector<8x128xf32>, vector<8x128xi32> -> vector<8x128xf32>
    %add3A_652 = arith.addf %add3A_606, %gather3A_651 : vector<8x128xf32>
    %reshape3A_653 = vector.shape_cast %select_n3A_648 : vector<8x128xi32> to vector<8x128x1xi32>
    %gather3A_654 = vector.shape_cast %reshape3A_653 : vector<8x128x1xi32> to vector<8x128xi32>
    %gather3A_655 = tpu.dynamic_gather %broadcast_in_dim3A_18[%gather3A_654] in [1] : vector<8x128xf32>, vector<8x128xi32> -> vector<8x128xf32>
    %add3A_656 = arith.addf %add3A_610, %gather3A_655 : vector<8x128xf32>
    %reshape3A_657 = vector.shape_cast %select_n3A_648 : vector<8x128xi32> to vector<8x128x1xi32>
    %gather3A_658 = vector.shape_cast %reshape3A_657 : vector<8x128x1xi32> to vector<8x128xi32>
    %gather3A_659 = tpu.dynamic_gather %broadcast_in_dim3A_25[%gather3A_658] in [1] : vector<8x128xf32>, vector<8x128xi32> -> vector<8x128xf32>
    %add3A_660 = arith.addf %add3A_614, %gather3A_659 : vector<8x128xf32>
    %reshape3A_661 = vector.shape_cast %select_n3A_648 : vector<8x128xi32> to vector<8x128x1xi32>
    %gather3A_662 = vector.shape_cast %reshape3A_661 : vector<8x128x1xi32> to vector<8x128xi32>
    %gather3A_663 = tpu.dynamic_gather %broadcast_in_dim3A_32[%gather3A_662] in [1] : vector<8x128xf32>, vector<8x128xi32> -> vector<8x128xf32>
    %add3A_664 = arith.addf %add3A_618, %gather3A_663 : vector<8x128xf32>
    %reshape3A_665 = vector.shape_cast %select_n3A_648 : vector<8x128xi32> to vector<8x128x1xi32>
    %gather3A_666 = vector.shape_cast %reshape3A_665 : vector<8x128x1xi32> to vector<8x128xi32>
    %gather3A_667 = tpu.dynamic_gather %broadcast_in_dim3A_39[%gather3A_666] in [1] : vector<8x128xf32>, vector<8x128xi32> -> vector<8x128xf32>
    %add3A_668 = arith.addf %add3A_622, %gather3A_667 : vector<8x128xf32>
    %reshape3A_669 = vector.shape_cast %select_n3A_648 : vector<8x128xi32> to vector<8x128x1xi32>
    %gather3A_670 = vector.shape_cast %reshape3A_669 : vector<8x128x1xi32> to vector<8x128xi32>
    %gather3A_671 = tpu.dynamic_gather %broadcast_in_dim3A_46[%gather3A_670] in [1] : vector<8x128xf32>, vector<8x128xi32> -> vector<8x128xf32>
    %add3A_672 = arith.addf %add3A_626, %gather3A_671 : vector<8x128xf32>
    %reshape3A_673 = vector.shape_cast %select_n3A_648 : vector<8x128xi32> to vector<8x128x1xi32>
    %gather3A_674 = vector.shape_cast %reshape3A_673 : vector<8x128x1xi32> to vector<8x128xi32>
    %gather3A_675 = tpu.dynamic_gather %broadcast_in_dim3A_53[%gather3A_674] in [1] : vector<8x128xf32>, vector<8x128xi32> -> vector<8x128xf32>
    %add3A_676 = arith.addf %add3A_630, %gather3A_675 : vector<8x128xf32>
    %reshape3A_677 = vector.shape_cast %select_n3A_648 : vector<8x128xi32> to vector<8x128x1xi32>
    %gather3A_678 = vector.shape_cast %reshape3A_677 : vector<8x128x1xi32> to vector<8x128xi32>
    %gather3A_679 = tpu.dynamic_gather %broadcast_in_dim3A_60[%gather3A_678] in [1] : vector<8x128xf32>, vector<8x128xi32> -> vector<8x128xf32>
    %add3A_680 = arith.addf %add3A_634, %gather3A_679 : vector<8x128xf32>
    %get3A_681 = arith.constant 0 : index
    %get3A_682 = arith.constant 0 : index
    %get3A_683 = arith.constant 12 : index
    %get3A_684 = arith.constant 0 : index
    %get3A_685 = vector.load %arg3[%get3A_681, %get3A_682, %get3A_683, %get3A_684] : memref<1x8x16x128xi32, #tpu.memory_space<vmem>>, vector<1x8x1x128xi32>
    %get3A_686 = vector.shape_cast %get3A_685 : vector<1x8x1x128xi32> to vector<8x128xi32>
    %ge3A_687 = arith.constant 0 : i32
    %ge3A_688 = vector.broadcast %ge3A_687 : i32 to vector<8x128xi32>
    %ge3A_689 = arith.cmpi sge, %get3A_686, %ge3A_688 : vector<8x128xi32>
    %convert_element_type3A_690 = arith.extui %ge3A_689 : vector<8x128xi1> to vector<8x128xi32>
    %add3A_691 = arith.addi %add3A_645, %convert_element_type3A_690 : vector<8x128xi32>
    %jit3A_692 = arith.constant 32 : i32
    %broadcast_in_dim3A_693 = vector.broadcast %jit3A_692 : i32 to vector<8x128xi32>
    %select_n3A_694 = arith.select %ge3A_689, %get3A_686, %broadcast_in_dim3A_693 : vector<8x128xi1>, vector<8x128xi32>
    %reshape3A_695 = vector.shape_cast %select_n3A_694 : vector<8x128xi32> to vector<8x128x1xi32>
    %gather3A_696 = vector.shape_cast %reshape3A_695 : vector<8x128x1xi32> to vector<8x128xi32>
    %gather3A_697 = tpu.dynamic_gather %broadcast_in_dim3A_11[%gather3A_696] in [1] : vector<8x128xf32>, vector<8x128xi32> -> vector<8x128xf32>
    %add3A_698 = arith.addf %add3A_652, %gather3A_697 : vector<8x128xf32>
    %reshape3A_699 = vector.shape_cast %select_n3A_694 : vector<8x128xi32> to vector<8x128x1xi32>
    %gather3A_700 = vector.shape_cast %reshape3A_699 : vector<8x128x1xi32> to vector<8x128xi32>
    %gather3A_701 = tpu.dynamic_gather %broadcast_in_dim3A_18[%gather3A_700] in [1] : vector<8x128xf32>, vector<8x128xi32> -> vector<8x128xf32>
    %add3A_702 = arith.addf %add3A_656, %gather3A_701 : vector<8x128xf32>
    %reshape3A_703 = vector.shape_cast %select_n3A_694 : vector<8x128xi32> to vector<8x128x1xi32>
    %gather3A_704 = vector.shape_cast %reshape3A_703 : vector<8x128x1xi32> to vector<8x128xi32>
    %gather3A_705 = tpu.dynamic_gather %broadcast_in_dim3A_25[%gather3A_704] in [1] : vector<8x128xf32>, vector<8x128xi32> -> vector<8x128xf32>
    %add3A_706 = arith.addf %add3A_660, %gather3A_705 : vector<8x128xf32>
    %reshape3A_707 = vector.shape_cast %select_n3A_694 : vector<8x128xi32> to vector<8x128x1xi32>
    %gather3A_708 = vector.shape_cast %reshape3A_707 : vector<8x128x1xi32> to vector<8x128xi32>
    %gather3A_709 = tpu.dynamic_gather %broadcast_in_dim3A_32[%gather3A_708] in [1] : vector<8x128xf32>, vector<8x128xi32> -> vector<8x128xf32>
    %add3A_710 = arith.addf %add3A_664, %gather3A_709 : vector<8x128xf32>
    %reshape3A_711 = vector.shape_cast %select_n3A_694 : vector<8x128xi32> to vector<8x128x1xi32>
    %gather3A_712 = vector.shape_cast %reshape3A_711 : vector<8x128x1xi32> to vector<8x128xi32>
    %gather3A_713 = tpu.dynamic_gather %broadcast_in_dim3A_39[%gather3A_712] in [1] : vector<8x128xf32>, vector<8x128xi32> -> vector<8x128xf32>
    %add3A_714 = arith.addf %add3A_668, %gather3A_713 : vector<8x128xf32>
    %reshape3A_715 = vector.shape_cast %select_n3A_694 : vector<8x128xi32> to vector<8x128x1xi32>
    %gather3A_716 = vector.shape_cast %reshape3A_715 : vector<8x128x1xi32> to vector<8x128xi32>
    %gather3A_717 = tpu.dynamic_gather %broadcast_in_dim3A_46[%gather3A_716] in [1] : vector<8x128xf32>, vector<8x128xi32> -> vector<8x128xf32>
    %add3A_718 = arith.addf %add3A_672, %gather3A_717 : vector<8x128xf32>
    %reshape3A_719 = vector.shape_cast %select_n3A_694 : vector<8x128xi32> to vector<8x128x1xi32>
    %gather3A_720 = vector.shape_cast %reshape3A_719 : vector<8x128x1xi32> to vector<8x128xi32>
    %gather3A_721 = tpu.dynamic_gather %broadcast_in_dim3A_53[%gather3A_720] in [1] : vector<8x128xf32>, vector<8x128xi32> -> vector<8x128xf32>
    %add3A_722 = arith.addf %add3A_676, %gather3A_721 : vector<8x128xf32>
    %reshape3A_723 = vector.shape_cast %select_n3A_694 : vector<8x128xi32> to vector<8x128x1xi32>
    %gather3A_724 = vector.shape_cast %reshape3A_723 : vector<8x128x1xi32> to vector<8x128xi32>
    %gather3A_725 = tpu.dynamic_gather %broadcast_in_dim3A_60[%gather3A_724] in [1] : vector<8x128xf32>, vector<8x128xi32> -> vector<8x128xf32>
    %add3A_726 = arith.addf %add3A_680, %gather3A_725 : vector<8x128xf32>
    %get3A_727 = arith.constant 0 : index
    %get3A_728 = arith.constant 0 : index
    %get3A_729 = arith.constant 13 : index
    %get3A_730 = arith.constant 0 : index
    %get3A_731 = vector.load %arg3[%get3A_727, %get3A_728, %get3A_729, %get3A_730] : memref<1x8x16x128xi32, #tpu.memory_space<vmem>>, vector<1x8x1x128xi32>
    %get3A_732 = vector.shape_cast %get3A_731 : vector<1x8x1x128xi32> to vector<8x128xi32>
    %ge3A_733 = arith.constant 0 : i32
    %ge3A_734 = vector.broadcast %ge3A_733 : i32 to vector<8x128xi32>
    %ge3A_735 = arith.cmpi sge, %get3A_732, %ge3A_734 : vector<8x128xi32>
    %convert_element_type3A_736 = arith.extui %ge3A_735 : vector<8x128xi1> to vector<8x128xi32>
    %add3A_737 = arith.addi %add3A_691, %convert_element_type3A_736 : vector<8x128xi32>
    %jit3A_738 = arith.constant 32 : i32
    %broadcast_in_dim3A_739 = vector.broadcast %jit3A_738 : i32 to vector<8x128xi32>
    %select_n3A_740 = arith.select %ge3A_735, %get3A_732, %broadcast_in_dim3A_739 : vector<8x128xi1>, vector<8x128xi32>
    %reshape3A_741 = vector.shape_cast %select_n3A_740 : vector<8x128xi32> to vector<8x128x1xi32>
    %gather3A_742 = vector.shape_cast %reshape3A_741 : vector<8x128x1xi32> to vector<8x128xi32>
    %gather3A_743 = tpu.dynamic_gather %broadcast_in_dim3A_11[%gather3A_742] in [1] : vector<8x128xf32>, vector<8x128xi32> -> vector<8x128xf32>
    %add3A_744 = arith.addf %add3A_698, %gather3A_743 : vector<8x128xf32>
    %reshape3A_745 = vector.shape_cast %select_n3A_740 : vector<8x128xi32> to vector<8x128x1xi32>
    %gather3A_746 = vector.shape_cast %reshape3A_745 : vector<8x128x1xi32> to vector<8x128xi32>
    %gather3A_747 = tpu.dynamic_gather %broadcast_in_dim3A_18[%gather3A_746] in [1] : vector<8x128xf32>, vector<8x128xi32> -> vector<8x128xf32>
    %add3A_748 = arith.addf %add3A_702, %gather3A_747 : vector<8x128xf32>
    %reshape3A_749 = vector.shape_cast %select_n3A_740 : vector<8x128xi32> to vector<8x128x1xi32>
    %gather3A_750 = vector.shape_cast %reshape3A_749 : vector<8x128x1xi32> to vector<8x128xi32>
    %gather3A_751 = tpu.dynamic_gather %broadcast_in_dim3A_25[%gather3A_750] in [1] : vector<8x128xf32>, vector<8x128xi32> -> vector<8x128xf32>
    %add3A_752 = arith.addf %add3A_706, %gather3A_751 : vector<8x128xf32>
    %reshape3A_753 = vector.shape_cast %select_n3A_740 : vector<8x128xi32> to vector<8x128x1xi32>
    %gather3A_754 = vector.shape_cast %reshape3A_753 : vector<8x128x1xi32> to vector<8x128xi32>
    %gather3A_755 = tpu.dynamic_gather %broadcast_in_dim3A_32[%gather3A_754] in [1] : vector<8x128xf32>, vector<8x128xi32> -> vector<8x128xf32>
    %add3A_756 = arith.addf %add3A_710, %gather3A_755 : vector<8x128xf32>
    %reshape3A_757 = vector.shape_cast %select_n3A_740 : vector<8x128xi32> to vector<8x128x1xi32>
    %gather3A_758 = vector.shape_cast %reshape3A_757 : vector<8x128x1xi32> to vector<8x128xi32>
    %gather3A_759 = tpu.dynamic_gather %broadcast_in_dim3A_39[%gather3A_758] in [1] : vector<8x128xf32>, vector<8x128xi32> -> vector<8x128xf32>
    %add3A_760 = arith.addf %add3A_714, %gather3A_759 : vector<8x128xf32>
    %reshape3A_761 = vector.shape_cast %select_n3A_740 : vector<8x128xi32> to vector<8x128x1xi32>
    %gather3A_762 = vector.shape_cast %reshape3A_761 : vector<8x128x1xi32> to vector<8x128xi32>
    %gather3A_763 = tpu.dynamic_gather %broadcast_in_dim3A_46[%gather3A_762] in [1] : vector<8x128xf32>, vector<8x128xi32> -> vector<8x128xf32>
    %add3A_764 = arith.addf %add3A_718, %gather3A_763 : vector<8x128xf32>
    %reshape3A_765 = vector.shape_cast %select_n3A_740 : vector<8x128xi32> to vector<8x128x1xi32>
    %gather3A_766 = vector.shape_cast %reshape3A_765 : vector<8x128x1xi32> to vector<8x128xi32>
    %gather3A_767 = tpu.dynamic_gather %broadcast_in_dim3A_53[%gather3A_766] in [1] : vector<8x128xf32>, vector<8x128xi32> -> vector<8x128xf32>
    %add3A_768 = arith.addf %add3A_722, %gather3A_767 : vector<8x128xf32>
    %reshape3A_769 = vector.shape_cast %select_n3A_740 : vector<8x128xi32> to vector<8x128x1xi32>
    %gather3A_770 = vector.shape_cast %reshape3A_769 : vector<8x128x1xi32> to vector<8x128xi32>
    %gather3A_771 = tpu.dynamic_gather %broadcast_in_dim3A_60[%gather3A_770] in [1] : vector<8x128xf32>, vector<8x128xi32> -> vector<8x128xf32>
    %add3A_772 = arith.addf %add3A_726, %gather3A_771 : vector<8x128xf32>
    %get3A_773 = arith.constant 0 : index
    %get3A_774 = arith.constant 0 : index
    %get3A_775 = arith.constant 14 : index
    %get3A_776 = arith.constant 0 : index
    %get3A_777 = vector.load %arg3[%get3A_773, %get3A_774, %get3A_775, %get3A_776] : memref<1x8x16x128xi32, #tpu.memory_space<vmem>>, vector<1x8x1x128xi32>
    %get3A_778 = vector.shape_cast %get3A_777 : vector<1x8x1x128xi32> to vector<8x128xi32>
    %ge3A_779 = arith.constant 0 : i32
    %ge3A_780 = vector.broadcast %ge3A_779 : i32 to vector<8x128xi32>
    %ge3A_781 = arith.cmpi sge, %get3A_778, %ge3A_780 : vector<8x128xi32>
    %convert_element_type3A_782 = arith.extui %ge3A_781 : vector<8x128xi1> to vector<8x128xi32>
    %add3A_783 = arith.addi %add3A_737, %convert_element_type3A_782 : vector<8x128xi32>
    %jit3A_784 = arith.constant 32 : i32
    %broadcast_in_dim3A_785 = vector.broadcast %jit3A_784 : i32 to vector<8x128xi32>
    %select_n3A_786 = arith.select %ge3A_781, %get3A_778, %broadcast_in_dim3A_785 : vector<8x128xi1>, vector<8x128xi32>
    %reshape3A_787 = vector.shape_cast %select_n3A_786 : vector<8x128xi32> to vector<8x128x1xi32>
    %gather3A_788 = vector.shape_cast %reshape3A_787 : vector<8x128x1xi32> to vector<8x128xi32>
    %gather3A_789 = tpu.dynamic_gather %broadcast_in_dim3A_11[%gather3A_788] in [1] : vector<8x128xf32>, vector<8x128xi32> -> vector<8x128xf32>
    %add3A_790 = arith.addf %add3A_744, %gather3A_789 : vector<8x128xf32>
    %reshape3A_791 = vector.shape_cast %select_n3A_786 : vector<8x128xi32> to vector<8x128x1xi32>
    %gather3A_792 = vector.shape_cast %reshape3A_791 : vector<8x128x1xi32> to vector<8x128xi32>
    %gather3A_793 = tpu.dynamic_gather %broadcast_in_dim3A_18[%gather3A_792] in [1] : vector<8x128xf32>, vector<8x128xi32> -> vector<8x128xf32>
    %add3A_794 = arith.addf %add3A_748, %gather3A_793 : vector<8x128xf32>
    %reshape3A_795 = vector.shape_cast %select_n3A_786 : vector<8x128xi32> to vector<8x128x1xi32>
    %gather3A_796 = vector.shape_cast %reshape3A_795 : vector<8x128x1xi32> to vector<8x128xi32>
    %gather3A_797 = tpu.dynamic_gather %broadcast_in_dim3A_25[%gather3A_796] in [1] : vector<8x128xf32>, vector<8x128xi32> -> vector<8x128xf32>
    %add3A_798 = arith.addf %add3A_752, %gather3A_797 : vector<8x128xf32>
    %reshape3A_799 = vector.shape_cast %select_n3A_786 : vector<8x128xi32> to vector<8x128x1xi32>
    %gather3A_800 = vector.shape_cast %reshape3A_799 : vector<8x128x1xi32> to vector<8x128xi32>
    %gather3A_801 = tpu.dynamic_gather %broadcast_in_dim3A_32[%gather3A_800] in [1] : vector<8x128xf32>, vector<8x128xi32> -> vector<8x128xf32>
    %add3A_802 = arith.addf %add3A_756, %gather3A_801 : vector<8x128xf32>
    %reshape3A_803 = vector.shape_cast %select_n3A_786 : vector<8x128xi32> to vector<8x128x1xi32>
    %gather3A_804 = vector.shape_cast %reshape3A_803 : vector<8x128x1xi32> to vector<8x128xi32>
    %gather3A_805 = tpu.dynamic_gather %broadcast_in_dim3A_39[%gather3A_804] in [1] : vector<8x128xf32>, vector<8x128xi32> -> vector<8x128xf32>
    %add3A_806 = arith.addf %add3A_760, %gather3A_805 : vector<8x128xf32>
    %reshape3A_807 = vector.shape_cast %select_n3A_786 : vector<8x128xi32> to vector<8x128x1xi32>
    %gather3A_808 = vector.shape_cast %reshape3A_807 : vector<8x128x1xi32> to vector<8x128xi32>
    %gather3A_809 = tpu.dynamic_gather %broadcast_in_dim3A_46[%gather3A_808] in [1] : vector<8x128xf32>, vector<8x128xi32> -> vector<8x128xf32>
    %add3A_810 = arith.addf %add3A_764, %gather3A_809 : vector<8x128xf32>
    %reshape3A_811 = vector.shape_cast %select_n3A_786 : vector<8x128xi32> to vector<8x128x1xi32>
    %gather3A_812 = vector.shape_cast %reshape3A_811 : vector<8x128x1xi32> to vector<8x128xi32>
    %gather3A_813 = tpu.dynamic_gather %broadcast_in_dim3A_53[%gather3A_812] in [1] : vector<8x128xf32>, vector<8x128xi32> -> vector<8x128xf32>
    %add3A_814 = arith.addf %add3A_768, %gather3A_813 : vector<8x128xf32>
    %reshape3A_815 = vector.shape_cast %select_n3A_786 : vector<8x128xi32> to vector<8x128x1xi32>
    %gather3A_816 = vector.shape_cast %reshape3A_815 : vector<8x128x1xi32> to vector<8x128xi32>
    %gather3A_817 = tpu.dynamic_gather %broadcast_in_dim3A_60[%gather3A_816] in [1] : vector<8x128xf32>, vector<8x128xi32> -> vector<8x128xf32>
    %add3A_818 = arith.addf %add3A_772, %gather3A_817 : vector<8x128xf32>
    %get3A_819 = arith.constant 0 : index
    %get3A_820 = arith.constant 0 : index
    %get3A_821 = arith.constant 15 : index
    %get3A_822 = arith.constant 0 : index
    %get3A_823 = vector.load %arg3[%get3A_819, %get3A_820, %get3A_821, %get3A_822] : memref<1x8x16x128xi32, #tpu.memory_space<vmem>>, vector<1x8x1x128xi32>
    %get3A_824 = vector.shape_cast %get3A_823 : vector<1x8x1x128xi32> to vector<8x128xi32>
    %ge3A_825 = arith.constant 0 : i32
    %ge3A_826 = vector.broadcast %ge3A_825 : i32 to vector<8x128xi32>
    %ge3A_827 = arith.cmpi sge, %get3A_824, %ge3A_826 : vector<8x128xi32>
    %convert_element_type3A_828 = arith.extui %ge3A_827 : vector<8x128xi1> to vector<8x128xi32>
    %add3A_829 = arith.addi %add3A_783, %convert_element_type3A_828 : vector<8x128xi32>
    %jit3A_830 = arith.constant 32 : i32
    %broadcast_in_dim3A_831 = vector.broadcast %jit3A_830 : i32 to vector<8x128xi32>
    %select_n3A_832 = arith.select %ge3A_827, %get3A_824, %broadcast_in_dim3A_831 : vector<8x128xi1>, vector<8x128xi32>
    %reshape3A_833 = vector.shape_cast %select_n3A_832 : vector<8x128xi32> to vector<8x128x1xi32>
    %gather3A_834 = vector.shape_cast %reshape3A_833 : vector<8x128x1xi32> to vector<8x128xi32>
    %gather3A_835 = tpu.dynamic_gather %broadcast_in_dim3A_11[%gather3A_834] in [1] : vector<8x128xf32>, vector<8x128xi32> -> vector<8x128xf32>
    %add3A_836 = arith.addf %add3A_790, %gather3A_835 : vector<8x128xf32>
    %reshape3A_837 = vector.shape_cast %select_n3A_832 : vector<8x128xi32> to vector<8x128x1xi32>
    %gather3A_838 = vector.shape_cast %reshape3A_837 : vector<8x128x1xi32> to vector<8x128xi32>
    %gather3A_839 = tpu.dynamic_gather %broadcast_in_dim3A_18[%gather3A_838] in [1] : vector<8x128xf32>, vector<8x128xi32> -> vector<8x128xf32>
    %add3A_840 = arith.addf %add3A_794, %gather3A_839 : vector<8x128xf32>
    %reshape3A_841 = vector.shape_cast %select_n3A_832 : vector<8x128xi32> to vector<8x128x1xi32>
    %gather3A_842 = vector.shape_cast %reshape3A_841 : vector<8x128x1xi32> to vector<8x128xi32>
    %gather3A_843 = tpu.dynamic_gather %broadcast_in_dim3A_25[%gather3A_842] in [1] : vector<8x128xf32>, vector<8x128xi32> -> vector<8x128xf32>
    %add3A_844 = arith.addf %add3A_798, %gather3A_843 : vector<8x128xf32>
    %reshape3A_845 = vector.shape_cast %select_n3A_832 : vector<8x128xi32> to vector<8x128x1xi32>
    %gather3A_846 = vector.shape_cast %reshape3A_845 : vector<8x128x1xi32> to vector<8x128xi32>
    %gather3A_847 = tpu.dynamic_gather %broadcast_in_dim3A_32[%gather3A_846] in [1] : vector<8x128xf32>, vector<8x128xi32> -> vector<8x128xf32>
    %add3A_848 = arith.addf %add3A_802, %gather3A_847 : vector<8x128xf32>
    %reshape3A_849 = vector.shape_cast %select_n3A_832 : vector<8x128xi32> to vector<8x128x1xi32>
    %gather3A_850 = vector.shape_cast %reshape3A_849 : vector<8x128x1xi32> to vector<8x128xi32>
    %gather3A_851 = tpu.dynamic_gather %broadcast_in_dim3A_39[%gather3A_850] in [1] : vector<8x128xf32>, vector<8x128xi32> -> vector<8x128xf32>
    %add3A_852 = arith.addf %add3A_806, %gather3A_851 : vector<8x128xf32>
    %reshape3A_853 = vector.shape_cast %select_n3A_832 : vector<8x128xi32> to vector<8x128x1xi32>
    %gather3A_854 = vector.shape_cast %reshape3A_853 : vector<8x128x1xi32> to vector<8x128xi32>
    %gather3A_855 = tpu.dynamic_gather %broadcast_in_dim3A_46[%gather3A_854] in [1] : vector<8x128xf32>, vector<8x128xi32> -> vector<8x128xf32>
    %add3A_856 = arith.addf %add3A_810, %gather3A_855 : vector<8x128xf32>
    %reshape3A_857 = vector.shape_cast %select_n3A_832 : vector<8x128xi32> to vector<8x128x1xi32>
    %gather3A_858 = vector.shape_cast %reshape3A_857 : vector<8x128x1xi32> to vector<8x128xi32>
    %gather3A_859 = tpu.dynamic_gather %broadcast_in_dim3A_53[%gather3A_858] in [1] : vector<8x128xf32>, vector<8x128xi32> -> vector<8x128xf32>
    %add3A_860 = arith.addf %add3A_814, %gather3A_859 : vector<8x128xf32>
    %reshape3A_861 = vector.shape_cast %select_n3A_832 : vector<8x128xi32> to vector<8x128x1xi32>
    %gather3A_862 = vector.shape_cast %reshape3A_861 : vector<8x128x1xi32> to vector<8x128xi32>
    %gather3A_863 = tpu.dynamic_gather %broadcast_in_dim3A_60[%gather3A_862] in [1] : vector<8x128xf32>, vector<8x128xi32> -> vector<8x128xf32>
    %add3A_864 = arith.addf %add3A_818, %gather3A_863 : vector<8x128xf32>
    %convert_element_type3A_865 = arith.sitofp %add3A_829 : vector<8x128xi32> to vector<8x128xf32>
    %add3A_866 = arith.constant 9.99999997E-7 : f32
    %add3A_867 = vector.broadcast %add3A_866 : f32 to vector<8x128xf32>
    %add3A_868 = arith.addf %convert_element_type3A_865, %add3A_867 : vector<8x128xf32>
    %div3A = arith.constant 1.000000e+00 : f32
    %div3A_869 = vector.broadcast %div3A : f32 to vector<8x128xf32>
    %div3A_870 = arith.divf %div3A_869, %add3A_868 : vector<8x128xf32>
    %get3A_871 = arith.constant 0 : index
    %get3A_872 = arith.constant 0 : index
    %get3A_873 = arith.constant 0 : index
    %get3A_874 = vector.load %arg4[%get3A_871, %get3A_872, %get3A_873] : memref<1x8x128xi32, #tpu.memory_space<vmem>>, vector<1x8x128xi32>
    %get3A_875 = vector.shape_cast %get3A_874 : vector<1x8x128xi32> to vector<8x128xi32>
    %reshape3A_876 = vector.shape_cast %get3A_875 : vector<8x128xi32> to vector<8x128x1xi32>
    %gather3A_877 = vector.shape_cast %reshape3A_876 : vector<8x128x1xi32> to vector<8x128xi32>
    %gather3A_878 = tpu.dynamic_gather %broadcast_in_dim3A_67[%gather3A_877] in [1] : vector<8x128xf32>, vector<8x128xi32> -> vector<8x128xf32>
    %mul3A = arith.mulf %add3A_836, %div3A_870 : vector<8x128xf32>
    %add3A_879 = arith.addf %gather3A_878, %mul3A : vector<8x128xf32>
    %swap3A = arith.constant 0 : index
    %swap3A_880 = arith.constant 0 : index
    %swap3A_881 = arith.constant 0 : index
    %swap3A_882 = arith.constant 0 : index
    %swap3A_883 = vector.load %arg7[%swap3A, %swap3A_880, %swap3A_881, %swap3A_882] : memref<1x8x8x128xf32, #tpu.memory_space<vmem>>, vector<1x1x8x128xf32>
    %swap3A_884 = vector.shape_cast %swap3A_883 : vector<1x1x8x128xf32> to vector<8x128xf32>
    %swap3A_885 = vector.shape_cast %add3A_879 : vector<8x128xf32> to vector<1x1x8x128xf32>
    tpu.vector_store %arg7[%swap3A, %swap3A_880, %swap3A_881, %swap3A_882], %swap3A_885 {strides = array<i32>} : memref<1x8x8x128xf32, #tpu.memory_space<vmem>>, vector<1x1x8x128xf32>,
    %reshape3A_886 = vector.shape_cast %get3A_875 : vector<8x128xi32> to vector<8x128x1xi32>
    %gather3A_887 = vector.shape_cast %reshape3A_886 : vector<8x128x1xi32> to vector<8x128xi32>
    %gather3A_888 = tpu.dynamic_gather %broadcast_in_dim3A_74[%gather3A_887] in [1] : vector<8x128xf32>, vector<8x128xi32> -> vector<8x128xf32>
    %mul3A_889 = arith.mulf %add3A_840, %div3A_870 : vector<8x128xf32>
    %add3A_890 = arith.addf %gather3A_888, %mul3A_889 : vector<8x128xf32>
    %swap3A_891 = arith.constant 0 : index
    %swap3A_892 = arith.constant 1 : index
    %swap3A_893 = arith.constant 0 : index
    %swap3A_894 = arith.constant 0 : index
    %swap3A_895 = vector.load %arg7[%swap3A_891, %swap3A_892, %swap3A_893, %swap3A_894] : memref<1x8x8x128xf32, #tpu.memory_space<vmem>>, vector<1x1x8x128xf32>
    %swap3A_896 = vector.shape_cast %swap3A_895 : vector<1x1x8x128xf32> to vector<8x128xf32>
    %swap3A_897 = vector.shape_cast %add3A_890 : vector<8x128xf32> to vector<1x1x8x128xf32>
    tpu.vector_store %arg7[%swap3A_891, %swap3A_892, %swap3A_893, %swap3A_894], %swap3A_897 {strides = array<i32>} : memref<1x8x8x128xf32, #tpu.memory_space<vmem>>, vector<1x1x8x128xf32>,
    %reshape3A_898 = vector.shape_cast %get3A_875 : vector<8x128xi32> to vector<8x128x1xi32>
    %gather3A_899 = vector.shape_cast %reshape3A_898 : vector<8x128x1xi32> to vector<8x128xi32>
    %gather3A_900 = tpu.dynamic_gather %broadcast_in_dim3A_81[%gather3A_899] in [1] : vector<8x128xf32>, vector<8x128xi32> -> vector<8x128xf32>
    %mul3A_901 = arith.mulf %add3A_844, %div3A_870 : vector<8x128xf32>
    %add3A_902 = arith.addf %gather3A_900, %mul3A_901 : vector<8x128xf32>
    %swap3A_903 = arith.constant 0 : index
    %swap3A_904 = arith.constant 2 : index
    %swap3A_905 = arith.constant 0 : index
    %swap3A_906 = arith.constant 0 : index
    %swap3A_907 = vector.load %arg7[%swap3A_903, %swap3A_904, %swap3A_905, %swap3A_906] : memref<1x8x8x128xf32, #tpu.memory_space<vmem>>, vector<1x1x8x128xf32>
    %swap3A_908 = vector.shape_cast %swap3A_907 : vector<1x1x8x128xf32> to vector<8x128xf32>
    %swap3A_909 = vector.shape_cast %add3A_902 : vector<8x128xf32> to vector<1x1x8x128xf32>
    tpu.vector_store %arg7[%swap3A_903, %swap3A_904, %swap3A_905, %swap3A_906], %swap3A_909 {strides = array<i32>} : memref<1x8x8x128xf32, #tpu.memory_space<vmem>>, vector<1x1x8x128xf32>,
    %reshape3A_910 = vector.shape_cast %get3A_875 : vector<8x128xi32> to vector<8x128x1xi32>
    %gather3A_911 = vector.shape_cast %reshape3A_910 : vector<8x128x1xi32> to vector<8x128xi32>
    %gather3A_912 = tpu.dynamic_gather %broadcast_in_dim3A_88[%gather3A_911] in [1] : vector<8x128xf32>, vector<8x128xi32> -> vector<8x128xf32>
    %mul3A_913 = arith.mulf %add3A_848, %div3A_870 : vector<8x128xf32>
    %add3A_914 = arith.addf %gather3A_912, %mul3A_913 : vector<8x128xf32>
    %swap3A_915 = arith.constant 0 : index
    %swap3A_916 = arith.constant 3 : index
    %swap3A_917 = arith.constant 0 : index
    %swap3A_918 = arith.constant 0 : index
    %swap3A_919 = vector.load %arg7[%swap3A_915, %swap3A_916, %swap3A_917, %swap3A_918] : memref<1x8x8x128xf32, #tpu.memory_space<vmem>>, vector<1x1x8x128xf32>
    %swap3A_920 = vector.shape_cast %swap3A_919 : vector<1x1x8x128xf32> to vector<8x128xf32>
    %swap3A_921 = vector.shape_cast %add3A_914 : vector<8x128xf32> to vector<1x1x8x128xf32>
    tpu.vector_store %arg7[%swap3A_915, %swap3A_916, %swap3A_917, %swap3A_918], %swap3A_921 {strides = array<i32>} : memref<1x8x8x128xf32, #tpu.memory_space<vmem>>, vector<1x1x8x128xf32>,
    %reshape3A_922 = vector.shape_cast %get3A_875 : vector<8x128xi32> to vector<8x128x1xi32>
    %gather3A_923 = vector.shape_cast %reshape3A_922 : vector<8x128x1xi32> to vector<8x128xi32>
    %gather3A_924 = tpu.dynamic_gather %broadcast_in_dim3A_95[%gather3A_923] in [1] : vector<8x128xf32>, vector<8x128xi32> -> vector<8x128xf32>
    %mul3A_925 = arith.mulf %add3A_852, %div3A_870 : vector<8x128xf32>
    %add3A_926 = arith.addf %gather3A_924, %mul3A_925 : vector<8x128xf32>
    %swap3A_927 = arith.constant 0 : index
    %swap3A_928 = arith.constant 4 : index
    %swap3A_929 = arith.constant 0 : index
    %swap3A_930 = arith.constant 0 : index
    %swap3A_931 = vector.load %arg7[%swap3A_927, %swap3A_928, %swap3A_929, %swap3A_930] : memref<1x8x8x128xf32, #tpu.memory_space<vmem>>, vector<1x1x8x128xf32>
    %swap3A_932 = vector.shape_cast %swap3A_931 : vector<1x1x8x128xf32> to vector<8x128xf32>
    %swap3A_933 = vector.shape_cast %add3A_926 : vector<8x128xf32> to vector<1x1x8x128xf32>
    tpu.vector_store %arg7[%swap3A_927, %swap3A_928, %swap3A_929, %swap3A_930], %swap3A_933 {strides = array<i32>} : memref<1x8x8x128xf32, #tpu.memory_space<vmem>>, vector<1x1x8x128xf32>,
    %reshape3A_934 = vector.shape_cast %get3A_875 : vector<8x128xi32> to vector<8x128x1xi32>
    %gather3A_935 = vector.shape_cast %reshape3A_934 : vector<8x128x1xi32> to vector<8x128xi32>
    %gather3A_936 = tpu.dynamic_gather %broadcast_in_dim3A_102[%gather3A_935] in [1] : vector<8x128xf32>, vector<8x128xi32> -> vector<8x128xf32>
    %mul3A_937 = arith.mulf %add3A_856, %div3A_870 : vector<8x128xf32>
    %add3A_938 = arith.addf %gather3A_936, %mul3A_937 : vector<8x128xf32>
    %swap3A_939 = arith.constant 0 : index
    %swap3A_940 = arith.constant 5 : index
    %swap3A_941 = arith.constant 0 : index
    %swap3A_942 = arith.constant 0 : index
    %swap3A_943 = vector.load %arg7[%swap3A_939, %swap3A_940, %swap3A_941, %swap3A_942] : memref<1x8x8x128xf32, #tpu.memory_space<vmem>>, vector<1x1x8x128xf32>
    %swap3A_944 = vector.shape_cast %swap3A_943 : vector<1x1x8x128xf32> to vector<8x128xf32>
    %swap3A_945 = vector.shape_cast %add3A_938 : vector<8x128xf32> to vector<1x1x8x128xf32>
    tpu.vector_store %arg7[%swap3A_939, %swap3A_940, %swap3A_941, %swap3A_942], %swap3A_945 {strides = array<i32>} : memref<1x8x8x128xf32, #tpu.memory_space<vmem>>, vector<1x1x8x128xf32>,
    %reshape3A_946 = vector.shape_cast %get3A_875 : vector<8x128xi32> to vector<8x128x1xi32>
    %gather3A_947 = vector.shape_cast %reshape3A_946 : vector<8x128x1xi32> to vector<8x128xi32>
    %gather3A_948 = tpu.dynamic_gather %broadcast_in_dim3A_109[%gather3A_947] in [1] : vector<8x128xf32>, vector<8x128xi32> -> vector<8x128xf32>
    %mul3A_949 = arith.mulf %add3A_860, %div3A_870 : vector<8x128xf32>
    %add3A_950 = arith.addf %gather3A_948, %mul3A_949 : vector<8x128xf32>
    %swap3A_951 = arith.constant 0 : index
    %swap3A_952 = arith.constant 6 : index
    %swap3A_953 = arith.constant 0 : index
    %swap3A_954 = arith.constant 0 : index
    %swap3A_955 = vector.load %arg7[%swap3A_951, %swap3A_952, %swap3A_953, %swap3A_954] : memref<1x8x8x128xf32, #tpu.memory_space<vmem>>, vector<1x1x8x128xf32>
    %swap3A_956 = vector.shape_cast %swap3A_955 : vector<1x1x8x128xf32> to vector<8x128xf32>
    %swap3A_957 = vector.shape_cast %add3A_950 : vector<8x128xf32> to vector<1x1x8x128xf32>
    tpu.vector_store %arg7[%swap3A_951, %swap3A_952, %swap3A_953, %swap3A_954], %swap3A_957 {strides = array<i32>} : memref<1x8x8x128xf32, #tpu.memory_space<vmem>>, vector<1x1x8x128xf32>,
    %reshape3A_958 = vector.shape_cast %get3A_875 : vector<8x128xi32> to vector<8x128x1xi32>
    %gather3A_959 = vector.shape_cast %reshape3A_958 : vector<8x128x1xi32> to vector<8x128xi32>
    %gather3A_960 = tpu.dynamic_gather %broadcast_in_dim3A_116[%gather3A_959] in [1] : vector<8x128xf32>, vector<8x128xi32> -> vector<8x128xf32>
    %mul3A_961 = arith.mulf %add3A_864, %div3A_870 : vector<8x128xf32>
    %add3A_962 = arith.addf %gather3A_960, %mul3A_961 : vector<8x128xf32>
    %swap3A_963 = arith.constant 0 : index
    %swap3A_964 = arith.constant 7 : index
    %swap3A_965 = arith.constant 0 : index
    %swap3A_966 = arith.constant 0 : index
    %swap3A_967 = vector.load %arg7[%swap3A_963, %swap3A_964, %swap3A_965, %swap3A_966] : memref<1x8x8x128xf32, #tpu.memory_space<vmem>>, vector<1x1x8x128xf32>
    %swap3A_968 = vector.shape_cast %swap3A_967 : vector<1x1x8x128xf32> to vector<8x128xf32>
    %swap3A_969 = vector.shape_cast %add3A_962 : vector<8x128xf32> to vector<1x1x8x128xf32>
    tpu.vector_store %arg7[%swap3A_963, %swap3A_964, %swap3A_965, %swap3A_966], %swap3A_969 {strides = array<i32>} : memref<1x8x8x128xf32, #tpu.memory_space<vmem>>, vector<1x1x8x128xf32>,
    return
  }
  func.func @transform_0(%arg0: i32, %arg1: i32, %arg2: i32) -> (i32, i32, i32, i32) {
    %c0_i32 = arith.constant 0 : i32
    %c0_i32_0 = arith.constant 0 : i32
    return %arg0, %arg1, %c0_i32, %arg2 : i32, i32, i32, i32
  }
  func.func @transform_1(%arg0: i32, %arg1: i32, %arg2: i32) -> (i32, i32, i32) {
    %c0_i32 = arith.constant 0 : i32
    return %arg0, %arg1, %arg2 : i32, i32, i32
  }
  func.func @transform_2(%arg0: i32, %arg1: i32, %arg2: i32) -> (i32, i32) {
    %c0_i32 = arith.constant 0 : i32
    %c0_i32_0 = arith.constant 0 : i32
    %c0_i32_1 = arith.constant 0 : i32
    return %c0_i32, %c0_i32_0 : i32, i32
  }
  func.func @transform_3(%arg0: i32, %arg1: i32, %arg2: i32) -> (i32, i32) {
    %c0_i32 = arith.constant 0 : i32
    %c0_i32_0 = arith.constant 0 : i32
    %c0_i32_1 = arith.constant 0 : i32
    return %c0_i32, %c0_i32_0 : i32, i32
  }
  func.func @transform_4(%arg0: i32, %arg1: i32, %arg2: i32) -> (i32, i32, i32, i32) {
    %c0_i32 = arith.constant 0 : i32
    %c0_i32_0 = arith.constant 0 : i32
    return %arg0, %c0_i32, %arg1, %arg2 : i32, i32, i32, i32
  }
}

</mosaic_0001>

<sc_bundles>
// kernel: kernel.4.cloned.1.call-start
scs
__scs_entry_jumppad:
0x0: {  	(pc) =	sbr.rel $0x88, $3  }
0x1: {  	(tag) =	ssettag $0x0;
	lr =	simm.s32 $0x1  }
0x2: {  	[smem:$0x3F9D] =	sst lr;
	_ =	strace $0xD0000000  }
0x3: {  	_ = 	snop  }
0x4: {  	_ = 	snop  }
0x5: {  	_ = 	snop  }
0x6: {  	_ = 	snop  }
0x7: {  	_ = 	snop  }
__scs_overlays_trampoline_lowered:
0x8: {  	[smem:$0x3FAC] =	sst s0  }
0x9: {  	[smem:$0x3FAD] =	sst s1  }
0xa: {  	[smem:$0x3FAE] =	sst s2  }
0xb: {  	[smem:$0x3FAF] =	sst s3  }
0xc: {  	[smem:$0x3FB0] =	sst s4  }
0xd: {  	[smem:$0x3FB1] =	sst s5  }
0xe: {  	[smem:$0x3FB2] =	sst s6  }
0xf: {  	[smem:$0x3FB3] =	sst s7  }
0x10: {  	[smem:$0x3FB4] =	sst s8  }
0x11: {  	[smem:$0x3FB5] =	sst s9;
	s0 =	simm.s32 @!p0 $0x0  }
0x12: {  	s1 =	sld [smem:$0x3F9B];
	s0 =	simm.s32 @p0 $0x1  }
0x13: {  	[smem:$0x3FB6] =	sst s0;
	s0 =	simm.s32 @!p1 $0x0  }
0x14: {  	s2 =	sld [smem:$0x3F9A];
	s0 =	simm.s32 @p1 $0x1  }
0x15: {  	[smem:$0x3FB7] =	sst s0;
	s0 =	simm.s32 @!p2 $0x0  }
0x16: {  	s3 =	sld [smem:$0x3FDB];
	s0 =	simm.s32 @p2 $0x1  }
0x17: {  	s4 =	simm.s32 $0x1BF5;
	[smem:$0x3FB9] =	sst s0  }
0x18: {  	s0 =	sld [smem:$0x3F9C];
	_ =	swait.ge [sflag:s4], $0x0  }
0x19: {  	s7 =	sld [smem:$0x3F9D]  }
0x1a: {  	s8 =	sadd.s32 $0xFFFFE003, lr  }
0x1b: {  	s9 =	sadd.s32 $0xFFFFFEF7, lr;
	s5 =	simm.s32 $0xFFFFFFFF;
	p2 =	slt.u32 s8, $0xFFFFF086  }
0x1c: {  	p1 =	slt.u32 s9, $0xF7A;
	s5 =	simm.s32 @!p2 $0x0  }
0x1d: {  	s5 =	simm.s32 @p1 $0x1;
	p0 =	seq.s32 s7, s2  }
0x1e: {  	s7 =	smul.u32 @!p0 $0xF7A, s2;
	p2 =	seq.s32 @!p0 s5, $0x0  }
0x1f: {  	s9 =	smul.u32 $0xF7A, s1;
	s8 =	simm.s32 @!p0 $0x1BF5;
	p2 =	por !p2, p0  }
0x20: {  	[sflag:s8] =	ssyncset.s32 @!p0 $0xFFFFF086;
	s6 =	sadd.s32 @!p0 s3, s7;
	s7 =	simm.s32 @!p0 $0x108  }
0x21: {  	s3 =	sadd.s32 s3, s9;
	s6 =	sadd.s32 @!p0 $0x88, s6;
	s7 =	simm.s32 @p2 $0x1082  }
0x22: {  	[simem:s7], [sflag:s8] =	dma.local @!p0 [hbm:s6], $0xF7A  }
0x23: {  	s9 =	sor.u32 $0xD0000000, s2;
	s6 =	simm.s32 $0x108;
	_ =	swait.ge @!p0 [sflag:s8], $0x0  }
0x24: {  	s3 =	sadd.s32 $0x88, s3;
	s6 =	simm.s32 @!p1 $0x1082;
	[sflag:s4] =	ssyncset.s32 $0xFFFFF086  }
0x25: {  	[simem:s6], [sflag:s4] =	dma.local [hbm:s3], $0xF7A  }
0x26: {  	[smem:$0x3F9D] =	sst s1;
	(tag) =	ssettag s2;
	_ =	strace s9  }
0x27: {  	s1 =	sld [smem:$0x3FAD]  }
0x28: {  	s2 =	sld [smem:$0x3FAE]  }
0x29: {  	s4 =	sld [smem:$0x3FB0]  }
0x2a: {  	p0 =	seq.s32 s5, $0x0;
	s5 =	sld [smem:$0x3FB1]  }
0x2b: {  	s6 =	sld [smem:$0x3FB2]  }
0x2c: {  	s7 =	sld [smem:$0x3FB3]  }
0x2d: {  	s3 =	simm.s32 $0x108;
	s8 =	sld [smem:$0x3FB4]  }
0x2e: {  	s3 =	simm.s32 @!p0 $0x1082;
	s9 =	sld [smem:$0x3FB5]  }
0x2f: {  	lr =	sadd.s32 s0, s3;
	s0 =	sld [smem:$0x3FAC]  }
0x30: {  	s3 =	sld [smem:$0x3FAF]  }
0x31: {  	[smem:$0x3FB8] =	sst s10  }
0x32: {  	s10 =	sld [smem:$0x3FB6];
	_ =	sdelay $0x3  }
0x33: {  	p0 =	seq.s32 s10, $0x1;
	s10 =	sld [smem:$0x3FB8];
	_ =	sdelay $0x3  }
0x34: {  	[smem:$0x3FB8] =	sst s10  }
0x35: {  	s10 =	sld [smem:$0x3FB7];
	_ =	sdelay $0x3  }
0x36: {  	p1 =	seq.s32 s10, $0x1;
	s10 =	sld [smem:$0x3FB8];
	_ =	sdelay $0x3  }
0x37: {  	[smem:$0x3FB8] =	sst s10  }
0x38: {  	s10 =	sld [smem:$0x3FB9]  }
0x39: {  	_ = 	snop;
	(pc) =	sbr.ind lr, $3  }
0x3a: {  	_ = 	snop  }
0x3b: {  	_ = 	snop  }
0x3c: {  	p2 =	seq.s32 s10, $0x1;
	s10 =	sld [smem:$0x3FB8]  }
0x3d: {  	_ =	shalt  }
0x3e: {  	_ =	shalt  }
0x3f: {  	_ =	shalt  }
0x40: {  	_ =	shalt  }
0x41: {  	_ =	shalt  }
0x42: {  	_ =	shalt  }
0x43: {  	_ =	shalt  }
0x44: {  	_ =	shalt  }
0x45: {  	_ =	shalt  }
0x46: {  	_ =	shalt  }
0x47: {  	_ =	shalt  }
0x48: {  	_ =	shalt  }
0x49: {  	_ =	shalt  }
0x4a: {  	_ =	shalt  }
0x4b: {  	_ =	shalt  }
0x4c: {  	_ =	shalt  }
0x4d: {  	_ =	shalt  }
0x4e: {  	_ =	shalt  }
0x4f: {  	_ =	shalt  }
0x50: {  	_ =	shalt  }
0x51: {  	_ =	shalt  }
0x52: {  	_ =	shalt  }
0x53: {  	_ =	shalt  }
0x54: {  	_ =	shalt  }
0x55: {  	_ =	shalt  }
0x56: {  	_ =	shalt  }
0x57: {  	_ =	shalt  }
0x58: {  	_ =	shalt  }
0x59: {  	_ =	shalt  }
0x5a: {  	_ =	shalt  }
0x5b: {  	_ =	shalt  }
0x5c: {  	_ =	shalt  }
0x5d: {  	_ =	shalt  }
0x5e: {  	_ =	shalt  }
0x5f: {  	_ =	shalt  }
0x60: {  	_ =	shalt  }
0x61: {  	_ =	shalt  }
0x62: {  	_ =	shalt  }
0x63: {  	_ =	shalt  }
0x64: {  	_ =	shalt  }
0x65: {  	_ =	shalt  }
0x66: {  	_ =	shalt  }
0x67: {  	_ =	shalt  }
0x68: {  	_ =	shalt  }
0x69: {  	_ =	shalt  }
0x6a: {  	_ =	shalt  }
0x6b: {  	_ =	shalt  }
0x6c: {  	_ =	shalt  }
0x6d: {  	_ =	shalt  }
0x6e: {  	_ =	shalt  }
0x6f: {  	_ =	shalt  }
0x70: {  	_ =	shalt  }
0x71: {  	_ =	shalt  }
0x72: {  	_ =	shalt  }
0x73: {  	_ =	shalt  }
0x74: {  	_ =	shalt  }
0x75: {  	_ =	shalt  }
0x76: {  	_ =	shalt  }
0x77: {  	_ =	shalt  }
0x78: {  	_ =	shalt  }
0x79: {  	_ =	shalt  }
0x7a: {  	_ =	shalt  }
0x7b: {  	_ =	shalt  }
0x7c: {  	_ =	shalt  }
0x7d: {  	_ =	shalt  }
0x7e: {  	_ =	shalt  }
0x7f: {  	_ =	shalt  }
0x80: {  	_ =	shalt  }
0x81: {  	_ =	shalt  }
0x82: {  	_ =	shalt  }
0x83: {  	_ =	shalt  }
0x84: {  	_ =	shalt  }
0x85: {  	_ =	shalt  }
0x86: {  	_ =	shalt  }
0x87: {  	_ =	shalt  }
.Lfunc_end0:
.L_simem_size_0:
called_computation_lowered:
.L_overlay_start_0:
0x88: {  	s2 =	sld [smem:$0x3FD9]  }
0x89: {  	s3 =	sld [smem:$0x3FFE];
	_ =	sdelay $0x1  }
0x8a: {  	s1 =	srdreg.scid  }
0x8b: {  	s0 =	sand.u32 $0x1, s1  }
0x8c: {  	s17 =	sshll.u32 s0, $0xA;
	s2 =	sadd.s32 s3, s2  }
0x8d: {  	s2 =	sadd.s32 s2, s17  }
0x8e: {  	[smem:$0x3FC4] =	sst s2  }
0x8f: {  	_ = 	snop  }
0x90: {  	s2 =	sld [smem:$0x3FC7]  }
0x91: {  	s18 =	sld [smem:$0x3FC6]  }
0x92: {  	s4 =	sld [smem:$0x3FD0];
	(tm) =	ssettm $0x1  }
0x93: {  	s5 =	sld [smem:$0x3FFB];
	_ =	sdelay $0x3  }
0x94: {  	_ =	strace s5  }
0x95: {  	s5 =	sld [smem:$0x3FFC];
	_ =	sdelay $0x3  }
0x96: {  	_ =	strace s5  }
0x97: {  	s5 =	sld [smem:$0x3FFD];
	_ =	sdelay $0x3  }
0x98: {  	_ =	strace s5  }
0x99: {  	_ =	strace $0x8FFFFFFF  }
0x9a: {  	s19 =	sld [smem:$0x3FDB];
	_ =	sdelay $0x1  }
0x9b: {  	s6 =	simm.s32 $_scs_section_size  }
0x9c: {  	s7 =	simm.s32 $_size__tile_overlayer_lowered;
	s8 =	simm.s32 $_tile_overlayer_lowered  }
0x9d: {  	s22 =	simm.s32 $0x1BFF;
	s21 =	sshll.u32 s8, $0x1;
	s5 =	sadd.s32 s6, s19  }
0x9e: {  	s9 =	simm.s32 $0x0;
	s20 =	sshll.u32 s7, $0x1;
	s7 =	sadd.s32 s21, s5  }
0x9f: {  	[timem:s9], [sflag:s22] =	dma.local [hbm:s7], s20  }
0xa0: {  	_ =	swait.ge [sflag:s22], s20  }
0xa1: {  	s6 =	ssub.s32 $0x0, s20;
	[sflag:s22] =	ssyncset.done $0x0  }
0xa2: {  	[sflag:s22] =	ssyncadd.s32 s6;
	_ =	sdelay $0x1  }
0xa3: {  	s23 =	simm.s32 $0x1B8B  }
0xa4: {  	_ =	swait.ge [sflag:s23], $0x1  }
0xa5: {  	[sflag:s23] =	ssyncset.done $0x0  }
0xa6: {  	s25 =	simm.s32 $0x1B8E;
	s24 =	sld [smem:$0x3FFE];
	[sflag:s23] =	ssyncadd.s32 $0xFFFFFFFF  }
0xa7: {  	s26 =	simm.s32 $execute0_lowered;
	[smem:$0x3FD2] =	sst s25  }
0xa8: {  	s7 =	sshll.u32 s26, $0x1;
	_ =	strace $0x80000046;
	[dreg:$0x1] =	wrdreg $0xFFFFFFFF  }
0xa9: {  	s28 =	simm.s32 $_size_execute0_lowered;
	s5 =	sadd.s32 s5, s7;
	[dreg:$0x0] =	wrdreg $0x0  }
0xaa: {  	s7 =	sshll.u32 s28, $0x1;
	[dreg:$0x2] =	wrdreg s5  }
0xab: {  	[dreg:$0x3] =	wrdreg s7  }
0xac: {  	[dreg:$0x4] =	wrdreg $0xC0  }
0xad: {  	_ =	task [dreg:s9], $0x5FFFF  }
0xae: {  	[dreg:$0x1] =	wrdreg $0xFFFFFFFF  }
0xaf: {  	[dreg:$0x0] =	wrdreg $0x60  }
0xb0: {  	[dreg:$0x2] =	wrdreg s18  }
0xb1: {  	[dreg:$0x3] =	wrdreg s2  }
0xb2: {  	[dreg:$0x4] =	wrdreg s4  }
0xb3: {  	[dreg:$0x5] =	wrdreg s24  }
0xb4: {  	[dreg:$0x6] =	wrdreg $0x9  }
0xb5: {  	_ =	task.clear_ibuf [dreg:s9], $0x7FFFF;
	_ =	strace $0x90000046  }
0xb6: {  	s29 =	simm.s32 $0x9;
	_ =	strace $0x80000048  }
0xb7: {  	_ =	swait.ge [sflag:s29], $0x1  }
0xb8: {  	[sflag:s29] =	ssyncadd.s32 $0xFFFFFFFF  }
0xb9: {  	_ =	strace $0x90000048  }
0xba: {  	_ =	sfence  }
0xbb: {  	s30 =	sld [smem:$0x0];
	_ =	sdelay $0x2  }
0xbc: {  	s31 =	sshll.u32 s1, $0xD;
	s1 =	sshrl.u32 s1, $0x2  }
0xbd: {  	s3 =	sand.u32 $0x4000, s31;
	s1 =	sadd.s32 s1, s30  }
0xbe: {  	s0 =	sor.u32 s3, s0;
	s1 =	sshll.u32 s1, $0x11  }
0xbf: {  	s0 =	sor.u32 s1, s0  }
0xc0: {  	s0 =	sadd.s32 $0x8F2B, s0  }
0xc1: {  	[sflag:s0] =	ssyncadd.remote.s32 $0x1  }
0xc2: {  	_ =	sfence.sel $0xFFFF  }
0xc3: {  	[dreg:$0x0] =	wrdreg $0xFFFFFFFF;
	(pc) =	sbr.abs _section_cstart, $3  }
0xc4: {  	[dreg:$0x1] =	wrdreg $0xFFFFFFFF  }
0xc5: {  	_ =	task.clear_ibuf [dreg:s9], $0x2FFFF;
	_ =	strace $0x9FFFFFFF  }
0xc6: {  	(tm) =	ssettm $0x7FFFFFFF  }
0xc7: {  	_ =	shalt  }
tec
execute0_lowered:
.L_overlay_start_1:
0x0: {  	(tag) =	ssettag $0x1  }
0x1: {  	s0 =	stileid.u32;
	s5 =	rddreg [dreg:$0x0]  }
0x2: {  	s1 =	srdreg.scid;
	s7 =	rddreg [dreg:$0x1]  }
0x3: {  	s8 =	rddreg [dreg:$0x3];
	s15 =	simm.s32 $0x2A00;
	s17 =	simm.s32 $0x2C00  }
0x4: {  	s18 =	simm.s32 $0x2E00;
	s19 =	simm.s32 $0x3000;
	s20 =	simm.s32 $0x3200  }
0x5: {  	s21 =	simm.s32 $0x3400;
	s22 =	simm.s32 $0x3600;
	s23 =	simm.s32 $0x3800  }
0x6: {  	s24 =	simm.s32 $0x0;
	s2 =	sshll.u32 s0, $0x1;
	s6 =	sand.u32 $0x1, s1  }
0x7: {  	s10 =	sshrl.u32 s0, $0x2;
	s26 =	sand.u32 $0x6, s2;
	s2 =	rddreg [dreg:$0x2]  }
0x8: {  	s28 =	sshll.u32 s10, $0xF;
	s14 =	sshll.u32 s10, $0x10;
	s10 =	sshll.u32 s10, $0x11  }
0x9: {  	s3 =	sor.u32 s6, s26;
	s6 =	ssub.s32 $0x2, s6;
	s5 =	sadd.s32 s5, s10  }
0xa: {  	s10 =	simm.s32 $0x1;
	s1 =	sshll.u32 s3, $0x1;
	s11 =	sshll.u32 s3, $0x8  }
0xb: {  	s3 =	simm.s32 $0x0;
	s29 =	sshrl.u32 s6, $0x1;
	s9 =	sor.u32 $0xF0, s1  }
0xc: {  	s1 =	rddreg [dreg:$0x4];
	s11 =	sand.u32 $0x300, s11;
	s4 =	sshll.u32 s9, $0x8  }
0xd: {  	[smem:$0x7FF] =	sst s3;
	s31 =	ssub.s32 s6, s29;
	s12 =	sand.u32 $0xF800, s4  }
0xe: {  	_ =	strace $0x80000047;
	s9 =	sshll.u32 s9, $0x9;
	s4 =	sadd.s32 s28, s12  }
0xf: {  	s5 =	sadd.s32 s9, s5;
	s9 =	simm.s32 $0x2200;
	s4 =	sor.u32 s11, s4  }
0x10: {  	s12 =	sor.u32 s14, s12;
	s14 =	simm.s32 $0x2000;
	s13 =	sadd.s32 $0xFFFF1000, s4  }
0x11: {  	s11 =	sor.u32 s11, s12;
	s12 =	simm.s32 $0x100;
	s13 =	sshrl.u32 s13, $0x3  }
0x12: {  	s4 =	sadd.s32 $0xA00, s8;
	s30 =	sshrl.u32 s11, $0x3;
	s8 =	sadd.s32 s13, s8  }
0x13: {  	s11 =	simm.s32 $0x2600;
	s6 =	sadd.s32 s7, s30;
	s7 =	sadd.s32 $0xC00, s8  }
0x14: {  	s13 =	simm.s32 $0x400;
	s8 =	smax.u32 s31, $0x1;
	s16 =	sadd.s32 $0x200, s7  }
.LBB2_1:
0x15: {  	[tilespmem:s9], [sflag:$0x1] =	stream.linear.gather [hbm4b:s2+s3], $0x400, $0x38;
	[tilespmem:$0x3A00] =	vst v63  }
0x16: {  	_ =	swait.ge [sflag:s10], $0x400  }
0x17: {  	[sflag:s10] =	ssyncset.done $0x0  }
0x18: {  	[sflag:s10] =	ssyncadd.s32 $0xFFFFFC00  }
0x19: {  	[tilespmem:s11], [sflag:$0x1] =	stream.linear.gather [hbm4b:s4+s3], $0x400, $0x38;
	[tilespmem:$0x3A00] =	vst v63  }
0x1a: {  	_ =	swait.ge [sflag:s10], $0x400  }
0x1b: {  	[sflag:s10] =	ssyncset.done $0x0  }
0x1c: {  	[sflag:s10] =	ssyncadd.s32 $0xFFFFFC00  }
0x1d: {  	[tilespmem:s3], [sflag:$0x1] =	stream.linear.gather [hbm4b:s5+s3], $0x2000, $0x38;
	[tilespmem:$0x3A00] =	vst v63  }
0x1e: {  	_ =	swait.ge [sflag:s10], $0x2000  }
0x1f: {  	[sflag:s10] =	ssyncset.done $0x0  }
0x20: {  	[sflag:s10] =	ssyncadd.s32 $0xFFFFE000  }
0x21: {  	[tilespmem:s14], [sflag:$0x1] =	stream.strided.gather [hbm4b:s6+s12], $0x200, s13, s12, $0x38;
	[tilespmem:$0x3A00] =	vst v63  }
0x22: {  	_ =	swait.ge [sflag:s10], $0x200  }
0x23: {  	[sflag:s10] =	ssyncset.done $0x0  }
0x24: {  	p1 =	por $0x1, $0x1;
	s25 =	simm.s32 $0x0;
	[sflag:s10] =	ssyncadd.s32 $0xFFFFFE00  }
.LBB2_2:
0x25: {  	s26 =	sshll.u32 s25, $0x7;
	s31 =	sshll.u32 s25, $0xE;
	p0 =	por p1, p1  }
0x26: {  	s29 =	simm.s32 $0x0;
	p2 =	por $0x1, $0x1;
	s28 =	sand.u32 $0x3FFFFF80, s26  }
0x27: {  	s25 =	sshra.s32 s31, $0x2;
	s26 =	sadd.s32 $0x2A00, s28;
	s28 =	sadd.s32 $0x2000, s28  }
.LBB2_3:
0x28: {  	s30 =	sshll.u32 s29, $0xC  }
0x29: {  	s30 =	sshra.s32 s30, $0x2  }
0x2a: {  	s30 =	sadd.s32 s30, s25  }
0x2b: {  	s29 =	sshll.u32 s29, $0x8;
	s30 =	sadd.s32 $0x800, s30  }
0x2c: {  	s29 =	sand.u32 $0x3FFFFF00, s29;
	v0 =	vmov s30  }
0x2d: {  	s31 =	sadd.s32 s29, s26;
	s29 =	sadd.s32 s29, s28  }
0x2e: {  	v1 =	vmov s29  }
0x2f: {  	p1 =	por p2, p2;
	v49 =	vmov s31;
	s29 =	simm.s32 $0x0;
	[tilespmem:$0x1FFF0] =	vst v1  }
.LBB2_4:
0x30: {  	s30 =	sshra.s32 s29, $0x2  }
0x31: {  	v52 =	vld.idx.msk [tilespmem:v0+s30+$0xFFFFF800 ss:$0x1], $0xffff;
	_ =	sdelay $0x4  }
0x32: {  	v1 =	vand.u32 $0x7F, v52  }
0x33: {  	v2 =	vor.u32 $0x80, v1;
	_ =	sdelay $0x4  }
0x34: {  	v23 =	vld.idx.msk [tilespmem:v2+s11+$0x0], $0xffff;
	v2 =	vor.u32 $0x300, v1;
	_ =	sdelay $0x3  }
0x35: {  	v60 =	vld.idx.msk [tilespmem:v0+s30+$0xFFFFF880 ss:$0x1], $0xffff;
	v3 =	vor.u32 $0x100, v1  }
0x36: {  	v2 =	vld.idx.msk [tilespmem:v2+s11+$0x0], $0xffff;
	_ =	sdelay $0x2  }
0x37: {  	v4 =	vor.u32 $0x180, v1;
	v5 =	vor.u32 $0x200, v1;
	v37 =	vld.idx.msk [tilespmem:v1+s11+$0x0], $0xffff  }
0x38: {  	v6 =	vor.u32 $0x280, v1;
	v21 =	vld.idx.msk [tilespmem:v3+s11+$0x0], $0xffff;
	v1 =	vor.u32 $0x380, v1;
	v3 =	vand.u32 $0x7F, v60  }
0x39: {  	[tilespmem:$0x1FD20] =	vst v2;
	v2 =	vor.u32 $0x100, v3;
	_ =	sdelay $0x3  }
0x3a: {  	v1 =	vld.idx.msk [tilespmem:v1+s11+$0x0], $0xffff  }
0x3b: {  	v22 =	vld.idx.msk [tilespmem:v2+s11+$0x0], $0xffff;
	v2 =	vor.u32 $0x380, v3  }
0x3c: {  	v7 =	vor.u32 $0x280, v3  }
0x3d: {  	v15 =	vld.idx.msk [tilespmem:v6+s11+$0x0], $0xffff  }
0x3e: {  	v6 =	vld.idx.msk [tilespmem:v0+s30+$0xFFFFF900 ss:$0x1], $0xffff  }
0x3f: {  	v20 =	vld.idx.msk [tilespmem:v3+s11+$0x0], $0xffff;
	[tilespmem:$0x1FD70] =	vst v1;
	v1 =	vor.u32 $0x180, v3  }
0x40: {  	v2 =	vld.idx.msk [tilespmem:v2+s11+$0x0], $0xffff  }
0x41: {  	v16 =	vor.u32 $0x80, v3;
	v17 =	vor.u32 $0x200, v3;
	v19 =	vor.u32 $0x300, v3;
	v3 =	vld.idx.msk [tilespmem:v7+s11+$0x0], $0xffff;
	_ =	sdelay $0x2  }
0x42: {  	v26 =	vld.idx.msk [tilespmem:v1+s11+$0x0], $0xffff;
	v1 =	vand.u32 $0x7F, v6  }
0x43: {  	[tilespmem:$0x1FD80] =	vst v2;
	v2 =	vor.u32 $0x180, v1  }
0x44: {  	[tilespmem:$0x1FD30] =	vst v3;
	v3 =	vor.u32 $0x80, v1;
	_ =	sdelay $0x2  }
0x45: {  	v14 =	vld.idx.msk [tilespmem:v1+s11+$0x0], $0xffff  }
0x46: {  	v25 =	vor.u32 $0x100, v1;
	v27 =	vor.u32 $0x200, v1;
	v2 =	vld.idx.msk [tilespmem:v2+s11+$0x0], $0xffff  }
0x47: {  	v8 =	vor.u32 $0x280, v1;
	v18 =	vld.idx.msk [tilespmem:v3+s11+$0x0], $0xffff;
	v3 =	vor.u32 $0x300, v1;
	v1 =	vor.u32 $0x380, v1;
	_ =	sdelay $0x1  }
0x48: {  	v30 =	vld.idx.msk [tilespmem:v5+s11+$0x0], $0xffff  }
0x49: {  	v5 =	vld.idx.msk [tilespmem:v0+s30+$0xFFFFF980 ss:$0x1], $0xffff  }
0x4a: {  	[tilespmem:$0x1FD90] =	vst v2;
	v2 =	vld.idx.msk [tilespmem:v27+s11+$0x0], $0xffff  }
0x4b: {  	v1 =	vld.idx.msk [tilespmem:v1+s11+$0x0], $0xffff;
	_ =	sdelay $0x1  }
0x4c: {  	v62 =	vld.idx.msk [tilespmem:v4+s11+$0x0], $0xffff  }
0x4d: {  	v4 =	vld.idx.msk [tilespmem:v19+s11+$0x0], $0xffff  }
0x4e: {  	v3 =	vld.idx.msk [tilespmem:v3+s11+$0x0], $0xffff;
	[tilespmem:$0x1FDD0] =	vst v2;
	v2 =	vand.u32 $0x7F, v5  }
0x4f: {  	[tilespmem:$0x1FF20] =	vst v1;
	v1 =	vor.u32 $0x180, v2;
	_ =	sdelay $0x2  }
0x50: {  	[tilespmem:$0x1FD40] =	vst v4;
	v4 =	vld.idx.msk [tilespmem:v25+s11+$0x0], $0xffff  }
0x51: {  	[tilespmem:$0x1FEA0] =	vst v3;
	v3 =	vor.u32 $0x100, v2  }
0x52: {  	v29 =	vor.u32 $0x80, v2;
	v31 =	vor.u32 $0x200, v2;
	v1 =	vld.idx.msk [tilespmem:v1+s11+$0x0], $0xffff  }
0x53: {  	v9 =	vor.u32 $0x280, v2;
	v32 =	vor.u32 $0x300, v2;
	v12 =	vld.idx.msk [tilespmem:v2+s11+$0x0], $0xffff;
	v2 =	vor.u32 $0x380, v2;
	_ =	sdelay $0x1  }
0x54: {  	[tilespmem:$0x1FD50] =	vst v4;
	v4 =	vld.idx.msk [tilespmem:v0+s30+$0xFFFFFA00 ss:$0x1], $0xffff  }
0x55: {  	v3 =	vld.idx.msk [tilespmem:v3+s11+$0x0], $0xffff  }
0x56: {  	[tilespmem:$0x1FDA0] =	vst v1;
	v1 =	vld.idx.msk [tilespmem:v31+s11+$0x0], $0xffff  }
0x57: {  	v2 =	vld.idx.msk [tilespmem:v2+s11+$0x0], $0xffff;
	_ =	sdelay $0x2  }
0x58: {  	[tilespmem:$0x1FD60] =	vst v3  }
0x59: {  	v3 =	vld.idx.msk [tilespmem:v9+s11+$0x0], $0xffff;
	[tilespmem:$0x1FDF0] =	vst v1;
	v1 =	vand.u32 $0x7F, v4  }
0x5a: {  	[tilespmem:$0x1FF40] =	vst v2;
	v2 =	vor.u32 $0x180, v1;
	_ =	sdelay $0x2  }
0x5b: {  	v24 =	vld.idx.msk [tilespmem:v16+s11+$0x0], $0xffff  }
0x5c: {  	[tilespmem:$0x1FE50] =	vst v3;
	v3 =	vld.idx.msk [tilespmem:v32+s11+$0x0], $0xffff  }
0x5d: {  	v35 =	vor.u32 $0x200, v1;
	v2 =	vld.idx.msk [tilespmem:v2+s11+$0x0], $0xffff  }
0x5e: {  	v56 =	vld.idx.msk [tilespmem:v17+s11+$0x0], $0xffff;
	v33 =	vor.u32 $0x80, v1;
	v34 =	vor.u32 $0x100, v1  }
0x5f: {  	v10 =	vor.u32 $0x280, v1;
	v36 =	vor.u32 $0x300, v1;
	v16 =	vld.idx.msk [tilespmem:v1+s11+$0x0], $0xffff;
	v1 =	vor.u32 $0x380, v1  }
0x60: {  	v28 =	vld.idx.msk [tilespmem:v8+s11+$0x0], $0xffff  }
0x61: {  	[tilespmem:$0x1FEC0] =	vst v3;
	v3 =	vld.idx.msk [tilespmem:v0+s30+$0xFFFFFA80 ss:$0x1], $0xffff  }
0x62: {  	[tilespmem:$0x1FDB0] =	vst v2;
	v2 =	vld.idx.msk [tilespmem:v35+s11+$0x0], $0xffff  }
0x63: {  	[tilespmem:$0x1FD10] =	vst v15;
	v15 =	vld.idx.msk [tilespmem:v29+s11+$0x0], $0xffff  }
0x64: {  	v1 =	vld.idx.msk [tilespmem:v1+s11+$0x0], $0xffff  }
0x65: {  	v32 =	vld.idx.msk [tilespmem:v0+s30+$0x0 ss:$0x1], $0xffff  }
0x66: {  	v13 =	vld.idx.msk [tilespmem:v33+s11+$0x0], $0xffff  }
0x67: {  	v50 =	vld.idx.msk [tilespmem:v34+s11+$0x0], $0xffff;
	[tilespmem:$0x1FE10] =	vst v2;
	v2 =	vand.u32 $0x7F, v3  }
0x68: {  	v38 =	vld.idx.msk [tilespmem:v10+s11+$0x0], $0xffff;
	v42 =	vor.u32 $0x200, v2  }
0x69: {  	[tilespmem:$0x1FF60] =	vst v1;
	v1 =	vld.idx.msk [tilespmem:v0+s30+$0xFFFFFB00 ss:$0x1], $0xffff;
	v39 =	vor.u32 $0x80, v2  }
0x6a: {  	v8 =	vld.idx.msk [tilespmem:v36+s11+$0x0], $0xffff;
	v40 =	vor.u32 $0x100, v2  }
0x6b: {  	v35 =	vld.idx.msk [tilespmem:v0+s30+$0x80 ss:$0x1], $0xffff;
	v41 =	vor.u32 $0x180, v2  }
0x6c: {  	v45 =	vor.u32 $0x380, v2;
	v11 =	vld.idx.msk [tilespmem:v2+s11+$0x0], $0xffff  }
0x6d: {  	v17 =	vor.u32 $0x280, v2;
	v43 =	vor.u32 $0x300, v2;
	v2 =	vld.idx.msk [tilespmem:v42+s11+$0x0], $0xffff  }
0x6e: {  	v46 =	vand.u32 $0x7F, v1;
	v33 =	vld.idx.msk [tilespmem:v39+s11+$0x0], $0xffff  }
0x6f: {  	v47 =	vor.u32 $0x80, v46;
	v54 =	vld.idx.msk [tilespmem:v40+s11+$0x0], $0xffff  }
0x70: {  	v48 =	vor.u32 $0x100, v46;
	v44 =	vld.idx.msk [tilespmem:v41+s11+$0x0], $0xffff  }
0x71: {  	[tilespmem:$0x1FEE0] =	vst v8;
	v51 =	vor.u32 $0x200, v46;
	v8 =	vld.idx.msk [tilespmem:v45+s11+$0x0], $0xffff  }
0x72: {  	[tilespmem:$0x1FE20] =	vst v2;
	v2 =	vld.idx.msk [tilespmem:v17+s11+$0x0], $0xffff  }
0x73: {  	v25 =	vor.u32 $0x280, v46;
	v10 =	vld.idx.msk [tilespmem:v46+s11+$0x0], $0xffff  }
0x74: {  	v53 =	vor.u32 $0x300, v46;
	v45 =	vand.u32 $0x7F, v32;
	v29 =	vld.idx.msk [tilespmem:v47+s11+$0x0], $0xffff  }
0x75: {  	v23 =	vadd.f32 $0.0e+00, v23;
	[tilespmem:$0x1FE30] =	vst v28;
	v28 =	vor.u32 $0x100, v45;
	v57 =	vld.idx.msk [tilespmem:v48+s11+$0x0], $0xffff  }
0x76: {  	v37 =	vadd.f32 $0.0e+00, v37;
	[tilespmem:$0x1FF80] =	vst v8;
	v8 =	vld.idx.msk [tilespmem:v51+s11+$0x0], $0xffff;
	v51 =	vor.u32 $0x300, v45  }
0x77: {  	v23 =	vadd.f32 v24, v23;
	[tilespmem:$0x1FE90] =	vst v2;
	v2 =	vld.idx.msk [tilespmem:v43+s11+$0x0], $0xffff  }
0x78: {  	v20 =	vadd.f32 v20, v37;
	[tilespmem:$0x1FE70] =	vst v38;
	v19 =	vor.u32 $0x180, v46;
	v38 =	vld.idx.msk [tilespmem:v25+s11+$0x0], $0xffff  }
0x79: {  	v23 =	vadd.f32 v18, v23;
	v58 =	vor.u32 $0x380, v46;
	v17 =	vld.idx.msk [tilespmem:v53+s11+$0x0], $0xffff  }
0x7a: {  	v20 =	vadd.f32 v14, v20;
	v34 =	vand.u32 $0x7F, v35;
	v63 =	vld.idx.msk [tilespmem:v28+s11+$0x0], $0xffff  }
0x7b: {  	v15 =	vadd.f32 v15, v23;
	v28 =	vld.idx.msk [tilespmem:v51+s11+$0x0], $0xffff;
	v51 =	vor.u32 $0x300, v34  }
0x7c: {  	v20 =	vadd.f32 v12, v20;
	v31 =	vor.u32 $0x200, v45;
	[tilespmem:$0x1FF00] =	vst v2;
	v2 =	vld.idx.msk [tilespmem:v0+s30+$0xFFFFFB80 ss:$0x1], $0xffff  }
0x7d: {  	v15 =	vadd.f32 v13, v15;
	v55 =	vld.idx.msk [tilespmem:v19+s11+$0x0], $0xffff  }
0x7e: {  	v16 =	vadd.f32 v16, v20;
	v7 =	vld.idx.msk [tilespmem:v58+s11+$0x0], $0xffff;
	v47 =	vor.u32 $0x180, v45  }
0x7f: {  	v15 =	vadd.f32 v33, v15;
	v33 =	vld [tilespmem:$0x1FD50];
	[tilespmem:$0x1FF30] =	vst v17;
	v17 =	vor.u32 $0x380, v45  }
0x80: {  	v11 =	vadd.f32 v11, v16;
	[tilespmem:$0x1FEB0] =	vst v38;
	v38 =	vld.idx.msk [tilespmem:v51+s11+$0x0], $0xffff  }
0x81: {  	v53 =	vld.idx.msk [tilespmem:v31+s11+$0x0], $0xffff;
	v59 =	vand.u32 $0x7F, v2  }
0x82: {  	v10 =	vadd.f32 v10, v11;
	v11 =	vld.idx.msk [tilespmem:v0+s30+$0x300 ss:$0x1], $0xffff;
	v36 =	vor.u32 $0x80, v59  }
0x83: {  	[tilespmem:$0x1FDE0] =	vst v55;
	v55 =	vld.idx.msk [tilespmem:v47+s11+$0x0], $0xffff;
	v39 =	vor.u32 $0x100, v59  }
0x84: {  	v17 =	vld.idx.msk [tilespmem:v17+s11+$0x0], $0xffff;
	v40 =	vor.u32 $0x180, v59  }
0x85: {  	[tilespmem:$0x1FF90] =	vst v38;
	v38 =	vld.idx.msk [tilespmem:v0+s30+$0x180 ss:$0x1], $0xffff;
	v41 =	vor.u32 $0x200, v59  }
0x86: {  	[tilespmem:$0x1FE40] =	vst v8;
	v42 =	vor.u32 $0x280, v59;
	v8 =	vld.idx.msk [tilespmem:v59+s11+$0x0], $0xffff  }
0x87: {  	v9 =	vor.u32 $0x380, v59;
	v27 =	vld.idx.msk [tilespmem:v36+s11+$0x0], $0xffff  }
0x88: {  	v43 =	vor.u32 $0x300, v59;
	v61 =	vld.idx.msk [tilespmem:v39+s11+$0x0], $0xffff  }
0x89: {  	[tilespmem:$0x1FDC0] =	vst v44;
	v44 =	vld.idx.msk [tilespmem:v40+s11+$0x0], $0xffff  }
0x8a: {  	[tilespmem:$0x1FFA0] =	vst v7;
	v59 =	vor.u32 $0x100, v34;
	v7 =	vld.idx.msk [tilespmem:v41+s11+$0x0], $0xffff  }
0x8b: {  	v46 =	vor.u32 $0x80, v45;
	v25 =	vld.idx.msk [tilespmem:v42+s11+$0x0], $0xffff  }
0x8c: {  	v9 =	vld.idx.msk [tilespmem:v9+s11+$0x0], $0xffff  }
0x8d: {  	v48 =	vor.u32 $0x280, v45;
	v19 =	vld.idx.msk [tilespmem:v43+s11+$0x0], $0xffff  }
0x8e: {  	v58 =	vor.u32 $0x80, v34;
	v36 =	vld.idx.msk [tilespmem:v0+s30+$0x100 ss:$0x1], $0xffff  }
0x8f: {  	v40 =	vor.u32 $0x180, v34;
	v31 =	vld.idx.msk [tilespmem:v59+s11+$0x0], $0xffff  }
0x90: {  	v41 =	vor.u32 $0x200, v34;
	[tilespmem:$0x1FED0] =	vst v25;
	v25 =	vld.idx.msk [tilespmem:v46+s11+$0x0], $0xffff  }
0x91: {  	v42 =	vand.u32 $0x7F, v38;
	[tilespmem:$0x1FFB0] =	vst v9;
	v9 =	vld.idx.msk [tilespmem:v45+s11+$0x0], $0xffff  }
0x92: {  	v43 =	vor.u32 $0x80, v42;
	[tilespmem:$0x1FE60] =	vst v7;
	v7 =	vld.idx.msk [tilespmem:v48+s11+$0x0], $0xffff  }
0x93: {  	[tilespmem:$0x1FF50] =	vst v19;
	v19 =	vld.idx.msk [tilespmem:v58+s11+$0x0], $0xffff  }
0x94: {  	[tilespmem:$0x1FE80] =	vst v53;
	v59 =	vld.idx.msk [tilespmem:v40+s11+$0x0], $0xffff;
	v48 =	vor.u32 $0x380, v34  }
0x95: {  	[tilespmem:$0x1FE00] =	vst v44;
	v44 =	vor.u32 $0x280, v34;
	v53 =	vld.idx.msk [tilespmem:v41+s11+$0x0], $0xffff  }
0x96: {  	v45 =	vor.u32 $0x180, v42;
	v46 =	vld.idx.msk [tilespmem:v0+s30+$0x200 ss:$0x1], $0xffff  }
0x97: {  	v58 =	vand.u32 $0x7F, v36;
	v43 =	vld.idx.msk [tilespmem:v43+s11+$0x0], $0xffff  }
0x98: {  	v41 =	vor.u32 $0x80, v58;
	[tilespmem:$0x1FEF0] =	vst v7;
	v7 =	vld.idx.msk [tilespmem:v34+s11+$0x0], $0xffff  }
0x99: {  	v21 =	vadd.f32 $0.0e+00, v21;
	[tilespmem:$0x1FF70] =	vst v28;
	v34 =	vor.u32 $0x100, v58;
	v28 =	vld.idx.msk [tilespmem:v48+s11+$0x0], $0xffff  }
0x9a: {  	v40 =	vld.idx.msk [tilespmem:v44+s11+$0x0], $0xffff;
	v44 =	vor.u32 $0x180, v58  }
0x9b: {  	v21 =	vadd.f32 v22, v21;
	v22 =	vld.idx.msk [tilespmem:v45+s11+$0x0], $0xffff  }
0x9c: {  	v51 =	vor.u32 $0x200, v58;
	v45 =	vld.idx.msk [tilespmem:v42+s11+$0x0], $0xffff  }
0x9d: {  	[tilespmem:$0x1FFC0] =	vst v17;
	v39 =	vor.u32 $0x280, v58;
	v17 =	vld.idx.msk [tilespmem:v41+s11+$0x0], $0xffff  }
0x9e: {  	v15 =	vadd.f32 v29, v15;
	v48 =	vor.u32 $0x280, v42;
	[tilespmem:$0x1FFD0] =	vst v28;
	v28 =	vld.idx.msk [tilespmem:v34+s11+$0x0], $0xffff  }
0x9f: {  	v41 =	vor.u32 $0x380, v58;
	v34 =	vld.idx.msk [tilespmem:v44+s11+$0x0], $0xffff  }
0xa0: {  	v15 =	vadd.f32 v27, v15;
	v44 =	vld.idx.msk [tilespmem:v58+s11+$0x0], $0xffff  }
0xa1: {  	v24 =	vadd.f32 $0.0e+00, v62;
	v62 =	vand.u32 $0x7F, v46;
	[tilespmem:$0x1FF10] =	vst v40;
	v40 =	vor.u32 $0x300, v58;
	v58 =	vld.idx.msk [tilespmem:v51+s11+$0x0], $0xffff  }
0xa2: {  	v15 =	vadd.f32 v25, v15;
	v51 =	vld.idx.msk [tilespmem:v39+s11+$0x0], $0xffff;
	v39 =	vor.u32 $0x100, v42  }
0xa3: {  	v10 =	vadd.f32 v8, v10;
	v18 =	vld.idx.msk [tilespmem:v48+s11+$0x0], $0xffff  }
0xa4: {  	v15 =	vadd.f32 v19, v15;
	v41 =	vld.idx.msk [tilespmem:v41+s11+$0x0], $0xffff  }
0xa5: {  	v47 =	vor.u32 $0x200, v42;
	v9 =	vadd.f32 v9, v10;
	v48 =	vld.idx.msk [tilespmem:v0+s30+$0x280 ss:$0x1], $0xffff  }
0xa6: {  	v20 =	vld.idx.msk [tilespmem:v62+s11+$0x0], $0xffff;
	v15 =	vadd.f32 v17, v15  }
0xa7: {  	v7 =	vadd.f32 v7, v9;
	v37 =	vld.idx.msk [tilespmem:v39+s11+$0x0], $0xffff;
	v39 =	vor.u32 $0x300, v42  }
0xa8: {  	v24 =	vadd.f32 v26, v24;
	v15 =	vadd.f32 v43, v15;
	v43 =	vld [tilespmem:$0x1FE00];
	v42 =	vor.u32 $0x380, v42  }
0xa9: {  	v26 =	vor.u32 $0x100, v62;
	v7 =	vadd.f32 v44, v7;
	v44 =	vld [tilespmem:$0x1FFF0];
	[tilespmem:$0x1FFE0] =	vst v41;
	v41 =	vadd.f32 $0.0e+00, v30  }
0xaa: {  	v23 =	vor.u32 $0x200, v62;
	v30 =	vld.idx.msk [tilespmem:v47+s11+$0x0], $0xffff;
	v47 =	vor.u32 $0x80, v62  }
0xab: {  	v40 =	vld.idx.msk [tilespmem:v40+s11+$0x0], $0xffff;
	v14 =	vadd.f32 v56, v41;
	v41 =	vshra.s32 v52, $0x1F;
	v52 =	vshra.s32 v60, $0x1F  }
0xac: {  	v6 =	vshra.s32 v6, $0x1F;
	v60 =	vor.u32 $0x300, v62;
	v12 =	vadd.s32 v52, v41;
	v56 =	vld.idx.msk [tilespmem:v39+s11+$0x0], $0xffff  }
0xad: {  	v5 =	vshra.s32 v5, $0x1F;
	v52 =	vld.idx.msk [tilespmem:v42+s11+$0x0], $0xffff;
	v6 =	vadd.s32 v6, v12  }
0xae: {  	v4 =	vshra.s32 v4, $0x1F;
	v12 =	vld.idx.msk [tilespmem:v26+s11+$0x0], $0xffff;
	v5 =	vadd.s32 v5, v6  }
0xaf: {  	v3 =	vshra.s32 v3, $0x1F;
	v39 =	vor.u32 $0x180, v62;
	v42 =	vld.idx.msk [tilespmem:v47+s11+$0x0], $0xffff;
	v4 =	vadd.s32 v4, v5  }
0xb0: {  	v47 =	vor.u32 $0x280, v62;
	v3 =	vadd.s32 v3, v4;
	v4 =	vld.idx.msk [tilespmem:v23+s11+$0x0], $0xffff  }
0xb1: {  	v1 =	vshra.s32 v1, $0x1F;
	v41 =	vor.u32 $0x380, v62;
	v60 =	vld.idx.msk [tilespmem:v60+s11+$0x0], $0xffff  }
0xb2: {  	v2 =	vshra.s32 v2, $0x1F;
	v26 =	vand.u32 $0x7F, v48;
	v9 =	vld.idx.msk [tilespmem:v44+s30+$0x0 ss:$0x1], $0xffff;
	v1 =	vadd.s32 v1, v3  }
0xb3: {  	v6 =	vor.u32 $0x100, v26;
	v44 =	vld [tilespmem:$0x1FE10];
	v1 =	vadd.s32 v2, v1;
	v2 =	vshra.s32 v32, $0x1F  }
0xb4: {  	v62 =	vor.u32 $0x180, v26;
	v13 =	vld.idx.msk [tilespmem:v39+s11+$0x0], $0xffff;
	v1 =	vadd.s32 v2, v1;
	v2 =	vshra.s32 v35, $0x1F  }
0xb5: {  	v3 =	vld.idx.msk [tilespmem:v47+s11+$0x0], $0xffff;
	v47 =	vshra.s32 v36, $0x1F;
	v2 =	vadd.s32 v2, v1  }
0xb6: {  	v39 =	vor.u32 $0x80, v26;
	v1 =	vld.idx.msk [tilespmem:v41+s11+$0x0], $0xffff;
	v41 =	vshra.s32 v38, $0x1F;
	v2 =	vadd.s32 v47, v2  }
0xb7: {  	v36 =	vld.idx.msk [tilespmem:v0+s30+$0x380 ss:$0x1], $0xffff;
	v47 =	vshra.s32 v46, $0x1F;
	v2 =	vadd.s32 v41, v2  }
0xb8: {  	v48 =	vshra.s32 v48, $0x1F;
	v16 =	vld.idx.msk [tilespmem:v6+s11+$0x0], $0xffff;
	v2 =	vadd.s32 v47, v2  }
0xb9: {  	v32 =	vor.u32 $0x200, v26;
	v46 =	vld.idx.msk [tilespmem:v62+s11+$0x0], $0xffff;
	v62 =	vshra.s32 v11, $0x1F;
	v2 =	vadd.s32 v48, v2  }
0xba: {  	v5 =	vadd.s32 v62, v2;
	v2 =	vld [tilespmem:$0x1FD10]  }
0xbb: {  	v6 =	vor.u32 $0x300, v26;
	v23 =	vld.idx.msk [tilespmem:v39+s11+$0x0], $0xffff;
	v39 =	vand.u32 $0x7F, v11  }
0xbc: {  	v41 =	vld [tilespmem:$0x1FD30];
	v11 =	vor.u32 $0x80, v39  }
0xbd: {  	v38 =	vld.idx.msk [tilespmem:v26+s11+$0x0], $0xffff;
	v29 =	vor.u32 $0x280, v39  }
0xbe: {  	v8 =	vld.idx.msk [tilespmem:v32+s11+$0x0], $0xffff  }
0xbf: {  	v35 =	vor.u32 $0x280, v26;
	v47 =	vadd.f32 $0.0e+00, v2;
	v2 =	vld [tilespmem:$0x1FD20]  }
0xc0: {  	v21 =	vadd.f32 v33, v21;
	v7 =	vadd.f32 v45, v7;
	v6 =	vld.idx.msk [tilespmem:v6+s11+$0x0], $0xffff;
	v62 =	vshra.s32 v36, $0x1F  }
0xc1: {  	v33 =	vand.u32 $0x7F, v36;
	v11 =	vld.idx.msk [tilespmem:v11+s11+$0x0], $0xffff;
	v47 =	vadd.f32 v41, v47;
	v41 =	vadd.s32 v62, v5  }
0xc2: {  	v7 =	vadd.f32 v20, v7;
	v27 =	vor.u32 $0x300, v39;
	v20 =	vld.idx.msk [tilespmem:v29+s11+$0x0], $0xffff;
	v10 =	vadd.s32 $0x10, v41  }
0xc3: {  	v26 =	vor.u32 $0x380, v26;
	v62 =	vld [tilespmem:$0x1FD40];
	v41 =	vcvt.s32.f32 v10  }
0xc4: {  	v32 =	vor.u32 $0x100, v39;
	v48 =	vadd.f32 $0.0e+00, v2;
	v2 =	vld.idx.msk [tilespmem:v35+s11+$0x0], $0xffff  }
0xc5: {  	v35 =	vor.u32 $0x180, v39;
	v36 =	vadd.f32 $9.999999970e-07, v41;
	v41 =	vld [tilespmem:$0x1FD60]  }
0xc6: {  	v29 =	vld.idx.msk [tilespmem:v33+s11+$0x0], $0xffff  }
0xc7: {  	v27 =	vld.idx.msk [tilespmem:v27+s11+$0x0], $0xffff  }
0xc8: {  	v5 =	vld.idx.msk [tilespmem:v26+s11+$0x0], $0xffff;
	v48 =	vadd.f32 v62, v48;
	v62 =	vor.u32 $0x200, v39  }
0xc9: {  	v45 =	vadd.f32 v38, v7;
	v38 =	vor.u32 $0x180, v33;
	v26 =	vld.idx.msk [tilespmem:v32+s11+$0x0], $0xffff  }
0xca: {  	v32 =	vld.idx.msk [tilespmem:v35+s11+$0x0], $0xffff;
	v21 =	vadd.f32 v41, v21  }
0xcb: {  	(erf) = vrcp.f32 v36;
	v36 =	vor.u32 $0x380, v39;
	v35 =	vld.idx.msk [tilespmem:v39+s11+$0x0], $0xffff  }
0xcc: {  	v21 =	vadd.f32 v50, v21;
	v50 =	vld [tilespmem:$0x1FD70]  }
0xcd: {  	v10 =	vld.idx.msk [tilespmem:v62+s11+$0x0], $0xffff;
	v62 =	vor.u32 $0x80, v33  }
0xce: {  	v38 =	vld.idx.msk [tilespmem:v38+s11+$0x0], $0xffff  }
0xcf: {  	v41 =	vld [tilespmem:$0x1FD80]  }
0xd0: {  	v7 =	vld.idx.msk [tilespmem:v36+s11+$0x0], $0xffff;
	v21 =	vadd.f32 v54, v21  }
0xd1: {  	v54 =	vadd.f32 v35, v45;
	v39 =	vadd.f32 $0.0e+00, v50;
	v50 =	vld [tilespmem:$0x1FD90]  }
0xd2: {  	v21 =	vadd.f32 v57, v21;
	v19 =	vld.idx.msk [tilespmem:v62+s11+$0x0], $0xffff  }
0xd3: {  	v57 =	vld [tilespmem:$0x1FDA0];
	v62 =	vor.u32 $0x300, v33;
	v17 =	vadd.f32 v29, v54  }
0xd4: {  	v54 =	vld [tilespmem:$0x1FDB0];
	v21 =	vadd.f32 v61, v21;
	v25 =	vadd.f32 v41, v39;
	v39 =	vor.u32 $0x100, v33  }
0xd5: {  	v15 =	vadd.f32 v42, v15;
	v61 =	vld [tilespmem:$0x1FDC0]  }
0xd6: {  	v36 =	vor.u32 $0x200, v33;
	v21 =	vadd.f32 v63, v21;
	v63 =	vld [tilespmem:$0x1FDE0];
	v24 =	vadd.f32 v50, v24  }
0xd7: {  	v50 =	vld.idx.msk [tilespmem:v9+s9+$0x0], $0xffff  }
0xd8: {  	v15 =	vadd.f32 v23, v15;
	v35 =	vor.u32 $0x280, v33;
	v23 =	vld.idx.msk [tilespmem:v62+s11+$0x0], $0xffff;
	v24 =	vadd.f32 v57, v24  }
0xd9: {  	v33 =	vor.u32 $0x380, v33;
	v29 =	vld.idx.msk [tilespmem:v39+s11+$0x0], $0xffff;
	v39 =	vpop (erf)  }
0xda: {  	v62 =	vld [tilespmem:$0x1FDD0];
	v57 =	vadd.s32 $0x80, v9;
	v17 =	vmul.f32 v39, v17;
	v24 =	vadd.f32 v54, v24  }
0xdb: {  	v36 =	vld.idx.msk [tilespmem:v36+s11+$0x0], $0xffff  }
0xdc: {  	v41 =	vld [tilespmem:$0x1FDF0];
	v17 =	vadd.f32 v50, v17;
	v24 =	vadd.f32 v61, v24  }
0xdd: {  	v21 =	vadd.f32 v31, v21;
	v31 =	vld.idx.msk [tilespmem:v35+s11+$0x0], $0xffff  }
0xde: {  	v11 =	vadd.f32 v11, v15;
	v33 =	vld.idx.msk [tilespmem:v33+s11+$0x0], $0xffff;
	[tilespmem:v49+s30+$0x0 ss:$0x1] =	vst.idx.msk $0xffff, v17;
	v24 =	vadd.f32 v63, v24  }
0xdf: {  	v21 =	vadd.f32 v28, v21;
	v14 =	vadd.f32 v62, v14;
	v17 =	vld.idx.msk [tilespmem:v57+s9+$0x0], $0xffff  }
0xe0: {  	v11 =	vadd.f32 v19, v11;
	v54 =	vld [tilespmem:$0x1FE30];
	v15 =	vadd.f32 v43, v24  }
0xe1: {  	v21 =	vadd.f32 v37, v21;
	v50 =	vld [tilespmem:$0x1FE20];
	v14 =	vadd.f32 v41, v14  }
0xe2: {  	v45 =	vadd.s32 $0x100, v9;
	v11 =	vmul.f32 v39, v11;
	v62 =	vld [tilespmem:$0x1FE70];
	v15 =	vadd.f32 v55, v15  }
0xe3: {  	v12 =	vadd.f32 v12, v21;
	v14 =	vadd.f32 v44, v14;
	v55 =	vld [tilespmem:$0x1FE40]  }
0xe4: {  	v57 =	vld [tilespmem:$0x1FE50];
	v11 =	vadd.f32 v17, v11;
	v15 =	vadd.f32 v59, v15  }
0xe5: {  	v12 =	vadd.f32 v16, v12;
	v59 =	vld [tilespmem:$0x1FE60]  }
0xe6: {  	v63 =	vld [tilespmem:$0x1FE80];
	v14 =	vadd.f32 v50, v14;
	[tilespmem:v49+s30+$0x200 ss:$0x1] =	vst.idx.msk $0xffff, v11;
	v15 =	vadd.f32 v34, v15  }
0xe7: {  	v16 =	vadd.f32 v54, v47;
	v12 =	vadd.f32 v26, v12;
	v61 =	vld.idx.msk [tilespmem:v45+s9+$0x0], $0xffff  }
0xe8: {  	v14 =	vadd.f32 v55, v14;
	v15 =	vadd.f32 v22, v15;
	v22 =	vld [tilespmem:$0x1FE90]  }
0xe9: {  	v28 =	vld [tilespmem:$0x1FEC0];
	v12 =	vadd.f32 v29, v12;
	v11 =	vadd.f32 v57, v16  }
0xea: {  	v24 =	vld [tilespmem:$0x1FEA0];
	v14 =	vadd.f32 v59, v14;
	v13 =	vadd.f32 v13, v15  }
0xeb: {  	v21 =	vadd.s32 $0x180, v9;
	v26 =	vld [tilespmem:$0x1FEB0];
	v12 =	vmul.f32 v39, v12;
	v11 =	vadd.f32 v62, v11  }
0xec: {  	v37 =	vld [tilespmem:$0x1FF00];
	v14 =	vadd.f32 v63, v14;
	v13 =	vadd.f32 v46, v13  }
0xed: {  	v29 =	vld [tilespmem:$0x1FED0];
	v12 =	vadd.f32 v61, v12;
	v11 =	vadd.f32 v22, v11  }
0xee: {  	v14 =	vadd.f32 v53, v14;
	v13 =	vadd.f32 v32, v13;
	v32 =	vld [tilespmem:$0x1FEE0]  }
0xef: {  	v16 =	vadd.f32 v24, v48;
	v34 =	vld [tilespmem:$0x1FEF0];
	[tilespmem:v49+s30+$0x400 ss:$0x1] =	vst.idx.msk $0xffff, v12  }
0xf0: {  	v15 =	vld.idx.msk [tilespmem:v21+s9+$0x0], $0xffff;
	v11 =	vadd.f32 v26, v11;
	v14 =	vadd.f32 v58, v14  }
0xf1: {  	v12 =	vadd.f32 v28, v16;
	v13 =	vadd.f32 v38, v13;
	v38 =	vld [tilespmem:$0x1FF10]  }
0xf2: {  	v43 =	vld [tilespmem:$0x1FF30];
	v11 =	vadd.f32 v29, v11;
	v14 =	vadd.f32 v30, v14  }
0xf3: {  	v42 =	vld [tilespmem:$0x1FF20];
	v13 =	vmul.f32 v39, v13;
	v12 =	vadd.f32 v32, v12  }
0xf4: {  	v35 =	vadd.s32 $0x200, v9;
	v45 =	vld [tilespmem:$0x1FF50];
	v11 =	vadd.f32 v34, v11;
	v4 =	vadd.f32 v4, v14  }
0xf5: {  	v44 =	vld [tilespmem:$0x1FF40];
	v41 =	vadd.f32 v15, v13;
	v12 =	vadd.f32 v37, v12  }
0xf6: {  	v48 =	vld [tilespmem:$0x1FF70];
	v11 =	vadd.f32 v38, v11;
	v4 =	vadd.f32 v8, v4  }
0xf7: {  	v47 =	vld [tilespmem:$0x1FF60];
	v12 =	vadd.f32 v43, v12  }
0xf8: {  	v53 =	vld [tilespmem:$0x1FF90];
	[tilespmem:v49+s30+$0x600 ss:$0x1] =	vst.idx.msk $0xffff, v41;
	v11 =	vadd.f32 v51, v11;
	v4 =	vadd.f32 v10, v4  }
0xf9: {  	v13 =	vadd.f32 v42, v25;
	v46 =	vld.idx.msk [tilespmem:v35+s9+$0x0], $0xffff;
	v10 =	vadd.f32 v45, v12  }
0xfa: {  	v11 =	vadd.f32 v18, v11;
	v4 =	vadd.f32 v36, v4  }
0xfb: {  	v8 =	vadd.f32 v44, v13;
	v51 =	vld [tilespmem:$0x1FF80];
	v10 =	vadd.f32 v48, v10  }
0xfc: {  	v3 =	vadd.f32 v3, v11;
	v4 =	vmul.f32 v4, v39  }
0xfd: {  	v54 =	vld [tilespmem:$0x1FFA0];
	v8 =	vadd.f32 v47, v8;
	v10 =	vadd.f32 v53, v10  }
0xfe: {  	v50 =	vadd.s32 $0x280, v9;
	v2 =	vadd.f32 v2, v3;
	v3 =	vadd.f32 v46, v4;
	_ =	sdelay $0x1  }
0xff: {  	v8 =	vadd.f32 v51, v8;
	v55 =	vadd.f32 v40, v10;
	[tilespmem:v49+s30+$0x800 ss:$0x1] =	vst.idx.msk $0xffff, v3;
	v3 =	vld [tilespmem:$0x1FFB0];
	_ =	sdelay $0x1  }
0x100: {  	v58 =	vld [tilespmem:$0x1FFC0];
	v4 =	vadd.f32 v54, v8;
	v8 =	vadd.f32 v56, v55  }
0x101: {  	v2 =	vadd.f32 v20, v2;
	v57 =	vld.idx.msk [tilespmem:v50+s9+$0x0], $0xffff  }
0x102: {  	v8 =	vadd.f32 v60, v8;
	v60 =	vld [tilespmem:$0x1FFD0]  }
0x103: {  	v2 =	vadd.f32 v31, v2;
	v3 =	vadd.f32 v3, v4  }
0x104: {  	v61 =	vld [tilespmem:$0x1FFE0]  }
0x105: {  	v59 =	vadd.s32 $0x300, v9;
	v2 =	vmul.f32 v2, v39;
	v3 =	vadd.f32 v58, v3  }
0x106: {  	v6 =	vadd.f32 v6, v8  }
0x107: {  	v2 =	vadd.f32 v57, v2;
	v3 =	vadd.f32 v60, v3;
	_ =	sdelay $0x1  }
0x108: {  	v62 =	vadd.f32 v27, v6;
	[tilespmem:v49+s30+$0xA00 ss:$0x1] =	vst.idx.msk $0xffff, v2;
	v3 =	vadd.f32 v61, v3  }
0x109: {  	v2 =	vld.idx.msk [tilespmem:v59+s9+$0x0], $0xffff  }
0x10a: {  	v4 =	vadd.f32 v23, v62;
	v3 =	vadd.f32 v52, v3;
	_ =	sdelay $0x1  }
0x10b: {  	v63 =	vadd.s32 $0x380, v9;
	v1 =	vadd.f32 v1, v3;
	v3 =	vmul.f32 v4, v39;
	_ =	sdelay $0x1  }
0x10c: {  	v1 =	vadd.f32 v5, v1;
	v2 =	vadd.f32 v2, v3;
	_ =	sdelay $0x1  }
0x10d: {  	v1 =	vadd.f32 v7, v1;
	[tilespmem:v49+s30+$0xC00 ss:$0x1] =	vst.idx.msk $0xffff, v2  }
0x10e: {  	v2 =	vld.idx.msk [tilespmem:v63+s9+$0x0], $0xffff  }
0x10f: {  	v1 =	vadd.f32 v33, v1  }
0x110: {  	p2 =	sne.s32 s29, $0x1C0  }
.Ltmp0:
0x111: {  	v1 =	vmul.f32 v1, v39;
	(pc) =	sbr.rel @p2 .LBB2_4-.Ltmp0, $3  }
0x112: {  	_ = 	snop  }
0x113: {  	v1 =	vadd.f32 v2, v1;
	_ =	sdelay $0x1  }
0x114: {  	s29 =	sadd.s32 $0x40, s29;
	[tilespmem:v49+s30+$0xE00 ss:$0x1] =	vst.idx.msk $0xffff, v1  }
.Ltmp1:
0x115: {  	(pc) =	sbr.rel @p1 .LBB2_3-.Ltmp1, $2  }
0x116: {  	_ =	sdelay $0x2  }
0x117: {  	s29 =	simm.s32 $0x1;
	p2 =	por $0x0, $0x0  }
.Ltmp2:
0x118: {  	(pc) =	sbr.rel @p0 .LBB2_2-.Ltmp2, $2  }
0x119: {  	_ =	sdelay $0x2  }
0x11a: {  	s25 =	simm.s32 $0x1;
	p1 =	por $0x0, $0x0  }
0x11b: {  	[hbm4b:s7+s12] =	stream.strided.scatter [tilespmem:s15], [sflag:$0x1], $0x200, s13, s12, $0x38;
	[tilespmem:$0x3A00] =	vst v63  }
0x11c: {  	_ = 	snop  }
0x11d: {  	[hbm4b:s16+s12] =	stream.strided.scatter [tilespmem:s17], [sflag:$0x1], $0x200, s13, s12, $0x38;
	[tilespmem:$0x3A00] =	vst v63  }
0x11e: {  	s25 =	sadd.s32 $0x400, s7  }
0x11f: {  	[hbm4b:s25+s12] =	stream.strided.scatter [tilespmem:s18], [sflag:$0x1], $0x200, s13, s12, $0x38;
	[tilespmem:$0x3A00] =	vst v63  }
0x120: {  	s26 =	sadd.s32 $0x600, s7  }
0x121: {  	[hbm4b:s26+s12] =	stream.strided.scatter [tilespmem:s19], [sflag:$0x1], $0x200, s13, s12, $0x38;
	[tilespmem:$0x3A00] =	vst v63  }
0x122: {  	s28 =	sadd.s32 $0x800, s7  }
0x123: {  	[hbm4b:s28+s12] =	stream.strided.scatter [tilespmem:s20], [sflag:$0x1], $0x200, s13, s12, $0x38;
	[tilespmem:$0x3A00] =	vst v63  }
0x124: {  	s29 =	sadd.s32 $0xA00, s7;
	s24 =	sadd.s32 $0x1, s24  }
0x125: {  	[hbm4b:s29+s12] =	stream.strided.scatter [tilespmem:s21], [sflag:$0x1], $0x200, s13, s12, $0x38;
	[tilespmem:$0x3A00] =	vst v63  }
0x126: {  	s30 =	sadd.s32 $0xC00, s7;
	p0 =	sne.s32 s24, s8  }
0x127: {  	[hbm4b:s30+s12] =	stream.strided.scatter [tilespmem:s22], [sflag:$0x1], $0x200, s13, s12, $0x38;
	[tilespmem:$0x3A00] =	vst v63  }
.Ltmp3:
0x128: {  	s31 =	sadd.s32 $0xE00, s7;
	(pc) =	sbr.rel @p0 .LBB2_1-.Ltmp3, $4  }
0x129: {  	[hbm4b:s31+s12] =	stream.strided.scatter [tilespmem:s23], [sflag:$0x1], $0x200, s13, s12, $0x38;
	[tilespmem:$0x3A00] =	vst v63  }
0x12a: {  	_ =	swait.ge [sflag:s10], $0x1000  }
0x12b: {  	[sflag:s10] =	ssyncset.done $0x0  }
0x12c: {  	[sflag:s10] =	ssyncadd.s32 $0xFFFFF000  }
0x12d: {  	_ =	sfence.sel $0x180000  }
0x12e: {  	[bflag:$0x0] =	sbarrier.arrive $0xFFFF  }
0x12f: {  	p0 =	sne.s32 s0, $0x0;
	_ =	strace $0x90000047  }
0x130: {  	s0 =	sadd.s32 @!p0 $0x100000, s1;
	[bflag:$0x2] =	sbarrier.arrive $0xFFFF  }
0x131: {  	[sflag:s0] =	ssyncadd.tile.s32 @!p0 $0x1;
	_ =	shalt  }
.Lfunc_end2:
_tile_overlayer_lowered:
.L_overlay_start_2:
0x132: {  	(tag) =	ssettag $0x2  }
0x133: {  	s0 =	rddreg [dreg:$0x0];
	s2 =	stileid.u32  }
0x134: {  	s1 =	rddreg [dreg:$0x1];
	p0 =	sne.s32 s2, $0x0  }
0x135: {  	s3 =	rddreg [dreg:$0x2];
	[bflag:$0x3] =	sbarrier.arrive $0xFFFF;
	s2 =	simm.s32 @!p0 $0x1C01  }
0x136: {  	[timem:s3], [sflag:s2] =	dma.local @!p0 [hbm:s0], s1  }
0x137: {  	s0 =	simm.s32 @!p0 $0x1  }
0x138: {  	_ =	swait.ge @!p0 [sflag:s0], s1  }
0x139: {  	s1 =	ssub.s32 @!p0 $0x0, s1;
	[sflag:s0] =	ssyncset.done @!p0 $0x0  }
0x13a: {  	[sflag:s0] =	ssyncadd.s32 @!p0 s1  }
0x13b: {  	[bflag:$0x3] =	sbarrier.arrive $0xFFFF  }
0x13c: {  	_ =	shalt  }

</sc_bundles>
